<compile_context>
chip_gen: v7x
topology: tpu7x:2x2x1
jax: 0.10.2.dev20260603
libtpu: 0.0.44.dev20260713+nightly
codegen_flags: <defaults>
</compile_context>

<pallas_src>
import functools

import jax
import jax.numpy as jnp
from jax import lax
from jax.experimental import pallas as pl
from jax.experimental.pallas import tpu as pltpu
from jax.experimental.pallas import tpu_sc as plsc

N_NODES = 16384
N_EDGES = 16384
EMBED_DIM = 32
LANES = 16


@functools.lru_cache(maxsize=None)
def _build_mf_kernel():
    info = plsc.get_sparse_core_info()
    nc, ns = info.num_cores, info.num_subcores
    nw = nc * ns
    epw = N_EDGES // nw
    n_chunks = epw // 128

    mesh = plsc.VectorSubcoreMesh(core_axis_name="c", subcore_axis_name="s")

    @functools.partial(
        pl.kernel,
        mesh=mesh,
        out_type=(
            jax.ShapeDtypeStruct((N_EDGES,), jnp.float32),
            jax.ShapeDtypeStruct((N_EDGES,), jnp.float32),
        ),
        scratch_types=[
            pltpu.VMEM((N_NODES,), jnp.int32),
            pltpu.VMEM((N_NODES,), jnp.int32),
            pltpu.VMEM((epw,), jnp.int32),
            pltpu.VMEM((epw,), jnp.int32),
            pltpu.VMEM((n_chunks, 128), jnp.int32),
            pltpu.VMEM((n_chunks, 128), jnp.int32),
            pltpu.VMEM((epw, EMBED_DIM), jnp.float32),
            pltpu.VMEM((epw, EMBED_DIM), jnp.float32),
            pltpu.VMEM((epw,), jnp.float32),
            pltpu.SemaphoreType.DMA,
        ],
        compiler_params=pltpu.CompilerParams(
            needs_layout_passes=False, use_tc_tiling_on_sc=False),
    )
    def mf(ut_ref, it_ref, uidx_ref, iidx_ref, ps_ref, pd_ref, nsrc_ref,
           nd_ref, pos_out, neg_out, uidx_v, iidx_v, src_v, dst_v,
           gid_u, gid_i, urows, irows, scores_v, sem):
        wid = lax.axis_index("s") * nc + lax.axis_index("c")
        base = wid * epw
        iota16 = lax.iota(jnp.int32, LANES)

        pltpu.sync_copy(uidx_ref, uidx_v)
        pltpu.sync_copy(iidx_ref, iidx_v)

        for s_hbm, d_hbm, o_hbm in ((ps_ref, pd_ref, pos_out),
                                    (nsrc_ref, nd_ref, neg_out)):
            pltpu.sync_copy(s_hbm.at[pl.ds(base, epw)], src_v)
            pltpu.sync_copy(d_hbm.at[pl.ds(base, epw)], dst_v)

            for c in range(epw // LANES):
                s = src_v[pl.ds(c * LANES, LANES)]
                d = dst_v[pl.ds(c * LANES, LANES)]
                gu = plsc.load_gather(uidx_v, [s])
                gi = plsc.load_gather(iidx_v, [d])
                r, off = divmod(c * LANES, 128)
                gid_u[r, pl.ds(off, LANES)] = gu
                gid_i[r, pl.ds(off, LANES)] = gi

            copies = []
            for j in range(n_chunks):
                copies.append(pltpu.async_copy(
                    ut_ref.at[gid_u.at[j]],
                    urows.at[pl.ds(j * 128, 128)], sem))
                copies.append(pltpu.async_copy(
                    it_ref.at[gid_i.at[j]],
                    irows.at[pl.ds(j * 128, 128)], sem))
            for cp in copies:
                cp.wait()

            def group_body(g, carry):
                row = g * LANES + iota16
                acc = jnp.zeros((LANES,), jnp.float32)
                for dcol in range(EMBED_DIM):
                    col = jnp.full((LANES,), dcol, jnp.int32)
                    ucol = plsc.load_gather(urows, [row, col])
                    icol = plsc.load_gather(irows, [row, col])
                    acc = acc + ucol * icol
                plsc.store_scatter(scores_v, [row], acc)
                return carry

            lax.fori_loop(0, epw // LANES, group_body, 0)
            pltpu.sync_copy(scores_v, o_hbm.at[pl.ds(base, epw)])

    return mf


def kernel(user_table, item_table, user_idx, item_idx, pos_src, pos_dst,
           neg_src, neg_dst):
    mf = _build_mf_kernel()
    pos, neg = mf(
        user_table, item_table,
        user_idx.astype(jnp.int32), item_idx.astype(jnp.int32),
        pos_src.astype(jnp.int32), pos_dst.astype(jnp.int32),
        neg_src.astype(jnp.int32), neg_dst.astype(jnp.int32),
    )
    return pos.reshape(N_EDGES, 1), neg.reshape(N_EDGES, 1)

# --- scband reference (transcript-rebuilt; emitter-appended) ---
"""Pipeline reference for scband-mfmodel-55731495633505 (READ-ONLY COPY).

The authoritative reference and input builder live on the scoring server;
editing this copy changes nothing except your own understanding.
"""

import jax, jax.numpy as jnp
import numpy as np

USER_NUM = 1000000
ITEM_NUM = 1000000
EMBED_DIM = 32
N_NODES = 16384
N_EDGES = 16384


def setup_inputs(seed: int = 0) -> dict:
    key = jax.random.key(seed)
    k1, k2, k3, k4, k5, k6, k7, k8 = jax.random.split(key, 8)
    # HeteroEmbedding tables, init normal(mean=0, std=0.01) per init_weights
    user_table = jax.random.normal(k1, (USER_NUM, EMBED_DIM), dtype=jnp.float32) * 0.01
    item_table = jax.random.normal(k2, (ITEM_NUM, EMBED_DIM), dtype=jnp.float32) * 0.01
    # input_nodes: sampled global node IDs per ntype (message graph frontier)
    user_idx = jax.random.randint(k3, (N_NODES,), 0, USER_NUM, dtype=jnp.int64)
    item_idx = jax.random.randint(k4, (N_NODES,), 0, ITEM_NUM, dtype=jnp.int64)
    # pos/neg prediction graph edges ('rate': user -> item), local node indices
    pos_src = jax.random.randint(k5, (N_EDGES,), 0, N_NODES, dtype=jnp.int64)
    pos_dst = jax.random.randint(k6, (N_EDGES,), 0, N_NODES, dtype=jnp.int64)
    neg_src = jax.random.randint(k7, (N_EDGES,), 0, N_NODES, dtype=jnp.int64)
    neg_dst = jax.random.randint(k8, (N_EDGES,), 0, N_NODES, dtype=jnp.int64)
    return {
        "user_table": user_table,
        "item_table": item_table,
        "user_idx": user_idx,
        "item_idx": item_idx,
        "pos_src": pos_src,
        "pos_dst": pos_dst,
        "neg_src": neg_src,
        "neg_dst": neg_dst,
    }


def reference(user_table, item_table, user_idx, item_idx, pos_src, pos_dst, neg_src, neg_dst):
    # MFModel.forward (task='Rate'): HeteroEmbedding lookup of sampled node IDs
    u_emb = jnp.take(user_table, user_idx, axis=0)  # [N_NODES, D]
    i_emb = jnp.take(item_table, item_idx, axis=0)  # [N_NODES, D]
    # HeteroDotProductPredictor: fn.u_dot_v('h','h','score') over 'rate' edges
    pos_score = jnp.sum(u_emb[pos_src] * i_emb[pos_dst], axis=-1, keepdims=True)  # [E, 1]
    neg_score = jnp.sum(u_emb[neg_src] * i_emb[neg_dst], axis=-1, keepdims=True)  # [E, 1]
    return (pos_score, neg_score)

if __name__ == "__main__":
    import jax
    _d = setup_inputs()
    print(jax.jit(kernel)(*tuple(_d.values())))

</pallas_src>

<mosaic_0001>
#map = affine_map<(d0, d1) -> (0, 0)>
#map1 = affine_map<(d0, d1) -> (0)>
module attributes {stable_mosaic.version = 14 : i64} {
  func.func @mf(%arg0: i32, %arg1: i32, %arg2: memref<1000000x32xf32, #tpu.memory_space<hbm>>, %arg3: memref<1000000x32xf32, #tpu.memory_space<hbm>>, %arg4: memref<16384xi32, #tpu.memory_space<hbm>>, %arg5: memref<16384xi32, #tpu.memory_space<hbm>>, %arg6: memref<16384xi32, #tpu.memory_space<hbm>>, %arg7: memref<16384xi32, #tpu.memory_space<hbm>>, %arg8: memref<16384xi32, #tpu.memory_space<hbm>>, %arg9: memref<16384xi32, #tpu.memory_space<hbm>>, %arg10: memref<16384xf32, #tpu.memory_space<hbm>>, %arg11: memref<16384xf32, #tpu.memory_space<hbm>>, %arg12: memref<16384xi32, #tpu.memory_space<vmem>>, %arg13: memref<16384xi32, #tpu.memory_space<vmem>>, %arg14: memref<512xi32, #tpu.memory_space<vmem>>, %arg15: memref<512xi32, #tpu.memory_space<vmem>>, %arg16: memref<4x128xi32, #tpu.memory_space<vmem>>, %arg17: memref<4x128xi32, #tpu.memory_space<vmem>>, %arg18: memref<512x32xf32, #tpu.memory_space<vmem>>, %arg19: memref<512x32xf32, #tpu.memory_space<vmem>>, %arg20: memref<512xf32, #tpu.memory_space<vmem>>, %arg21: memref<!tpu.dma_semaphore, #tpu.memory_space<semaphore_mem>>) attributes {dimension_semantics = [#tpu.dimension_semantics<core_parallel>, #tpu.dimension_semantics<subcore_parallel>], iteration_bounds = array<i64: 2, 16>, scalar_prefetch = 0 : i64, scratch_operands = 10 : i64, tpu.core_type = #tpu.core_type<sc_vector_subcore>, window_params = [{transform_indices = #map}, {transform_indices = #map}, {transform_indices = #map1}, {transform_indices = #map1}, {transform_indices = #map1}, {transform_indices = #map1}, {transform_indices = #map1}, {transform_indices = #map1}, {transform_indices = #map1}, {transform_indices = #map1}]} {
    %mul3A = arith.constant 2 : i32
    %mul3A_0 = arith.muli %arg1, %mul3A : i32
    %add3A = arith.addi %mul3A_0, %arg0 : i32
    %mul3A_1 = arith.constant 512 : i32
    %mul3A_2 = arith.muli %add3A, %mul3A_1 : i32
    %iota3A = tpu.iota {dimensions = array<i32: 0>} : vector<16xi32>
    "tpu.region"() ({
      %run_scoped3A = tpu.sem_alloc : memref<!tpu.dma_semaphore, #tpu.memory_space<semaphore_mem>>
      tpu.enqueue_dma source(%arg4 : memref<16384xi32, #tpu.memory_space<hbm>>) target(%arg12 : memref<16384xi32, #tpu.memory_space<vmem>>) target_semaphore(%run_scoped3A : memref<!tpu.dma_semaphore, #tpu.memory_space<semaphore_mem>>)
      tpu.wait_dma2 semaphore(%run_scoped3A : memref<!tpu.dma_semaphore, #tpu.memory_space<semaphore_mem>>) src(%arg4 : memref<16384xi32, #tpu.memory_space<hbm>>) dst(%arg12 : memref<16384xi32, #tpu.memory_space<vmem>>)
      tpu.yield
    }) : () -> ()
    "tpu.region"() ({
      %run_scoped3A = tpu.sem_alloc : memref<!tpu.dma_semaphore, #tpu.memory_space<semaphore_mem>>
      tpu.enqueue_dma source(%arg5 : memref<16384xi32, #tpu.memory_space<hbm>>) target(%arg13 : memref<16384xi32, #tpu.memory_space<vmem>>) target_semaphore(%run_scoped3A : memref<!tpu.dma_semaphore, #tpu.memory_space<semaphore_mem>>)
      tpu.wait_dma2 semaphore(%run_scoped3A : memref<!tpu.dma_semaphore, #tpu.memory_space<semaphore_mem>>) src(%arg5 : memref<16384xi32, #tpu.memory_space<hbm>>) dst(%arg13 : memref<16384xi32, #tpu.memory_space<vmem>>)
      tpu.yield
    }) : () -> ()
    "tpu.region"() ({
      %run_scoped3A = tpu.sem_alloc : memref<!tpu.dma_semaphore, #tpu.memory_space<semaphore_mem>>
      %dma_start3A_1225 = tpu.memref_slice %arg6[%mul3A_2] : memref<16384xi32, #tpu.memory_space<hbm>> -> memref<512xi32, #tpu.memory_space<hbm>>
      %dma_start3A_1226 = tpu.memref_slice %arg6[%mul3A_2] : memref<16384xi32, #tpu.memory_space<hbm>> -> memref<512xi32, #tpu.memory_space<hbm>>
      tpu.enqueue_dma source(%dma_start3A_1226 : memref<512xi32, #tpu.memory_space<hbm>>) target(%arg14 : memref<512xi32, #tpu.memory_space<vmem>>) target_semaphore(%run_scoped3A : memref<!tpu.dma_semaphore, #tpu.memory_space<semaphore_mem>>)
      %dma_wait3A_1227 = tpu.memref_slice %arg6[%mul3A_2] : memref<16384xi32, #tpu.memory_space<hbm>> -> memref<512xi32, #tpu.memory_space<hbm>>
      %dma_wait3A_1228 = tpu.memref_slice %arg6[%mul3A_2] : memref<16384xi32, #tpu.memory_space<hbm>> -> memref<512xi32, #tpu.memory_space<hbm>>
      tpu.wait_dma2 semaphore(%run_scoped3A : memref<!tpu.dma_semaphore, #tpu.memory_space<semaphore_mem>>) src(%dma_wait3A_1228 : memref<512xi32, #tpu.memory_space<hbm>>) dst(%arg14 : memref<512xi32, #tpu.memory_space<vmem>>)
      tpu.yield
    }) : () -> ()
    "tpu.region"() ({
      %run_scoped3A = tpu.sem_alloc : memref<!tpu.dma_semaphore, #tpu.memory_space<semaphore_mem>>
      %dma_start3A_1225 = tpu.memref_slice %arg7[%mul3A_2] : memref<16384xi32, #tpu.memory_space<hbm>> -> memref<512xi32, #tpu.memory_space<hbm>>
      %dma_start3A_1226 = tpu.memref_slice %arg7[%mul3A_2] : memref<16384xi32, #tpu.memory_space<hbm>> -> memref<512xi32, #tpu.memory_space<hbm>>
      tpu.enqueue_dma source(%dma_start3A_1226 : memref<512xi32, #tpu.memory_space<hbm>>) target(%arg15 : memref<512xi32, #tpu.memory_space<vmem>>) target_semaphore(%run_scoped3A : memref<!tpu.dma_semaphore, #tpu.memory_space<semaphore_mem>>)
      %dma_wait3A_1227 = tpu.memref_slice %arg7[%mul3A_2] : memref<16384xi32, #tpu.memory_space<hbm>> -> memref<512xi32, #tpu.memory_space<hbm>>
      %dma_wait3A_1228 = tpu.memref_slice %arg7[%mul3A_2] : memref<16384xi32, #tpu.memory_space<hbm>> -> memref<512xi32, #tpu.memory_space<hbm>>
      tpu.wait_dma2 semaphore(%run_scoped3A : memref<!tpu.dma_semaphore, #tpu.memory_space<semaphore_mem>>) src(%dma_wait3A_1228 : memref<512xi32, #tpu.memory_space<hbm>>) dst(%arg15 : memref<512xi32, #tpu.memory_space<vmem>>)
      tpu.yield
    }) : () -> ()
    %get3A = arith.constant 0 : index
    %get3A_3 = tpu.vector_load %arg14[%get3A] {strides = array<i32>} : memref<512xi32, #tpu.memory_space<vmem>>, vector<16xi32>,
    %get3A_4 = arith.constant 0 : index
    %get3A_5 = tpu.vector_load %arg15[%get3A_4] {strides = array<i32>} : memref<512xi32, #tpu.memory_space<vmem>>, vector<16xi32>,
    %gather3A = tpu.vector_load_idx %arg12[%get3A_3] : memref<16384xi32, #tpu.memory_space<vmem>>[vector<16xi32>], vector<16xi32>,
    %gather3A_6 = tpu.vector_load_idx %arg13[%get3A_5] : memref<16384xi32, #tpu.memory_space<vmem>>[vector<16xi32>], vector<16xi32>,
    %swap3A = arith.constant 0 : i32
    %swap3A_7 = arith.index_cast %swap3A : i32 to index
    %swap3A_8 = arith.constant 0 : index
    %swap3A_9 = tpu.vector_load %arg16[%swap3A_7, %swap3A_8] {strides = array<i32>} : memref<4x128xi32, #tpu.memory_space<vmem>>, vector<16xi32>,
    tpu.vector_store %arg16[%swap3A_7, %swap3A_8], %gather3A {strides = array<i32>} : memref<4x128xi32, #tpu.memory_space<vmem>>, vector<16xi32>,
    %swap3A_10 = arith.constant 0 : i32
    %swap3A_11 = arith.index_cast %swap3A_10 : i32 to index
    %swap3A_12 = arith.constant 0 : index
    %swap3A_13 = tpu.vector_load %arg17[%swap3A_11, %swap3A_12] {strides = array<i32>} : memref<4x128xi32, #tpu.memory_space<vmem>>, vector<16xi32>,
    tpu.vector_store %arg17[%swap3A_11, %swap3A_12], %gather3A_6 {strides = array<i32>} : memref<4x128xi32, #tpu.memory_space<vmem>>, vector<16xi32>,
    %get3A_14 = arith.constant 16 : index
    %get3A_15 = tpu.vector_load %arg14[%get3A_14] {strides = array<i32>} : memref<512xi32, #tpu.memory_space<vmem>>, vector<16xi32>,
    %get3A_16 = arith.constant 16 : index
    %get3A_17 = tpu.vector_load %arg15[%get3A_16] {strides = array<i32>} : memref<512xi32, #tpu.memory_space<vmem>>, vector<16xi32>,
    %gather3A_18 = tpu.vector_load_idx %arg12[%get3A_15] : memref<16384xi32, #tpu.memory_space<vmem>>[vector<16xi32>], vector<16xi32>,
    %gather3A_19 = tpu.vector_load_idx %arg13[%get3A_17] : memref<16384xi32, #tpu.memory_space<vmem>>[vector<16xi32>], vector<16xi32>,
    %swap3A_20 = arith.constant 0 : i32
    %swap3A_21 = arith.index_cast %swap3A_20 : i32 to index
    %swap3A_22 = arith.constant 16 : index
    %swap3A_23 = tpu.vector_load %arg16[%swap3A_21, %swap3A_22] {strides = array<i32>} : memref<4x128xi32, #tpu.memory_space<vmem>>, vector<16xi32>,
    tpu.vector_store %arg16[%swap3A_21, %swap3A_22], %gather3A_18 {strides = array<i32>} : memref<4x128xi32, #tpu.memory_space<vmem>>, vector<16xi32>,
    %swap3A_24 = arith.constant 0 : i32
    %swap3A_25 = arith.index_cast %swap3A_24 : i32 to index
    %swap3A_26 = arith.constant 16 : index
    %swap3A_27 = tpu.vector_load %arg17[%swap3A_25, %swap3A_26] {strides = array<i32>} : memref<4x128xi32, #tpu.memory_space<vmem>>, vector<16xi32>,
    tpu.vector_store %arg17[%swap3A_25, %swap3A_26], %gather3A_19 {strides = array<i32>} : memref<4x128xi32, #tpu.memory_space<vmem>>, vector<16xi32>,
    %get3A_28 = arith.constant 32 : index
    %get3A_29 = tpu.vector_load %arg14[%get3A_28] {strides = array<i32>} : memref<512xi32, #tpu.memory_space<vmem>>, vector<16xi32>,
    %get3A_30 = arith.constant 32 : index
    %get3A_31 = tpu.vector_load %arg15[%get3A_30] {strides = array<i32>} : memref<512xi32, #tpu.memory_space<vmem>>, vector<16xi32>,
    %gather3A_32 = tpu.vector_load_idx %arg12[%get3A_29] : memref<16384xi32, #tpu.memory_space<vmem>>[vector<16xi32>], vector<16xi32>,
    %gather3A_33 = tpu.vector_load_idx %arg13[%get3A_31] : memref<16384xi32, #tpu.memory_space<vmem>>[vector<16xi32>], vector<16xi32>,
    %swap3A_34 = arith.constant 0 : i32
    %swap3A_35 = arith.index_cast %swap3A_34 : i32 to index
    %swap3A_36 = arith.constant 32 : index
    %swap3A_37 = tpu.vector_load %arg16[%swap3A_35, %swap3A_36] {strides = array<i32>} : memref<4x128xi32, #tpu.memory_space<vmem>>, vector<16xi32>,
    tpu.vector_store %arg16[%swap3A_35, %swap3A_36], %gather3A_32 {strides = array<i32>} : memref<4x128xi32, #tpu.memory_space<vmem>>, vector<16xi32>,
    %swap3A_38 = arith.constant 0 : i32
    %swap3A_39 = arith.index_cast %swap3A_38 : i32 to index
    %swap3A_40 = arith.constant 32 : index
    %swap3A_41 = tpu.vector_load %arg17[%swap3A_39, %swap3A_40] {strides = array<i32>} : memref<4x128xi32, #tpu.memory_space<vmem>>, vector<16xi32>,
    tpu.vector_store %arg17[%swap3A_39, %swap3A_40], %gather3A_33 {strides = array<i32>} : memref<4x128xi32, #tpu.memory_space<vmem>>, vector<16xi32>,
    %get3A_42 = arith.constant 48 : index
    %get3A_43 = tpu.vector_load %arg14[%get3A_42] {strides = array<i32>} : memref<512xi32, #tpu.memory_space<vmem>>, vector<16xi32>,
    %get3A_44 = arith.constant 48 : index
    %get3A_45 = tpu.vector_load %arg15[%get3A_44] {strides = array<i32>} : memref<512xi32, #tpu.memory_space<vmem>>, vector<16xi32>,
    %gather3A_46 = tpu.vector_load_idx %arg12[%get3A_43] : memref<16384xi32, #tpu.memory_space<vmem>>[vector<16xi32>], vector<16xi32>,
    %gather3A_47 = tpu.vector_load_idx %arg13[%get3A_45] : memref<16384xi32, #tpu.memory_space<vmem>>[vector<16xi32>], vector<16xi32>,
    %swap3A_48 = arith.constant 0 : i32
    %swap3A_49 = arith.index_cast %swap3A_48 : i32 to index
    %swap3A_50 = arith.constant 48 : index
    %swap3A_51 = tpu.vector_load %arg16[%swap3A_49, %swap3A_50] {strides = array<i32>} : memref<4x128xi32, #tpu.memory_space<vmem>>, vector<16xi32>,
    tpu.vector_store %arg16[%swap3A_49, %swap3A_50], %gather3A_46 {strides = array<i32>} : memref<4x128xi32, #tpu.memory_space<vmem>>, vector<16xi32>,
    %swap3A_52 = arith.constant 0 : i32
    %swap3A_53 = arith.index_cast %swap3A_52 : i32 to index
    %swap3A_54 = arith.constant 48 : index
    %swap3A_55 = tpu.vector_load %arg17[%swap3A_53, %swap3A_54] {strides = array<i32>} : memref<4x128xi32, #tpu.memory_space<vmem>>, vector<16xi32>,
    tpu.vector_store %arg17[%swap3A_53, %swap3A_54], %gather3A_47 {strides = array<i32>} : memref<4x128xi32, #tpu.memory_space<vmem>>, vector<16xi32>,
    %get3A_56 = arith.constant 64 : index
    %get3A_57 = tpu.vector_load %arg14[%get3A_56] {strides = array<i32>} : memref<512xi32, #tpu.memory_space<vmem>>, vector<16xi32>,
    %get3A_58 = arith.constant 64 : index
    %get3A_59 = tpu.vector_load %arg15[%get3A_58] {strides = array<i32>} : memref<512xi32, #tpu.memory_space<vmem>>, vector<16xi32>,
    %gather3A_60 = tpu.vector_load_idx %arg12[%get3A_57] : memref<16384xi32, #tpu.memory_space<vmem>>[vector<16xi32>], vector<16xi32>,
    %gather3A_61 = tpu.vector_load_idx %arg13[%get3A_59] : memref<16384xi32, #tpu.memory_space<vmem>>[vector<16xi32>], vector<16xi32>,
    %swap3A_62 = arith.constant 0 : i32
    %swap3A_63 = arith.index_cast %swap3A_62 : i32 to index
    %swap3A_64 = arith.constant 64 : index
    %swap3A_65 = tpu.vector_load %arg16[%swap3A_63, %swap3A_64] {strides = array<i32>} : memref<4x128xi32, #tpu.memory_space<vmem>>, vector<16xi32>,
    tpu.vector_store %arg16[%swap3A_63, %swap3A_64], %gather3A_60 {strides = array<i32>} : memref<4x128xi32, #tpu.memory_space<vmem>>, vector<16xi32>,
    %swap3A_66 = arith.constant 0 : i32
    %swap3A_67 = arith.index_cast %swap3A_66 : i32 to index
    %swap3A_68 = arith.constant 64 : index
    %swap3A_69 = tpu.vector_load %arg17[%swap3A_67, %swap3A_68] {strides = array<i32>} : memref<4x128xi32, #tpu.memory_space<vmem>>, vector<16xi32>,
    tpu.vector_store %arg17[%swap3A_67, %swap3A_68], %gather3A_61 {strides = array<i32>} : memref<4x128xi32, #tpu.memory_space<vmem>>, vector<16xi32>,
    %get3A_70 = arith.constant 80 : index
    %get3A_71 = tpu.vector_load %arg14[%get3A_70] {strides = array<i32>} : memref<512xi32, #tpu.memory_space<vmem>>, vector<16xi32>,
    %get3A_72 = arith.constant 80 : index
    %get3A_73 = tpu.vector_load %arg15[%get3A_72] {strides = array<i32>} : memref<512xi32, #tpu.memory_space<vmem>>, vector<16xi32>,
    %gather3A_74 = tpu.vector_load_idx %arg12[%get3A_71] : memref<16384xi32, #tpu.memory_space<vmem>>[vector<16xi32>], vector<16xi32>,
    %gather3A_75 = tpu.vector_load_idx %arg13[%get3A_73] : memref<16384xi32, #tpu.memory_space<vmem>>[vector<16xi32>], vector<16xi32>,
    %swap3A_76 = arith.constant 0 : i32
    %swap3A_77 = arith.index_cast %swap3A_76 : i32 to index
    %swap3A_78 = arith.constant 80 : index
    %swap3A_79 = tpu.vector_load %arg16[%swap3A_77, %swap3A_78] {strides = array<i32>} : memref<4x128xi32, #tpu.memory_space<vmem>>, vector<16xi32>,
    tpu.vector_store %arg16[%swap3A_77, %swap3A_78], %gather3A_74 {strides = array<i32>} : memref<4x128xi32, #tpu.memory_space<vmem>>, vector<16xi32>,
    %swap3A_80 = arith.constant 0 : i32
    %swap3A_81 = arith.index_cast %swap3A_80 : i32 to index
    %swap3A_82 = arith.constant 80 : index
    %swap3A_83 = tpu.vector_load %arg17[%swap3A_81, %swap3A_82] {strides = array<i32>} : memref<4x128xi32, #tpu.memory_space<vmem>>, vector<16xi32>,
    tpu.vector_store %arg17[%swap3A_81, %swap3A_82], %gather3A_75 {strides = array<i32>} : memref<4x128xi32, #tpu.memory_space<vmem>>, vector<16xi32>,
    %get3A_84 = arith.constant 96 : index
    %get3A_85 = tpu.vector_load %arg14[%get3A_84] {strides = array<i32>} : memref<512xi32, #tpu.memory_space<vmem>>, vector<16xi32>,
    %get3A_86 = arith.constant 96 : index
    %get3A_87 = tpu.vector_load %arg15[%get3A_86] {strides = array<i32>} : memref<512xi32, #tpu.memory_space<vmem>>, vector<16xi32>,
    %gather3A_88 = tpu.vector_load_idx %arg12[%get3A_85] : memref<16384xi32, #tpu.memory_space<vmem>>[vector<16xi32>], vector<16xi32>,
    %gather3A_89 = tpu.vector_load_idx %arg13[%get3A_87] : memref<16384xi32, #tpu.memory_space<vmem>>[vector<16xi32>], vector<16xi32>,
    %swap3A_90 = arith.constant 0 : i32
    %swap3A_91 = arith.index_cast %swap3A_90 : i32 to index
    %swap3A_92 = arith.constant 96 : index
    %swap3A_93 = tpu.vector_load %arg16[%swap3A_91, %swap3A_92] {strides = array<i32>} : memref<4x128xi32, #tpu.memory_space<vmem>>, vector<16xi32>,
    tpu.vector_store %arg16[%swap3A_91, %swap3A_92], %gather3A_88 {strides = array<i32>} : memref<4x128xi32, #tpu.memory_space<vmem>>, vector<16xi32>,
    %swap3A_94 = arith.constant 0 : i32
    %swap3A_95 = arith.index_cast %swap3A_94 : i32 to index
    %swap3A_96 = arith.constant 96 : index
    %swap3A_97 = tpu.vector_load %arg17[%swap3A_95, %swap3A_96] {strides = array<i32>} : memref<4x128xi32, #tpu.memory_space<vmem>>, vector<16xi32>,
    tpu.vector_store %arg17[%swap3A_95, %swap3A_96], %gather3A_89 {strides = array<i32>} : memref<4x128xi32, #tpu.memory_space<vmem>>, vector<16xi32>,
    %get3A_98 = arith.constant 112 : index
    %get3A_99 = tpu.vector_load %arg14[%get3A_98] {strides = array<i32>} : memref<512xi32, #tpu.memory_space<vmem>>, vector<16xi32>,
    %get3A_100 = arith.constant 112 : index
    %get3A_101 = tpu.vector_load %arg15[%get3A_100] {strides = array<i32>} : memref<512xi32, #tpu.memory_space<vmem>>, vector<16xi32>,
    %gather3A_102 = tpu.vector_load_idx %arg12[%get3A_99] : memref<16384xi32, #tpu.memory_space<vmem>>[vector<16xi32>], vector<16xi32>,
    %gather3A_103 = tpu.vector_load_idx %arg13[%get3A_101] : memref<16384xi32, #tpu.memory_space<vmem>>[vector<16xi32>], vector<16xi32>,
    %swap3A_104 = arith.constant 0 : i32
    %swap3A_105 = arith.index_cast %swap3A_104 : i32 to index
    %swap3A_106 = arith.constant 112 : index
    %swap3A_107 = tpu.vector_load %arg16[%swap3A_105, %swap3A_106] {strides = array<i32>} : memref<4x128xi32, #tpu.memory_space<vmem>>, vector<16xi32>,
    tpu.vector_store %arg16[%swap3A_105, %swap3A_106], %gather3A_102 {strides = array<i32>} : memref<4x128xi32, #tpu.memory_space<vmem>>, vector<16xi32>,
    %swap3A_108 = arith.constant 0 : i32
    %swap3A_109 = arith.index_cast %swap3A_108 : i32 to index
    %swap3A_110 = arith.constant 112 : index
    %swap3A_111 = tpu.vector_load %arg17[%swap3A_109, %swap3A_110] {strides = array<i32>} : memref<4x128xi32, #tpu.memory_space<vmem>>, vector<16xi32>,
    tpu.vector_store %arg17[%swap3A_109, %swap3A_110], %gather3A_103 {strides = array<i32>} : memref<4x128xi32, #tpu.memory_space<vmem>>, vector<16xi32>,
    %get3A_112 = arith.constant 128 : index
    %get3A_113 = tpu.vector_load %arg14[%get3A_112] {strides = array<i32>} : memref<512xi32, #tpu.memory_space<vmem>>, vector<16xi32>,
    %get3A_114 = arith.constant 128 : index
    %get3A_115 = tpu.vector_load %arg15[%get3A_114] {strides = array<i32>} : memref<512xi32, #tpu.memory_space<vmem>>, vector<16xi32>,
    %gather3A_116 = tpu.vector_load_idx %arg12[%get3A_113] : memref<16384xi32, #tpu.memory_space<vmem>>[vector<16xi32>], vector<16xi32>,
    %gather3A_117 = tpu.vector_load_idx %arg13[%get3A_115] : memref<16384xi32, #tpu.memory_space<vmem>>[vector<16xi32>], vector<16xi32>,
    %swap3A_118 = arith.constant 1 : i32
    %swap3A_119 = arith.index_cast %swap3A_118 : i32 to index
    %swap3A_120 = arith.constant 0 : index
    %swap3A_121 = tpu.vector_load %arg16[%swap3A_119, %swap3A_120] {strides = array<i32>} : memref<4x128xi32, #tpu.memory_space<vmem>>, vector<16xi32>,
    tpu.vector_store %arg16[%swap3A_119, %swap3A_120], %gather3A_116 {strides = array<i32>} : memref<4x128xi32, #tpu.memory_space<vmem>>, vector<16xi32>,
    %swap3A_122 = arith.constant 1 : i32
    %swap3A_123 = arith.index_cast %swap3A_122 : i32 to index
    %swap3A_124 = arith.constant 0 : index
    %swap3A_125 = tpu.vector_load %arg17[%swap3A_123, %swap3A_124] {strides = array<i32>} : memref<4x128xi32, #tpu.memory_space<vmem>>, vector<16xi32>,
    tpu.vector_store %arg17[%swap3A_123, %swap3A_124], %gather3A_117 {strides = array<i32>} : memref<4x128xi32, #tpu.memory_space<vmem>>, vector<16xi32>,
    %get3A_126 = arith.constant 144 : index
    %get3A_127 = tpu.vector_load %arg14[%get3A_126] {strides = array<i32>} : memref<512xi32, #tpu.memory_space<vmem>>, vector<16xi32>,
    %get3A_128 = arith.constant 144 : index
    %get3A_129 = tpu.vector_load %arg15[%get3A_128] {strides = array<i32>} : memref<512xi32, #tpu.memory_space<vmem>>, vector<16xi32>,
    %gather3A_130 = tpu.vector_load_idx %arg12[%get3A_127] : memref<16384xi32, #tpu.memory_space<vmem>>[vector<16xi32>], vector<16xi32>,
    %gather3A_131 = tpu.vector_load_idx %arg13[%get3A_129] : memref<16384xi32, #tpu.memory_space<vmem>>[vector<16xi32>], vector<16xi32>,
    %swap3A_132 = arith.constant 1 : i32
    %swap3A_133 = arith.index_cast %swap3A_132 : i32 to index
    %swap3A_134 = arith.constant 16 : index
    %swap3A_135 = tpu.vector_load %arg16[%swap3A_133, %swap3A_134] {strides = array<i32>} : memref<4x128xi32, #tpu.memory_space<vmem>>, vector<16xi32>,
    tpu.vector_store %arg16[%swap3A_133, %swap3A_134], %gather3A_130 {strides = array<i32>} : memref<4x128xi32, #tpu.memory_space<vmem>>, vector<16xi32>,
    %swap3A_136 = arith.constant 1 : i32
    %swap3A_137 = arith.index_cast %swap3A_136 : i32 to index
    %swap3A_138 = arith.constant 16 : index
    %swap3A_139 = tpu.vector_load %arg17[%swap3A_137, %swap3A_138] {strides = array<i32>} : memref<4x128xi32, #tpu.memory_space<vmem>>, vector<16xi32>,
    tpu.vector_store %arg17[%swap3A_137, %swap3A_138], %gather3A_131 {strides = array<i32>} : memref<4x128xi32, #tpu.memory_space<vmem>>, vector<16xi32>,
    %get3A_140 = arith.constant 160 : index
    %get3A_141 = tpu.vector_load %arg14[%get3A_140] {strides = array<i32>} : memref<512xi32, #tpu.memory_space<vmem>>, vector<16xi32>,
    %get3A_142 = arith.constant 160 : index
    %get3A_143 = tpu.vector_load %arg15[%get3A_142] {strides = array<i32>} : memref<512xi32, #tpu.memory_space<vmem>>, vector<16xi32>,
    %gather3A_144 = tpu.vector_load_idx %arg12[%get3A_141] : memref<16384xi32, #tpu.memory_space<vmem>>[vector<16xi32>], vector<16xi32>,
    %gather3A_145 = tpu.vector_load_idx %arg13[%get3A_143] : memref<16384xi32, #tpu.memory_space<vmem>>[vector<16xi32>], vector<16xi32>,
    %swap3A_146 = arith.constant 1 : i32
    %swap3A_147 = arith.index_cast %swap3A_146 : i32 to index
    %swap3A_148 = arith.constant 32 : index
    %swap3A_149 = tpu.vector_load %arg16[%swap3A_147, %swap3A_148] {strides = array<i32>} : memref<4x128xi32, #tpu.memory_space<vmem>>, vector<16xi32>,
    tpu.vector_store %arg16[%swap3A_147, %swap3A_148], %gather3A_144 {strides = array<i32>} : memref<4x128xi32, #tpu.memory_space<vmem>>, vector<16xi32>,
    %swap3A_150 = arith.constant 1 : i32
    %swap3A_151 = arith.index_cast %swap3A_150 : i32 to index
    %swap3A_152 = arith.constant 32 : index
    %swap3A_153 = tpu.vector_load %arg17[%swap3A_151, %swap3A_152] {strides = array<i32>} : memref<4x128xi32, #tpu.memory_space<vmem>>, vector<16xi32>,
    tpu.vector_store %arg17[%swap3A_151, %swap3A_152], %gather3A_145 {strides = array<i32>} : memref<4x128xi32, #tpu.memory_space<vmem>>, vector<16xi32>,
    %get3A_154 = arith.constant 176 : index
    %get3A_155 = tpu.vector_load %arg14[%get3A_154] {strides = array<i32>} : memref<512xi32, #tpu.memory_space<vmem>>, vector<16xi32>,
    %get3A_156 = arith.constant 176 : index
    %get3A_157 = tpu.vector_load %arg15[%get3A_156] {strides = array<i32>} : memref<512xi32, #tpu.memory_space<vmem>>, vector<16xi32>,
    %gather3A_158 = tpu.vector_load_idx %arg12[%get3A_155] : memref<16384xi32, #tpu.memory_space<vmem>>[vector<16xi32>], vector<16xi32>,
    %gather3A_159 = tpu.vector_load_idx %arg13[%get3A_157] : memref<16384xi32, #tpu.memory_space<vmem>>[vector<16xi32>], vector<16xi32>,
    %swap3A_160 = arith.constant 1 : i32
    %swap3A_161 = arith.index_cast %swap3A_160 : i32 to index
    %swap3A_162 = arith.constant 48 : index
    %swap3A_163 = tpu.vector_load %arg16[%swap3A_161, %swap3A_162] {strides = array<i32>} : memref<4x128xi32, #tpu.memory_space<vmem>>, vector<16xi32>,
    tpu.vector_store %arg16[%swap3A_161, %swap3A_162], %gather3A_158 {strides = array<i32>} : memref<4x128xi32, #tpu.memory_space<vmem>>, vector<16xi32>,
    %swap3A_164 = arith.constant 1 : i32
    %swap3A_165 = arith.index_cast %swap3A_164 : i32 to index
    %swap3A_166 = arith.constant 48 : index
    %swap3A_167 = tpu.vector_load %arg17[%swap3A_165, %swap3A_166] {strides = array<i32>} : memref<4x128xi32, #tpu.memory_space<vmem>>, vector<16xi32>,
    tpu.vector_store %arg17[%swap3A_165, %swap3A_166], %gather3A_159 {strides = array<i32>} : memref<4x128xi32, #tpu.memory_space<vmem>>, vector<16xi32>,
    %get3A_168 = arith.constant 192 : index
    %get3A_169 = tpu.vector_load %arg14[%get3A_168] {strides = array<i32>} : memref<512xi32, #tpu.memory_space<vmem>>, vector<16xi32>,
    %get3A_170 = arith.constant 192 : index
    %get3A_171 = tpu.vector_load %arg15[%get3A_170] {strides = array<i32>} : memref<512xi32, #tpu.memory_space<vmem>>, vector<16xi32>,
    %gather3A_172 = tpu.vector_load_idx %arg12[%get3A_169] : memref<16384xi32, #tpu.memory_space<vmem>>[vector<16xi32>], vector<16xi32>,
    %gather3A_173 = tpu.vector_load_idx %arg13[%get3A_171] : memref<16384xi32, #tpu.memory_space<vmem>>[vector<16xi32>], vector<16xi32>,
    %swap3A_174 = arith.constant 1 : i32
    %swap3A_175 = arith.index_cast %swap3A_174 : i32 to index
    %swap3A_176 = arith.constant 64 : index
    %swap3A_177 = tpu.vector_load %arg16[%swap3A_175, %swap3A_176] {strides = array<i32>} : memref<4x128xi32, #tpu.memory_space<vmem>>, vector<16xi32>,
    tpu.vector_store %arg16[%swap3A_175, %swap3A_176], %gather3A_172 {strides = array<i32>} : memref<4x128xi32, #tpu.memory_space<vmem>>, vector<16xi32>,
    %swap3A_178 = arith.constant 1 : i32
    %swap3A_179 = arith.index_cast %swap3A_178 : i32 to index
    %swap3A_180 = arith.constant 64 : index
    %swap3A_181 = tpu.vector_load %arg17[%swap3A_179, %swap3A_180] {strides = array<i32>} : memref<4x128xi32, #tpu.memory_space<vmem>>, vector<16xi32>,
    tpu.vector_store %arg17[%swap3A_179, %swap3A_180], %gather3A_173 {strides = array<i32>} : memref<4x128xi32, #tpu.memory_space<vmem>>, vector<16xi32>,
    %get3A_182 = arith.constant 208 : index
    %get3A_183 = tpu.vector_load %arg14[%get3A_182] {strides = array<i32>} : memref<512xi32, #tpu.memory_space<vmem>>, vector<16xi32>,
    %get3A_184 = arith.constant 208 : index
    %get3A_185 = tpu.vector_load %arg15[%get3A_184] {strides = array<i32>} : memref<512xi32, #tpu.memory_space<vmem>>, vector<16xi32>,
    %gather3A_186 = tpu.vector_load_idx %arg12[%get3A_183] : memref<16384xi32, #tpu.memory_space<vmem>>[vector<16xi32>], vector<16xi32>,
    %gather3A_187 = tpu.vector_load_idx %arg13[%get3A_185] : memref<16384xi32, #tpu.memory_space<vmem>>[vector<16xi32>], vector<16xi32>,
    %swap3A_188 = arith.constant 1 : i32
    %swap3A_189 = arith.index_cast %swap3A_188 : i32 to index
    %swap3A_190 = arith.constant 80 : index
    %swap3A_191 = tpu.vector_load %arg16[%swap3A_189, %swap3A_190] {strides = array<i32>} : memref<4x128xi32, #tpu.memory_space<vmem>>, vector<16xi32>,
    tpu.vector_store %arg16[%swap3A_189, %swap3A_190], %gather3A_186 {strides = array<i32>} : memref<4x128xi32, #tpu.memory_space<vmem>>, vector<16xi32>,
    %swap3A_192 = arith.constant 1 : i32
    %swap3A_193 = arith.index_cast %swap3A_192 : i32 to index
    %swap3A_194 = arith.constant 80 : index
    %swap3A_195 = tpu.vector_load %arg17[%swap3A_193, %swap3A_194] {strides = array<i32>} : memref<4x128xi32, #tpu.memory_space<vmem>>, vector<16xi32>,
    tpu.vector_store %arg17[%swap3A_193, %swap3A_194], %gather3A_187 {strides = array<i32>} : memref<4x128xi32, #tpu.memory_space<vmem>>, vector<16xi32>,
    %get3A_196 = arith.constant 224 : index
    %get3A_197 = tpu.vector_load %arg14[%get3A_196] {strides = array<i32>} : memref<512xi32, #tpu.memory_space<vmem>>, vector<16xi32>,
    %get3A_198 = arith.constant 224 : index
    %get3A_199 = tpu.vector_load %arg15[%get3A_198] {strides = array<i32>} : memref<512xi32, #tpu.memory_space<vmem>>, vector<16xi32>,
    %gather3A_200 = tpu.vector_load_idx %arg12[%get3A_197] : memref<16384xi32, #tpu.memory_space<vmem>>[vector<16xi32>], vector<16xi32>,
    %gather3A_201 = tpu.vector_load_idx %arg13[%get3A_199] : memref<16384xi32, #tpu.memory_space<vmem>>[vector<16xi32>], vector<16xi32>,
    %swap3A_202 = arith.constant 1 : i32
    %swap3A_203 = arith.index_cast %swap3A_202 : i32 to index
    %swap3A_204 = arith.constant 96 : index
    %swap3A_205 = tpu.vector_load %arg16[%swap3A_203, %swap3A_204] {strides = array<i32>} : memref<4x128xi32, #tpu.memory_space<vmem>>, vector<16xi32>,
    tpu.vector_store %arg16[%swap3A_203, %swap3A_204], %gather3A_200 {strides = array<i32>} : memref<4x128xi32, #tpu.memory_space<vmem>>, vector<16xi32>,
    %swap3A_206 = arith.constant 1 : i32
    %swap3A_207 = arith.index_cast %swap3A_206 : i32 to index
    %swap3A_208 = arith.constant 96 : index
    %swap3A_209 = tpu.vector_load %arg17[%swap3A_207, %swap3A_208] {strides = array<i32>} : memref<4x128xi32, #tpu.memory_space<vmem>>, vector<16xi32>,
    tpu.vector_store %arg17[%swap3A_207, %swap3A_208], %gather3A_201 {strides = array<i32>} : memref<4x128xi32, #tpu.memory_space<vmem>>, vector<16xi32>,
    %get3A_210 = arith.constant 240 : index
    %get3A_211 = tpu.vector_load %arg14[%get3A_210] {strides = array<i32>} : memref<512xi32, #tpu.memory_space<vmem>>, vector<16xi32>,
    %get3A_212 = arith.constant 240 : index
    %get3A_213 = tpu.vector_load %arg15[%get3A_212] {strides = array<i32>} : memref<512xi32, #tpu.memory_space<vmem>>, vector<16xi32>,
    %gather3A_214 = tpu.vector_load_idx %arg12[%get3A_211] : memref<16384xi32, #tpu.memory_space<vmem>>[vector<16xi32>], vector<16xi32>,
    %gather3A_215 = tpu.vector_load_idx %arg13[%get3A_213] : memref<16384xi32, #tpu.memory_space<vmem>>[vector<16xi32>], vector<16xi32>,
    %swap3A_216 = arith.constant 1 : i32
    %swap3A_217 = arith.index_cast %swap3A_216 : i32 to index
    %swap3A_218 = arith.constant 112 : index
    %swap3A_219 = tpu.vector_load %arg16[%swap3A_217, %swap3A_218] {strides = array<i32>} : memref<4x128xi32, #tpu.memory_space<vmem>>, vector<16xi32>,
    tpu.vector_store %arg16[%swap3A_217, %swap3A_218], %gather3A_214 {strides = array<i32>} : memref<4x128xi32, #tpu.memory_space<vmem>>, vector<16xi32>,
    %swap3A_220 = arith.constant 1 : i32
    %swap3A_221 = arith.index_cast %swap3A_220 : i32 to index
    %swap3A_222 = arith.constant 112 : index
    %swap3A_223 = tpu.vector_load %arg17[%swap3A_221, %swap3A_222] {strides = array<i32>} : memref<4x128xi32, #tpu.memory_space<vmem>>, vector<16xi32>,
    tpu.vector_store %arg17[%swap3A_221, %swap3A_222], %gather3A_215 {strides = array<i32>} : memref<4x128xi32, #tpu.memory_space<vmem>>, vector<16xi32>,
    %get3A_224 = arith.constant 256 : index
    %get3A_225 = tpu.vector_load %arg14[%get3A_224] {strides = array<i32>} : memref<512xi32, #tpu.memory_space<vmem>>, vector<16xi32>,
    %get3A_226 = arith.constant 256 : index
    %get3A_227 = tpu.vector_load %arg15[%get3A_226] {strides = array<i32>} : memref<512xi32, #tpu.memory_space<vmem>>, vector<16xi32>,
    %gather3A_228 = tpu.vector_load_idx %arg12[%get3A_225] : memref<16384xi32, #tpu.memory_space<vmem>>[vector<16xi32>], vector<16xi32>,
    %gather3A_229 = tpu.vector_load_idx %arg13[%get3A_227] : memref<16384xi32, #tpu.memory_space<vmem>>[vector<16xi32>], vector<16xi32>,
    %swap3A_230 = arith.constant 2 : i32
    %swap3A_231 = arith.index_cast %swap3A_230 : i32 to index
    %swap3A_232 = arith.constant 0 : index
    %swap3A_233 = tpu.vector_load %arg16[%swap3A_231, %swap3A_232] {strides = array<i32>} : memref<4x128xi32, #tpu.memory_space<vmem>>, vector<16xi32>,
    tpu.vector_store %arg16[%swap3A_231, %swap3A_232], %gather3A_228 {strides = array<i32>} : memref<4x128xi32, #tpu.memory_space<vmem>>, vector<16xi32>,
    %swap3A_234 = arith.constant 2 : i32
    %swap3A_235 = arith.index_cast %swap3A_234 : i32 to index
    %swap3A_236 = arith.constant 0 : index
    %swap3A_237 = tpu.vector_load %arg17[%swap3A_235, %swap3A_236] {strides = array<i32>} : memref<4x128xi32, #tpu.memory_space<vmem>>, vector<16xi32>,
    tpu.vector_store %arg17[%swap3A_235, %swap3A_236], %gather3A_229 {strides = array<i32>} : memref<4x128xi32, #tpu.memory_space<vmem>>, vector<16xi32>,
    %get3A_238 = arith.constant 272 : index
    %get3A_239 = tpu.vector_load %arg14[%get3A_238] {strides = array<i32>} : memref<512xi32, #tpu.memory_space<vmem>>, vector<16xi32>,
    %get3A_240 = arith.constant 272 : index
    %get3A_241 = tpu.vector_load %arg15[%get3A_240] {strides = array<i32>} : memref<512xi32, #tpu.memory_space<vmem>>, vector<16xi32>,
    %gather3A_242 = tpu.vector_load_idx %arg12[%get3A_239] : memref<16384xi32, #tpu.memory_space<vmem>>[vector<16xi32>], vector<16xi32>,
    %gather3A_243 = tpu.vector_load_idx %arg13[%get3A_241] : memref<16384xi32, #tpu.memory_space<vmem>>[vector<16xi32>], vector<16xi32>,
    %swap3A_244 = arith.constant 2 : i32
    %swap3A_245 = arith.index_cast %swap3A_244 : i32 to index
    %swap3A_246 = arith.constant 16 : index
    %swap3A_247 = tpu.vector_load %arg16[%swap3A_245, %swap3A_246] {strides = array<i32>} : memref<4x128xi32, #tpu.memory_space<vmem>>, vector<16xi32>,
    tpu.vector_store %arg16[%swap3A_245, %swap3A_246], %gather3A_242 {strides = array<i32>} : memref<4x128xi32, #tpu.memory_space<vmem>>, vector<16xi32>,
    %swap3A_248 = arith.constant 2 : i32
    %swap3A_249 = arith.index_cast %swap3A_248 : i32 to index
    %swap3A_250 = arith.constant 16 : index
    %swap3A_251 = tpu.vector_load %arg17[%swap3A_249, %swap3A_250] {strides = array<i32>} : memref<4x128xi32, #tpu.memory_space<vmem>>, vector<16xi32>,
    tpu.vector_store %arg17[%swap3A_249, %swap3A_250], %gather3A_243 {strides = array<i32>} : memref<4x128xi32, #tpu.memory_space<vmem>>, vector<16xi32>,
    %get3A_252 = arith.constant 288 : index
    %get3A_253 = tpu.vector_load %arg14[%get3A_252] {strides = array<i32>} : memref<512xi32, #tpu.memory_space<vmem>>, vector<16xi32>,
    %get3A_254 = arith.constant 288 : index
    %get3A_255 = tpu.vector_load %arg15[%get3A_254] {strides = array<i32>} : memref<512xi32, #tpu.memory_space<vmem>>, vector<16xi32>,
    %gather3A_256 = tpu.vector_load_idx %arg12[%get3A_253] : memref<16384xi32, #tpu.memory_space<vmem>>[vector<16xi32>], vector<16xi32>,
    %gather3A_257 = tpu.vector_load_idx %arg13[%get3A_255] : memref<16384xi32, #tpu.memory_space<vmem>>[vector<16xi32>], vector<16xi32>,
    %swap3A_258 = arith.constant 2 : i32
    %swap3A_259 = arith.index_cast %swap3A_258 : i32 to index
    %swap3A_260 = arith.constant 32 : index
    %swap3A_261 = tpu.vector_load %arg16[%swap3A_259, %swap3A_260] {strides = array<i32>} : memref<4x128xi32, #tpu.memory_space<vmem>>, vector<16xi32>,
    tpu.vector_store %arg16[%swap3A_259, %swap3A_260], %gather3A_256 {strides = array<i32>} : memref<4x128xi32, #tpu.memory_space<vmem>>, vector<16xi32>,
    %swap3A_262 = arith.constant 2 : i32
    %swap3A_263 = arith.index_cast %swap3A_262 : i32 to index
    %swap3A_264 = arith.constant 32 : index
    %swap3A_265 = tpu.vector_load %arg17[%swap3A_263, %swap3A_264] {strides = array<i32>} : memref<4x128xi32, #tpu.memory_space<vmem>>, vector<16xi32>,
    tpu.vector_store %arg17[%swap3A_263, %swap3A_264], %gather3A_257 {strides = array<i32>} : memref<4x128xi32, #tpu.memory_space<vmem>>, vector<16xi32>,
    %get3A_266 = arith.constant 304 : index
    %get3A_267 = tpu.vector_load %arg14[%get3A_266] {strides = array<i32>} : memref<512xi32, #tpu.memory_space<vmem>>, vector<16xi32>,
    %get3A_268 = arith.constant 304 : index
    %get3A_269 = tpu.vector_load %arg15[%get3A_268] {strides = array<i32>} : memref<512xi32, #tpu.memory_space<vmem>>, vector<16xi32>,
    %gather3A_270 = tpu.vector_load_idx %arg12[%get3A_267] : memref<16384xi32, #tpu.memory_space<vmem>>[vector<16xi32>], vector<16xi32>,
    %gather3A_271 = tpu.vector_load_idx %arg13[%get3A_269] : memref<16384xi32, #tpu.memory_space<vmem>>[vector<16xi32>], vector<16xi32>,
    %swap3A_272 = arith.constant 2 : i32
    %swap3A_273 = arith.index_cast %swap3A_272 : i32 to index
    %swap3A_274 = arith.constant 48 : index
    %swap3A_275 = tpu.vector_load %arg16[%swap3A_273, %swap3A_274] {strides = array<i32>} : memref<4x128xi32, #tpu.memory_space<vmem>>, vector<16xi32>,
    tpu.vector_store %arg16[%swap3A_273, %swap3A_274], %gather3A_270 {strides = array<i32>} : memref<4x128xi32, #tpu.memory_space<vmem>>, vector<16xi32>,
    %swap3A_276 = arith.constant 2 : i32
    %swap3A_277 = arith.index_cast %swap3A_276 : i32 to index
    %swap3A_278 = arith.constant 48 : index
    %swap3A_279 = tpu.vector_load %arg17[%swap3A_277, %swap3A_278] {strides = array<i32>} : memref<4x128xi32, #tpu.memory_space<vmem>>, vector<16xi32>,
    tpu.vector_store %arg17[%swap3A_277, %swap3A_278], %gather3A_271 {strides = array<i32>} : memref<4x128xi32, #tpu.memory_space<vmem>>, vector<16xi32>,
    %get3A_280 = arith.constant 320 : index
    %get3A_281 = tpu.vector_load %arg14[%get3A_280] {strides = array<i32>} : memref<512xi32, #tpu.memory_space<vmem>>, vector<16xi32>,
    %get3A_282 = arith.constant 320 : index
    %get3A_283 = tpu.vector_load %arg15[%get3A_282] {strides = array<i32>} : memref<512xi32, #tpu.memory_space<vmem>>, vector<16xi32>,
    %gather3A_284 = tpu.vector_load_idx %arg12[%get3A_281] : memref<16384xi32, #tpu.memory_space<vmem>>[vector<16xi32>], vector<16xi32>,
    %gather3A_285 = tpu.vector_load_idx %arg13[%get3A_283] : memref<16384xi32, #tpu.memory_space<vmem>>[vector<16xi32>], vector<16xi32>,
    %swap3A_286 = arith.constant 2 : i32
    %swap3A_287 = arith.index_cast %swap3A_286 : i32 to index
    %swap3A_288 = arith.constant 64 : index
    %swap3A_289 = tpu.vector_load %arg16[%swap3A_287, %swap3A_288] {strides = array<i32>} : memref<4x128xi32, #tpu.memory_space<vmem>>, vector<16xi32>,
    tpu.vector_store %arg16[%swap3A_287, %swap3A_288], %gather3A_284 {strides = array<i32>} : memref<4x128xi32, #tpu.memory_space<vmem>>, vector<16xi32>,
    %swap3A_290 = arith.constant 2 : i32
    %swap3A_291 = arith.index_cast %swap3A_290 : i32 to index
    %swap3A_292 = arith.constant 64 : index
    %swap3A_293 = tpu.vector_load %arg17[%swap3A_291, %swap3A_292] {strides = array<i32>} : memref<4x128xi32, #tpu.memory_space<vmem>>, vector<16xi32>,
    tpu.vector_store %arg17[%swap3A_291, %swap3A_292], %gather3A_285 {strides = array<i32>} : memref<4x128xi32, #tpu.memory_space<vmem>>, vector<16xi32>,
    %get3A_294 = arith.constant 336 : index
    %get3A_295 = tpu.vector_load %arg14[%get3A_294] {strides = array<i32>} : memref<512xi32, #tpu.memory_space<vmem>>, vector<16xi32>,
    %get3A_296 = arith.constant 336 : index
    %get3A_297 = tpu.vector_load %arg15[%get3A_296] {strides = array<i32>} : memref<512xi32, #tpu.memory_space<vmem>>, vector<16xi32>,
    %gather3A_298 = tpu.vector_load_idx %arg12[%get3A_295] : memref<16384xi32, #tpu.memory_space<vmem>>[vector<16xi32>], vector<16xi32>,
    %gather3A_299 = tpu.vector_load_idx %arg13[%get3A_297] : memref<16384xi32, #tpu.memory_space<vmem>>[vector<16xi32>], vector<16xi32>,
    %swap3A_300 = arith.constant 2 : i32
    %swap3A_301 = arith.index_cast %swap3A_300 : i32 to index
    %swap3A_302 = arith.constant 80 : index
    %swap3A_303 = tpu.vector_load %arg16[%swap3A_301, %swap3A_302] {strides = array<i32>} : memref<4x128xi32, #tpu.memory_space<vmem>>, vector<16xi32>,
    tpu.vector_store %arg16[%swap3A_301, %swap3A_302], %gather3A_298 {strides = array<i32>} : memref<4x128xi32, #tpu.memory_space<vmem>>, vector<16xi32>,
    %swap3A_304 = arith.constant 2 : i32
    %swap3A_305 = arith.index_cast %swap3A_304 : i32 to index
    %swap3A_306 = arith.constant 80 : index
    %swap3A_307 = tpu.vector_load %arg17[%swap3A_305, %swap3A_306] {strides = array<i32>} : memref<4x128xi32, #tpu.memory_space<vmem>>, vector<16xi32>,
    tpu.vector_store %arg17[%swap3A_305, %swap3A_306], %gather3A_299 {strides = array<i32>} : memref<4x128xi32, #tpu.memory_space<vmem>>, vector<16xi32>,
    %get3A_308 = arith.constant 352 : index
    %get3A_309 = tpu.vector_load %arg14[%get3A_308] {strides = array<i32>} : memref<512xi32, #tpu.memory_space<vmem>>, vector<16xi32>,
    %get3A_310 = arith.constant 352 : index
    %get3A_311 = tpu.vector_load %arg15[%get3A_310] {strides = array<i32>} : memref<512xi32, #tpu.memory_space<vmem>>, vector<16xi32>,
    %gather3A_312 = tpu.vector_load_idx %arg12[%get3A_309] : memref<16384xi32, #tpu.memory_space<vmem>>[vector<16xi32>], vector<16xi32>,
    %gather3A_313 = tpu.vector_load_idx %arg13[%get3A_311] : memref<16384xi32, #tpu.memory_space<vmem>>[vector<16xi32>], vector<16xi32>,
    %swap3A_314 = arith.constant 2 : i32
    %swap3A_315 = arith.index_cast %swap3A_314 : i32 to index
    %swap3A_316 = arith.constant 96 : index
    %swap3A_317 = tpu.vector_load %arg16[%swap3A_315, %swap3A_316] {strides = array<i32>} : memref<4x128xi32, #tpu.memory_space<vmem>>, vector<16xi32>,
    tpu.vector_store %arg16[%swap3A_315, %swap3A_316], %gather3A_312 {strides = array<i32>} : memref<4x128xi32, #tpu.memory_space<vmem>>, vector<16xi32>,
    %swap3A_318 = arith.constant 2 : i32
    %swap3A_319 = arith.index_cast %swap3A_318 : i32 to index
    %swap3A_320 = arith.constant 96 : index
    %swap3A_321 = tpu.vector_load %arg17[%swap3A_319, %swap3A_320] {strides = array<i32>} : memref<4x128xi32, #tpu.memory_space<vmem>>, vector<16xi32>,
    tpu.vector_store %arg17[%swap3A_319, %swap3A_320], %gather3A_313 {strides = array<i32>} : memref<4x128xi32, #tpu.memory_space<vmem>>, vector<16xi32>,
    %get3A_322 = arith.constant 368 : index
    %get3A_323 = tpu.vector_load %arg14[%get3A_322] {strides = array<i32>} : memref<512xi32, #tpu.memory_space<vmem>>, vector<16xi32>,
    %get3A_324 = arith.constant 368 : index
    %get3A_325 = tpu.vector_load %arg15[%get3A_324] {strides = array<i32>} : memref<512xi32, #tpu.memory_space<vmem>>, vector<16xi32>,
    %gather3A_326 = tpu.vector_load_idx %arg12[%get3A_323] : memref<16384xi32, #tpu.memory_space<vmem>>[vector<16xi32>], vector<16xi32>,
    %gather3A_327 = tpu.vector_load_idx %arg13[%get3A_325] : memref<16384xi32, #tpu.memory_space<vmem>>[vector<16xi32>], vector<16xi32>,
    %swap3A_328 = arith.constant 2 : i32
    %swap3A_329 = arith.index_cast %swap3A_328 : i32 to index
    %swap3A_330 = arith.constant 112 : index
    %swap3A_331 = tpu.vector_load %arg16[%swap3A_329, %swap3A_330] {strides = array<i32>} : memref<4x128xi32, #tpu.memory_space<vmem>>, vector<16xi32>,
    tpu.vector_store %arg16[%swap3A_329, %swap3A_330], %gather3A_326 {strides = array<i32>} : memref<4x128xi32, #tpu.memory_space<vmem>>, vector<16xi32>,
    %swap3A_332 = arith.constant 2 : i32
    %swap3A_333 = arith.index_cast %swap3A_332 : i32 to index
    %swap3A_334 = arith.constant 112 : index
    %swap3A_335 = tpu.vector_load %arg17[%swap3A_333, %swap3A_334] {strides = array<i32>} : memref<4x128xi32, #tpu.memory_space<vmem>>, vector<16xi32>,
    tpu.vector_store %arg17[%swap3A_333, %swap3A_334], %gather3A_327 {strides = array<i32>} : memref<4x128xi32, #tpu.memory_space<vmem>>, vector<16xi32>,
    %get3A_336 = arith.constant 384 : index
    %get3A_337 = tpu.vector_load %arg14[%get3A_336] {strides = array<i32>} : memref<512xi32, #tpu.memory_space<vmem>>, vector<16xi32>,
    %get3A_338 = arith.constant 384 : index
    %get3A_339 = tpu.vector_load %arg15[%get3A_338] {strides = array<i32>} : memref<512xi32, #tpu.memory_space<vmem>>, vector<16xi32>,
    %gather3A_340 = tpu.vector_load_idx %arg12[%get3A_337] : memref<16384xi32, #tpu.memory_space<vmem>>[vector<16xi32>], vector<16xi32>,
    %gather3A_341 = tpu.vector_load_idx %arg13[%get3A_339] : memref<16384xi32, #tpu.memory_space<vmem>>[vector<16xi32>], vector<16xi32>,
    %swap3A_342 = arith.constant 3 : i32
    %swap3A_343 = arith.index_cast %swap3A_342 : i32 to index
    %swap3A_344 = arith.constant 0 : index
    %swap3A_345 = tpu.vector_load %arg16[%swap3A_343, %swap3A_344] {strides = array<i32>} : memref<4x128xi32, #tpu.memory_space<vmem>>, vector<16xi32>,
    tpu.vector_store %arg16[%swap3A_343, %swap3A_344], %gather3A_340 {strides = array<i32>} : memref<4x128xi32, #tpu.memory_space<vmem>>, vector<16xi32>,
    %swap3A_346 = arith.constant 3 : i32
    %swap3A_347 = arith.index_cast %swap3A_346 : i32 to index
    %swap3A_348 = arith.constant 0 : index
    %swap3A_349 = tpu.vector_load %arg17[%swap3A_347, %swap3A_348] {strides = array<i32>} : memref<4x128xi32, #tpu.memory_space<vmem>>, vector<16xi32>,
    tpu.vector_store %arg17[%swap3A_347, %swap3A_348], %gather3A_341 {strides = array<i32>} : memref<4x128xi32, #tpu.memory_space<vmem>>, vector<16xi32>,
    %get3A_350 = arith.constant 400 : index
    %get3A_351 = tpu.vector_load %arg14[%get3A_350] {strides = array<i32>} : memref<512xi32, #tpu.memory_space<vmem>>, vector<16xi32>,
    %get3A_352 = arith.constant 400 : index
    %get3A_353 = tpu.vector_load %arg15[%get3A_352] {strides = array<i32>} : memref<512xi32, #tpu.memory_space<vmem>>, vector<16xi32>,
    %gather3A_354 = tpu.vector_load_idx %arg12[%get3A_351] : memref<16384xi32, #tpu.memory_space<vmem>>[vector<16xi32>], vector<16xi32>,
    %gather3A_355 = tpu.vector_load_idx %arg13[%get3A_353] : memref<16384xi32, #tpu.memory_space<vmem>>[vector<16xi32>], vector<16xi32>,
    %swap3A_356 = arith.constant 3 : i32
    %swap3A_357 = arith.index_cast %swap3A_356 : i32 to index
    %swap3A_358 = arith.constant 16 : index
    %swap3A_359 = tpu.vector_load %arg16[%swap3A_357, %swap3A_358] {strides = array<i32>} : memref<4x128xi32, #tpu.memory_space<vmem>>, vector<16xi32>,
    tpu.vector_store %arg16[%swap3A_357, %swap3A_358], %gather3A_354 {strides = array<i32>} : memref<4x128xi32, #tpu.memory_space<vmem>>, vector<16xi32>,
    %swap3A_360 = arith.constant 3 : i32
    %swap3A_361 = arith.index_cast %swap3A_360 : i32 to index
    %swap3A_362 = arith.constant 16 : index
    %swap3A_363 = tpu.vector_load %arg17[%swap3A_361, %swap3A_362] {strides = array<i32>} : memref<4x128xi32, #tpu.memory_space<vmem>>, vector<16xi32>,
    tpu.vector_store %arg17[%swap3A_361, %swap3A_362], %gather3A_355 {strides = array<i32>} : memref<4x128xi32, #tpu.memory_space<vmem>>, vector<16xi32>,
    %get3A_364 = arith.constant 416 : index
    %get3A_365 = tpu.vector_load %arg14[%get3A_364] {strides = array<i32>} : memref<512xi32, #tpu.memory_space<vmem>>, vector<16xi32>,
    %get3A_366 = arith.constant 416 : index
    %get3A_367 = tpu.vector_load %arg15[%get3A_366] {strides = array<i32>} : memref<512xi32, #tpu.memory_space<vmem>>, vector<16xi32>,
    %gather3A_368 = tpu.vector_load_idx %arg12[%get3A_365] : memref<16384xi32, #tpu.memory_space<vmem>>[vector<16xi32>], vector<16xi32>,
    %gather3A_369 = tpu.vector_load_idx %arg13[%get3A_367] : memref<16384xi32, #tpu.memory_space<vmem>>[vector<16xi32>], vector<16xi32>,
    %swap3A_370 = arith.constant 3 : i32
    %swap3A_371 = arith.index_cast %swap3A_370 : i32 to index
    %swap3A_372 = arith.constant 32 : index
    %swap3A_373 = tpu.vector_load %arg16[%swap3A_371, %swap3A_372] {strides = array<i32>} : memref<4x128xi32, #tpu.memory_space<vmem>>, vector<16xi32>,
    tpu.vector_store %arg16[%swap3A_371, %swap3A_372], %gather3A_368 {strides = array<i32>} : memref<4x128xi32, #tpu.memory_space<vmem>>, vector<16xi32>,
    %swap3A_374 = arith.constant 3 : i32
    %swap3A_375 = arith.index_cast %swap3A_374 : i32 to index
    %swap3A_376 = arith.constant 32 : index
    %swap3A_377 = tpu.vector_load %arg17[%swap3A_375, %swap3A_376] {strides = array<i32>} : memref<4x128xi32, #tpu.memory_space<vmem>>, vector<16xi32>,
    tpu.vector_store %arg17[%swap3A_375, %swap3A_376], %gather3A_369 {strides = array<i32>} : memref<4x128xi32, #tpu.memory_space<vmem>>, vector<16xi32>,
    %get3A_378 = arith.constant 432 : index
    %get3A_379 = tpu.vector_load %arg14[%get3A_378] {strides = array<i32>} : memref<512xi32, #tpu.memory_space<vmem>>, vector<16xi32>,
    %get3A_380 = arith.constant 432 : index
    %get3A_381 = tpu.vector_load %arg15[%get3A_380] {strides = array<i32>} : memref<512xi32, #tpu.memory_space<vmem>>, vector<16xi32>,
    %gather3A_382 = tpu.vector_load_idx %arg12[%get3A_379] : memref<16384xi32, #tpu.memory_space<vmem>>[vector<16xi32>], vector<16xi32>,
    %gather3A_383 = tpu.vector_load_idx %arg13[%get3A_381] : memref<16384xi32, #tpu.memory_space<vmem>>[vector<16xi32>], vector<16xi32>,
    %swap3A_384 = arith.constant 3 : i32
    %swap3A_385 = arith.index_cast %swap3A_384 : i32 to index
    %swap3A_386 = arith.constant 48 : index
    %swap3A_387 = tpu.vector_load %arg16[%swap3A_385, %swap3A_386] {strides = array<i32>} : memref<4x128xi32, #tpu.memory_space<vmem>>, vector<16xi32>,
    tpu.vector_store %arg16[%swap3A_385, %swap3A_386], %gather3A_382 {strides = array<i32>} : memref<4x128xi32, #tpu.memory_space<vmem>>, vector<16xi32>,
    %swap3A_388 = arith.constant 3 : i32
    %swap3A_389 = arith.index_cast %swap3A_388 : i32 to index
    %swap3A_390 = arith.constant 48 : index
    %swap3A_391 = tpu.vector_load %arg17[%swap3A_389, %swap3A_390] {strides = array<i32>} : memref<4x128xi32, #tpu.memory_space<vmem>>, vector<16xi32>,
    tpu.vector_store %arg17[%swap3A_389, %swap3A_390], %gather3A_383 {strides = array<i32>} : memref<4x128xi32, #tpu.memory_space<vmem>>, vector<16xi32>,
    %get3A_392 = arith.constant 448 : index
    %get3A_393 = tpu.vector_load %arg14[%get3A_392] {strides = array<i32>} : memref<512xi32, #tpu.memory_space<vmem>>, vector<16xi32>,
    %get3A_394 = arith.constant 448 : index
    %get3A_395 = tpu.vector_load %arg15[%get3A_394] {strides = array<i32>} : memref<512xi32, #tpu.memory_space<vmem>>, vector<16xi32>,
    %gather3A_396 = tpu.vector_load_idx %arg12[%get3A_393] : memref<16384xi32, #tpu.memory_space<vmem>>[vector<16xi32>], vector<16xi32>,
    %gather3A_397 = tpu.vector_load_idx %arg13[%get3A_395] : memref<16384xi32, #tpu.memory_space<vmem>>[vector<16xi32>], vector<16xi32>,
    %swap3A_398 = arith.constant 3 : i32
    %swap3A_399 = arith.index_cast %swap3A_398 : i32 to index
    %swap3A_400 = arith.constant 64 : index
    %swap3A_401 = tpu.vector_load %arg16[%swap3A_399, %swap3A_400] {strides = array<i32>} : memref<4x128xi32, #tpu.memory_space<vmem>>, vector<16xi32>,
    tpu.vector_store %arg16[%swap3A_399, %swap3A_400], %gather3A_396 {strides = array<i32>} : memref<4x128xi32, #tpu.memory_space<vmem>>, vector<16xi32>,
    %swap3A_402 = arith.constant 3 : i32
    %swap3A_403 = arith.index_cast %swap3A_402 : i32 to index
    %swap3A_404 = arith.constant 64 : index
    %swap3A_405 = tpu.vector_load %arg17[%swap3A_403, %swap3A_404] {strides = array<i32>} : memref<4x128xi32, #tpu.memory_space<vmem>>, vector<16xi32>,
    tpu.vector_store %arg17[%swap3A_403, %swap3A_404], %gather3A_397 {strides = array<i32>} : memref<4x128xi32, #tpu.memory_space<vmem>>, vector<16xi32>,
    %get3A_406 = arith.constant 464 : index
    %get3A_407 = tpu.vector_load %arg14[%get3A_406] {strides = array<i32>} : memref<512xi32, #tpu.memory_space<vmem>>, vector<16xi32>,
    %get3A_408 = arith.constant 464 : index
    %get3A_409 = tpu.vector_load %arg15[%get3A_408] {strides = array<i32>} : memref<512xi32, #tpu.memory_space<vmem>>, vector<16xi32>,
    %gather3A_410 = tpu.vector_load_idx %arg12[%get3A_407] : memref<16384xi32, #tpu.memory_space<vmem>>[vector<16xi32>], vector<16xi32>,
    %gather3A_411 = tpu.vector_load_idx %arg13[%get3A_409] : memref<16384xi32, #tpu.memory_space<vmem>>[vector<16xi32>], vector<16xi32>,
    %swap3A_412 = arith.constant 3 : i32
    %swap3A_413 = arith.index_cast %swap3A_412 : i32 to index
    %swap3A_414 = arith.constant 80 : index
    %swap3A_415 = tpu.vector_load %arg16[%swap3A_413, %swap3A_414] {strides = array<i32>} : memref<4x128xi32, #tpu.memory_space<vmem>>, vector<16xi32>,
    tpu.vector_store %arg16[%swap3A_413, %swap3A_414], %gather3A_410 {strides = array<i32>} : memref<4x128xi32, #tpu.memory_space<vmem>>, vector<16xi32>,
    %swap3A_416 = arith.constant 3 : i32
    %swap3A_417 = arith.index_cast %swap3A_416 : i32 to index
    %swap3A_418 = arith.constant 80 : index
    %swap3A_419 = tpu.vector_load %arg17[%swap3A_417, %swap3A_418] {strides = array<i32>} : memref<4x128xi32, #tpu.memory_space<vmem>>, vector<16xi32>,
    tpu.vector_store %arg17[%swap3A_417, %swap3A_418], %gather3A_411 {strides = array<i32>} : memref<4x128xi32, #tpu.memory_space<vmem>>, vector<16xi32>,
    %get3A_420 = arith.constant 480 : index
    %get3A_421 = tpu.vector_load %arg14[%get3A_420] {strides = array<i32>} : memref<512xi32, #tpu.memory_space<vmem>>, vector<16xi32>,
    %get3A_422 = arith.constant 480 : index
    %get3A_423 = tpu.vector_load %arg15[%get3A_422] {strides = array<i32>} : memref<512xi32, #tpu.memory_space<vmem>>, vector<16xi32>,
    %gather3A_424 = tpu.vector_load_idx %arg12[%get3A_421] : memref<16384xi32, #tpu.memory_space<vmem>>[vector<16xi32>], vector<16xi32>,
    %gather3A_425 = tpu.vector_load_idx %arg13[%get3A_423] : memref<16384xi32, #tpu.memory_space<vmem>>[vector<16xi32>], vector<16xi32>,
    %swap3A_426 = arith.constant 3 : i32
    %swap3A_427 = arith.index_cast %swap3A_426 : i32 to index
    %swap3A_428 = arith.constant 96 : index
    %swap3A_429 = tpu.vector_load %arg16[%swap3A_427, %swap3A_428] {strides = array<i32>} : memref<4x128xi32, #tpu.memory_space<vmem>>, vector<16xi32>,
    tpu.vector_store %arg16[%swap3A_427, %swap3A_428], %gather3A_424 {strides = array<i32>} : memref<4x128xi32, #tpu.memory_space<vmem>>, vector<16xi32>,
    %swap3A_430 = arith.constant 3 : i32
    %swap3A_431 = arith.index_cast %swap3A_430 : i32 to index
    %swap3A_432 = arith.constant 96 : index
    %swap3A_433 = tpu.vector_load %arg17[%swap3A_431, %swap3A_432] {strides = array<i32>} : memref<4x128xi32, #tpu.memory_space<vmem>>, vector<16xi32>,
    tpu.vector_store %arg17[%swap3A_431, %swap3A_432], %gather3A_425 {strides = array<i32>} : memref<4x128xi32, #tpu.memory_space<vmem>>, vector<16xi32>,
    %get3A_434 = arith.constant 496 : index
    %get3A_435 = tpu.vector_load %arg14[%get3A_434] {strides = array<i32>} : memref<512xi32, #tpu.memory_space<vmem>>, vector<16xi32>,
    %get3A_436 = arith.constant 496 : index
    %get3A_437 = tpu.vector_load %arg15[%get3A_436] {strides = array<i32>} : memref<512xi32, #tpu.memory_space<vmem>>, vector<16xi32>,
    %gather3A_438 = tpu.vector_load_idx %arg12[%get3A_435] : memref<16384xi32, #tpu.memory_space<vmem>>[vector<16xi32>], vector<16xi32>,
    %gather3A_439 = tpu.vector_load_idx %arg13[%get3A_437] : memref<16384xi32, #tpu.memory_space<vmem>>[vector<16xi32>], vector<16xi32>,
    %swap3A_440 = arith.constant 3 : i32
    %swap3A_441 = arith.index_cast %swap3A_440 : i32 to index
    %swap3A_442 = arith.constant 112 : index
    %swap3A_443 = tpu.vector_load %arg16[%swap3A_441, %swap3A_442] {strides = array<i32>} : memref<4x128xi32, #tpu.memory_space<vmem>>, vector<16xi32>,
    tpu.vector_store %arg16[%swap3A_441, %swap3A_442], %gather3A_438 {strides = array<i32>} : memref<4x128xi32, #tpu.memory_space<vmem>>, vector<16xi32>,
    %swap3A_444 = arith.constant 3 : i32
    %swap3A_445 = arith.index_cast %swap3A_444 : i32 to index
    %swap3A_446 = arith.constant 112 : index
    %swap3A_447 = tpu.vector_load %arg17[%swap3A_445, %swap3A_446] {strides = array<i32>} : memref<4x128xi32, #tpu.memory_space<vmem>>, vector<16xi32>,
    tpu.vector_store %arg17[%swap3A_445, %swap3A_446], %gather3A_439 {strides = array<i32>} : memref<4x128xi32, #tpu.memory_space<vmem>>, vector<16xi32>,
    %dma_start3A = arith.constant 0 : i32
    %dma_start3A_448 = arith.constant 0 : i32
    %dma_start3A_449 = arith.constant 0 : i32
    %dma_start3A_450 = tpu.memref_slice %arg18[%dma_start3A_448, %dma_start3A_449] : memref<512x32xf32, #tpu.memory_space<vmem>> -> memref<128x32xf32, #tpu.memory_space<vmem>>
    %dma_start3A_451 = arith.constant 0 : i32
    %dma_start3A_452 = tpu.memref_slice %arg16[%dma_start3A, %dma_start3A_451] : memref<4x128xi32, #tpu.memory_space<vmem>> -> memref<1x128xi32, #tpu.memory_space<vmem>>
    %dma_start3A_453 = tpu.memref_squeeze %dma_start3A_452 : memref<1x128xi32, #tpu.memory_space<vmem>> -> memref<128xi32, #tpu.memory_space<vmem>>
    %dma_start3A_454 = arith.constant 0 : i32
    %dma_start3A_455 = arith.constant 0 : i32
    %dma_start3A_456 = tpu.memref_slice %arg2[%dma_start3A_454, %dma_start3A_455] : memref<1000000x32xf32, #tpu.memory_space<hbm>> -> memref<1000000x32xf32, #tpu.memory_space<hbm>>
    tpu.enqueue_indirect_dma source(%dma_start3A_456 : memref<1000000x32xf32, #tpu.memory_space<hbm>>) target(%dma_start3A_450 : memref<128x32xf32, #tpu.memory_space<vmem>>) offsets(%dma_start3A_453 : memref<128xi32, #tpu.memory_space<vmem>>) semaphore(%arg21 : memref<!tpu.dma_semaphore, #tpu.memory_space<semaphore_mem>>)
    %dma_start3A_457 = arith.constant 0 : i32
    %dma_start3A_458 = arith.constant 0 : i32
    %dma_start3A_459 = arith.constant 0 : i32
    %dma_start3A_460 = tpu.memref_slice %arg19[%dma_start3A_458, %dma_start3A_459] : memref<512x32xf32, #tpu.memory_space<vmem>> -> memref<128x32xf32, #tpu.memory_space<vmem>>
    %dma_start3A_461 = arith.constant 0 : i32
    %dma_start3A_462 = tpu.memref_slice %arg17[%dma_start3A_457, %dma_start3A_461] : memref<4x128xi32, #tpu.memory_space<vmem>> -> memref<1x128xi32, #tpu.memory_space<vmem>>
    %dma_start3A_463 = tpu.memref_squeeze %dma_start3A_462 : memref<1x128xi32, #tpu.memory_space<vmem>> -> memref<128xi32, #tpu.memory_space<vmem>>
    %dma_start3A_464 = arith.constant 0 : i32
    %dma_start3A_465 = arith.constant 0 : i32
    %dma_start3A_466 = tpu.memref_slice %arg3[%dma_start3A_464, %dma_start3A_465] : memref<1000000x32xf32, #tpu.memory_space<hbm>> -> memref<1000000x32xf32, #tpu.memory_space<hbm>>
    tpu.enqueue_indirect_dma source(%dma_start3A_466 : memref<1000000x32xf32, #tpu.memory_space<hbm>>) target(%dma_start3A_460 : memref<128x32xf32, #tpu.memory_space<vmem>>) offsets(%dma_start3A_463 : memref<128xi32, #tpu.memory_space<vmem>>) semaphore(%arg21 : memref<!tpu.dma_semaphore, #tpu.memory_space<semaphore_mem>>)
    %dma_start3A_467 = arith.constant 1 : i32
    %dma_start3A_468 = arith.constant 128 : i32
    %dma_start3A_469 = arith.constant 0 : i32
    %dma_start3A_470 = tpu.memref_slice %arg18[%dma_start3A_468, %dma_start3A_469] : memref<512x32xf32, #tpu.memory_space<vmem>> -> memref<128x32xf32, #tpu.memory_space<vmem>>
    %dma_start3A_471 = arith.constant 0 : i32
    %dma_start3A_472 = tpu.memref_slice %arg16[%dma_start3A_467, %dma_start3A_471] : memref<4x128xi32, #tpu.memory_space<vmem>> -> memref<1x128xi32, #tpu.memory_space<vmem>>
    %dma_start3A_473 = tpu.memref_squeeze %dma_start3A_472 : memref<1x128xi32, #tpu.memory_space<vmem>> -> memref<128xi32, #tpu.memory_space<vmem>>
    %dma_start3A_474 = arith.constant 0 : i32
    %dma_start3A_475 = arith.constant 0 : i32
    %dma_start3A_476 = tpu.memref_slice %arg2[%dma_start3A_474, %dma_start3A_475] : memref<1000000x32xf32, #tpu.memory_space<hbm>> -> memref<1000000x32xf32, #tpu.memory_space<hbm>>
    tpu.enqueue_indirect_dma source(%dma_start3A_476 : memref<1000000x32xf32, #tpu.memory_space<hbm>>) target(%dma_start3A_470 : memref<128x32xf32, #tpu.memory_space<vmem>>) offsets(%dma_start3A_473 : memref<128xi32, #tpu.memory_space<vmem>>) semaphore(%arg21 : memref<!tpu.dma_semaphore, #tpu.memory_space<semaphore_mem>>)
    %dma_start3A_477 = arith.constant 1 : i32
    %dma_start3A_478 = arith.constant 128 : i32
    %dma_start3A_479 = arith.constant 0 : i32
    %dma_start3A_480 = tpu.memref_slice %arg19[%dma_start3A_478, %dma_start3A_479] : memref<512x32xf32, #tpu.memory_space<vmem>> -> memref<128x32xf32, #tpu.memory_space<vmem>>
    %dma_start3A_481 = arith.constant 0 : i32
    %dma_start3A_482 = tpu.memref_slice %arg17[%dma_start3A_477, %dma_start3A_481] : memref<4x128xi32, #tpu.memory_space<vmem>> -> memref<1x128xi32, #tpu.memory_space<vmem>>
    %dma_start3A_483 = tpu.memref_squeeze %dma_start3A_482 : memref<1x128xi32, #tpu.memory_space<vmem>> -> memref<128xi32, #tpu.memory_space<vmem>>
    %dma_start3A_484 = arith.constant 0 : i32
    %dma_start3A_485 = arith.constant 0 : i32
    %dma_start3A_486 = tpu.memref_slice %arg3[%dma_start3A_484, %dma_start3A_485] : memref<1000000x32xf32, #tpu.memory_space<hbm>> -> memref<1000000x32xf32, #tpu.memory_space<hbm>>
    tpu.enqueue_indirect_dma source(%dma_start3A_486 : memref<1000000x32xf32, #tpu.memory_space<hbm>>) target(%dma_start3A_480 : memref<128x32xf32, #tpu.memory_space<vmem>>) offsets(%dma_start3A_483 : memref<128xi32, #tpu.memory_space<vmem>>) semaphore(%arg21 : memref<!tpu.dma_semaphore, #tpu.memory_space<semaphore_mem>>)
    %dma_start3A_487 = arith.constant 2 : i32
    %dma_start3A_488 = arith.constant 256 : i32
    %dma_start3A_489 = arith.constant 0 : i32
    %dma_start3A_490 = tpu.memref_slice %arg18[%dma_start3A_488, %dma_start3A_489] : memref<512x32xf32, #tpu.memory_space<vmem>> -> memref<128x32xf32, #tpu.memory_space<vmem>>
    %dma_start3A_491 = arith.constant 0 : i32
    %dma_start3A_492 = tpu.memref_slice %arg16[%dma_start3A_487, %dma_start3A_491] : memref<4x128xi32, #tpu.memory_space<vmem>> -> memref<1x128xi32, #tpu.memory_space<vmem>>
    %dma_start3A_493 = tpu.memref_squeeze %dma_start3A_492 : memref<1x128xi32, #tpu.memory_space<vmem>> -> memref<128xi32, #tpu.memory_space<vmem>>
    %dma_start3A_494 = arith.constant 0 : i32
    %dma_start3A_495 = arith.constant 0 : i32
    %dma_start3A_496 = tpu.memref_slice %arg2[%dma_start3A_494, %dma_start3A_495] : memref<1000000x32xf32, #tpu.memory_space<hbm>> -> memref<1000000x32xf32, #tpu.memory_space<hbm>>
    tpu.enqueue_indirect_dma source(%dma_start3A_496 : memref<1000000x32xf32, #tpu.memory_space<hbm>>) target(%dma_start3A_490 : memref<128x32xf32, #tpu.memory_space<vmem>>) offsets(%dma_start3A_493 : memref<128xi32, #tpu.memory_space<vmem>>) semaphore(%arg21 : memref<!tpu.dma_semaphore, #tpu.memory_space<semaphore_mem>>)
    %dma_start3A_497 = arith.constant 2 : i32
    %dma_start3A_498 = arith.constant 256 : i32
    %dma_start3A_499 = arith.constant 0 : i32
    %dma_start3A_500 = tpu.memref_slice %arg19[%dma_start3A_498, %dma_start3A_499] : memref<512x32xf32, #tpu.memory_space<vmem>> -> memref<128x32xf32, #tpu.memory_space<vmem>>
    %dma_start3A_501 = arith.constant 0 : i32
    %dma_start3A_502 = tpu.memref_slice %arg17[%dma_start3A_497, %dma_start3A_501] : memref<4x128xi32, #tpu.memory_space<vmem>> -> memref<1x128xi32, #tpu.memory_space<vmem>>
    %dma_start3A_503 = tpu.memref_squeeze %dma_start3A_502 : memref<1x128xi32, #tpu.memory_space<vmem>> -> memref<128xi32, #tpu.memory_space<vmem>>
    %dma_start3A_504 = arith.constant 0 : i32
    %dma_start3A_505 = arith.constant 0 : i32
    %dma_start3A_506 = tpu.memref_slice %arg3[%dma_start3A_504, %dma_start3A_505] : memref<1000000x32xf32, #tpu.memory_space<hbm>> -> memref<1000000x32xf32, #tpu.memory_space<hbm>>
    tpu.enqueue_indirect_dma source(%dma_start3A_506 : memref<1000000x32xf32, #tpu.memory_space<hbm>>) target(%dma_start3A_500 : memref<128x32xf32, #tpu.memory_space<vmem>>) offsets(%dma_start3A_503 : memref<128xi32, #tpu.memory_space<vmem>>) semaphore(%arg21 : memref<!tpu.dma_semaphore, #tpu.memory_space<semaphore_mem>>)
    %dma_start3A_507 = arith.constant 3 : i32
    %dma_start3A_508 = arith.constant 384 : i32
    %dma_start3A_509 = arith.constant 0 : i32
    %dma_start3A_510 = tpu.memref_slice %arg18[%dma_start3A_508, %dma_start3A_509] : memref<512x32xf32, #tpu.memory_space<vmem>> -> memref<128x32xf32, #tpu.memory_space<vmem>>
    %dma_start3A_511 = arith.constant 0 : i32
    %dma_start3A_512 = tpu.memref_slice %arg16[%dma_start3A_507, %dma_start3A_511] : memref<4x128xi32, #tpu.memory_space<vmem>> -> memref<1x128xi32, #tpu.memory_space<vmem>>
    %dma_start3A_513 = tpu.memref_squeeze %dma_start3A_512 : memref<1x128xi32, #tpu.memory_space<vmem>> -> memref<128xi32, #tpu.memory_space<vmem>>
    %dma_start3A_514 = arith.constant 0 : i32
    %dma_start3A_515 = arith.constant 0 : i32
    %dma_start3A_516 = tpu.memref_slice %arg2[%dma_start3A_514, %dma_start3A_515] : memref<1000000x32xf32, #tpu.memory_space<hbm>> -> memref<1000000x32xf32, #tpu.memory_space<hbm>>
    tpu.enqueue_indirect_dma source(%dma_start3A_516 : memref<1000000x32xf32, #tpu.memory_space<hbm>>) target(%dma_start3A_510 : memref<128x32xf32, #tpu.memory_space<vmem>>) offsets(%dma_start3A_513 : memref<128xi32, #tpu.memory_space<vmem>>) semaphore(%arg21 : memref<!tpu.dma_semaphore, #tpu.memory_space<semaphore_mem>>)
    %dma_start3A_517 = arith.constant 3 : i32
    %dma_start3A_518 = arith.constant 384 : i32
    %dma_start3A_519 = arith.constant 0 : i32
    %dma_start3A_520 = tpu.memref_slice %arg19[%dma_start3A_518, %dma_start3A_519] : memref<512x32xf32, #tpu.memory_space<vmem>> -> memref<128x32xf32, #tpu.memory_space<vmem>>
    %dma_start3A_521 = arith.constant 0 : i32
    %dma_start3A_522 = tpu.memref_slice %arg17[%dma_start3A_517, %dma_start3A_521] : memref<4x128xi32, #tpu.memory_space<vmem>> -> memref<1x128xi32, #tpu.memory_space<vmem>>
    %dma_start3A_523 = tpu.memref_squeeze %dma_start3A_522 : memref<1x128xi32, #tpu.memory_space<vmem>> -> memref<128xi32, #tpu.memory_space<vmem>>
    %dma_start3A_524 = arith.constant 0 : i32
    %dma_start3A_525 = arith.constant 0 : i32
    %dma_start3A_526 = tpu.memref_slice %arg3[%dma_start3A_524, %dma_start3A_525] : memref<1000000x32xf32, #tpu.memory_space<hbm>> -> memref<1000000x32xf32, #tpu.memory_space<hbm>>
    tpu.enqueue_indirect_dma source(%dma_start3A_526 : memref<1000000x32xf32, #tpu.memory_space<hbm>>) target(%dma_start3A_520 : memref<128x32xf32, #tpu.memory_space<vmem>>) offsets(%dma_start3A_523 : memref<128xi32, #tpu.memory_space<vmem>>) semaphore(%arg21 : memref<!tpu.dma_semaphore, #tpu.memory_space<semaphore_mem>>)
    %dma_wait3A = arith.constant 0 : i32
    %dma_wait3A_527 = arith.constant 0 : i32
    %dma_wait3A_528 = arith.constant 0 : i32
    %dma_wait3A_529 = tpu.memref_slice %arg18[%dma_wait3A_527, %dma_wait3A_528] : memref<512x32xf32, #tpu.memory_space<vmem>> -> memref<128x32xf32, #tpu.memory_space<vmem>>
    %dma_wait3A_530 = arith.constant 0 : i32
    %dma_wait3A_531 = tpu.memref_slice %arg16[%dma_wait3A, %dma_wait3A_530] : memref<4x128xi32, #tpu.memory_space<vmem>> -> memref<1x128xi32, #tpu.memory_space<vmem>>
    %dma_wait3A_532 = tpu.memref_squeeze %dma_wait3A_531 : memref<1x128xi32, #tpu.memory_space<vmem>> -> memref<128xi32, #tpu.memory_space<vmem>>
    %dma_wait3A_533 = arith.constant 0 : i32
    %dma_wait3A_534 = arith.constant 0 : i32
    %dma_wait3A_535 = tpu.memref_slice %arg2[%dma_wait3A_533, %dma_wait3A_534] : memref<1000000x32xf32, #tpu.memory_space<hbm>> -> memref<1000000x32xf32, #tpu.memory_space<hbm>>
    tpu.wait_indirect_dma semaphore(%arg21 : memref<!tpu.dma_semaphore, #tpu.memory_space<semaphore_mem>>) src(%dma_wait3A_535 : memref<1000000x32xf32, #tpu.memory_space<hbm>>) dst(%dma_wait3A_529 : memref<128x32xf32, #tpu.memory_space<vmem>>)
    %dma_wait3A_536 = arith.constant 0 : i32
    %dma_wait3A_537 = arith.constant 0 : i32
    %dma_wait3A_538 = arith.constant 0 : i32
    %dma_wait3A_539 = tpu.memref_slice %arg19[%dma_wait3A_537, %dma_wait3A_538] : memref<512x32xf32, #tpu.memory_space<vmem>> -> memref<128x32xf32, #tpu.memory_space<vmem>>
    %dma_wait3A_540 = arith.constant 0 : i32
    %dma_wait3A_541 = tpu.memref_slice %arg17[%dma_wait3A_536, %dma_wait3A_540] : memref<4x128xi32, #tpu.memory_space<vmem>> -> memref<1x128xi32, #tpu.memory_space<vmem>>
    %dma_wait3A_542 = tpu.memref_squeeze %dma_wait3A_541 : memref<1x128xi32, #tpu.memory_space<vmem>> -> memref<128xi32, #tpu.memory_space<vmem>>
    %dma_wait3A_543 = arith.constant 0 : i32
    %dma_wait3A_544 = arith.constant 0 : i32
    %dma_wait3A_545 = tpu.memref_slice %arg3[%dma_wait3A_543, %dma_wait3A_544] : memref<1000000x32xf32, #tpu.memory_space<hbm>> -> memref<1000000x32xf32, #tpu.memory_space<hbm>>
    tpu.wait_indirect_dma semaphore(%arg21 : memref<!tpu.dma_semaphore, #tpu.memory_space<semaphore_mem>>) src(%dma_wait3A_545 : memref<1000000x32xf32, #tpu.memory_space<hbm>>) dst(%dma_wait3A_539 : memref<128x32xf32, #tpu.memory_space<vmem>>)
    %dma_wait3A_546 = arith.constant 1 : i32
    %dma_wait3A_547 = arith.constant 128 : i32
    %dma_wait3A_548 = arith.constant 0 : i32
    %dma_wait3A_549 = tpu.memref_slice %arg18[%dma_wait3A_547, %dma_wait3A_548] : memref<512x32xf32, #tpu.memory_space<vmem>> -> memref<128x32xf32, #tpu.memory_space<vmem>>
    %dma_wait3A_550 = arith.constant 0 : i32
    %dma_wait3A_551 = tpu.memref_slice %arg16[%dma_wait3A_546, %dma_wait3A_550] : memref<4x128xi32, #tpu.memory_space<vmem>> -> memref<1x128xi32, #tpu.memory_space<vmem>>
    %dma_wait3A_552 = tpu.memref_squeeze %dma_wait3A_551 : memref<1x128xi32, #tpu.memory_space<vmem>> -> memref<128xi32, #tpu.memory_space<vmem>>
    %dma_wait3A_553 = arith.constant 0 : i32
    %dma_wait3A_554 = arith.constant 0 : i32
    %dma_wait3A_555 = tpu.memref_slice %arg2[%dma_wait3A_553, %dma_wait3A_554] : memref<1000000x32xf32, #tpu.memory_space<hbm>> -> memref<1000000x32xf32, #tpu.memory_space<hbm>>
    tpu.wait_indirect_dma semaphore(%arg21 : memref<!tpu.dma_semaphore, #tpu.memory_space<semaphore_mem>>) src(%dma_wait3A_555 : memref<1000000x32xf32, #tpu.memory_space<hbm>>) dst(%dma_wait3A_549 : memref<128x32xf32, #tpu.memory_space<vmem>>)
    %dma_wait3A_556 = arith.constant 1 : i32
    %dma_wait3A_557 = arith.constant 128 : i32
    %dma_wait3A_558 = arith.constant 0 : i32
    %dma_wait3A_559 = tpu.memref_slice %arg19[%dma_wait3A_557, %dma_wait3A_558] : memref<512x32xf32, #tpu.memory_space<vmem>> -> memref<128x32xf32, #tpu.memory_space<vmem>>
    %dma_wait3A_560 = arith.constant 0 : i32
    %dma_wait3A_561 = tpu.memref_slice %arg17[%dma_wait3A_556, %dma_wait3A_560] : memref<4x128xi32, #tpu.memory_space<vmem>> -> memref<1x128xi32, #tpu.memory_space<vmem>>
    %dma_wait3A_562 = tpu.memref_squeeze %dma_wait3A_561 : memref<1x128xi32, #tpu.memory_space<vmem>> -> memref<128xi32, #tpu.memory_space<vmem>>
    %dma_wait3A_563 = arith.constant 0 : i32
    %dma_wait3A_564 = arith.constant 0 : i32
    %dma_wait3A_565 = tpu.memref_slice %arg3[%dma_wait3A_563, %dma_wait3A_564] : memref<1000000x32xf32, #tpu.memory_space<hbm>> -> memref<1000000x32xf32, #tpu.memory_space<hbm>>
    tpu.wait_indirect_dma semaphore(%arg21 : memref<!tpu.dma_semaphore, #tpu.memory_space<semaphore_mem>>) src(%dma_wait3A_565 : memref<1000000x32xf32, #tpu.memory_space<hbm>>) dst(%dma_wait3A_559 : memref<128x32xf32, #tpu.memory_space<vmem>>)
    %dma_wait3A_566 = arith.constant 2 : i32
    %dma_wait3A_567 = arith.constant 256 : i32
    %dma_wait3A_568 = arith.constant 0 : i32
    %dma_wait3A_569 = tpu.memref_slice %arg18[%dma_wait3A_567, %dma_wait3A_568] : memref<512x32xf32, #tpu.memory_space<vmem>> -> memref<128x32xf32, #tpu.memory_space<vmem>>
    %dma_wait3A_570 = arith.constant 0 : i32
    %dma_wait3A_571 = tpu.memref_slice %arg16[%dma_wait3A_566, %dma_wait3A_570] : memref<4x128xi32, #tpu.memory_space<vmem>> -> memref<1x128xi32, #tpu.memory_space<vmem>>
    %dma_wait3A_572 = tpu.memref_squeeze %dma_wait3A_571 : memref<1x128xi32, #tpu.memory_space<vmem>> -> memref<128xi32, #tpu.memory_space<vmem>>
    %dma_wait3A_573 = arith.constant 0 : i32
    %dma_wait3A_574 = arith.constant 0 : i32
    %dma_wait3A_575 = tpu.memref_slice %arg2[%dma_wait3A_573, %dma_wait3A_574] : memref<1000000x32xf32, #tpu.memory_space<hbm>> -> memref<1000000x32xf32, #tpu.memory_space<hbm>>
    tpu.wait_indirect_dma semaphore(%arg21 : memref<!tpu.dma_semaphore, #tpu.memory_space<semaphore_mem>>) src(%dma_wait3A_575 : memref<1000000x32xf32, #tpu.memory_space<hbm>>) dst(%dma_wait3A_569 : memref<128x32xf32, #tpu.memory_space<vmem>>)
    %dma_wait3A_576 = arith.constant 2 : i32
    %dma_wait3A_577 = arith.constant 256 : i32
    %dma_wait3A_578 = arith.constant 0 : i32
    %dma_wait3A_579 = tpu.memref_slice %arg19[%dma_wait3A_577, %dma_wait3A_578] : memref<512x32xf32, #tpu.memory_space<vmem>> -> memref<128x32xf32, #tpu.memory_space<vmem>>
    %dma_wait3A_580 = arith.constant 0 : i32
    %dma_wait3A_581 = tpu.memref_slice %arg17[%dma_wait3A_576, %dma_wait3A_580] : memref<4x128xi32, #tpu.memory_space<vmem>> -> memref<1x128xi32, #tpu.memory_space<vmem>>
    %dma_wait3A_582 = tpu.memref_squeeze %dma_wait3A_581 : memref<1x128xi32, #tpu.memory_space<vmem>> -> memref<128xi32, #tpu.memory_space<vmem>>
    %dma_wait3A_583 = arith.constant 0 : i32
    %dma_wait3A_584 = arith.constant 0 : i32
    %dma_wait3A_585 = tpu.memref_slice %arg3[%dma_wait3A_583, %dma_wait3A_584] : memref<1000000x32xf32, #tpu.memory_space<hbm>> -> memref<1000000x32xf32, #tpu.memory_space<hbm>>
    tpu.wait_indirect_dma semaphore(%arg21 : memref<!tpu.dma_semaphore, #tpu.memory_space<semaphore_mem>>) src(%dma_wait3A_585 : memref<1000000x32xf32, #tpu.memory_space<hbm>>) dst(%dma_wait3A_579 : memref<128x32xf32, #tpu.memory_space<vmem>>)
    %dma_wait3A_586 = arith.constant 3 : i32
    %dma_wait3A_587 = arith.constant 384 : i32
    %dma_wait3A_588 = arith.constant 0 : i32
    %dma_wait3A_589 = tpu.memref_slice %arg18[%dma_wait3A_587, %dma_wait3A_588] : memref<512x32xf32, #tpu.memory_space<vmem>> -> memref<128x32xf32, #tpu.memory_space<vmem>>
    %dma_wait3A_590 = arith.constant 0 : i32
    %dma_wait3A_591 = tpu.memref_slice %arg16[%dma_wait3A_586, %dma_wait3A_590] : memref<4x128xi32, #tpu.memory_space<vmem>> -> memref<1x128xi32, #tpu.memory_space<vmem>>
    %dma_wait3A_592 = tpu.memref_squeeze %dma_wait3A_591 : memref<1x128xi32, #tpu.memory_space<vmem>> -> memref<128xi32, #tpu.memory_space<vmem>>
    %dma_wait3A_593 = arith.constant 0 : i32
    %dma_wait3A_594 = arith.constant 0 : i32
    %dma_wait3A_595 = tpu.memref_slice %arg2[%dma_wait3A_593, %dma_wait3A_594] : memref<1000000x32xf32, #tpu.memory_space<hbm>> -> memref<1000000x32xf32, #tpu.memory_space<hbm>>
    tpu.wait_indirect_dma semaphore(%arg21 : memref<!tpu.dma_semaphore, #tpu.memory_space<semaphore_mem>>) src(%dma_wait3A_595 : memref<1000000x32xf32, #tpu.memory_space<hbm>>) dst(%dma_wait3A_589 : memref<128x32xf32, #tpu.memory_space<vmem>>)
    %dma_wait3A_596 = arith.constant 3 : i32
    %dma_wait3A_597 = arith.constant 384 : i32
    %dma_wait3A_598 = arith.constant 0 : i32
    %dma_wait3A_599 = tpu.memref_slice %arg19[%dma_wait3A_597, %dma_wait3A_598] : memref<512x32xf32, #tpu.memory_space<vmem>> -> memref<128x32xf32, #tpu.memory_space<vmem>>
    %dma_wait3A_600 = arith.constant 0 : i32
    %dma_wait3A_601 = tpu.memref_slice %arg17[%dma_wait3A_596, %dma_wait3A_600] : memref<4x128xi32, #tpu.memory_space<vmem>> -> memref<1x128xi32, #tpu.memory_space<vmem>>
    %dma_wait3A_602 = tpu.memref_squeeze %dma_wait3A_601 : memref<1x128xi32, #tpu.memory_space<vmem>> -> memref<128xi32, #tpu.memory_space<vmem>>
    %dma_wait3A_603 = arith.constant 0 : i32
    %dma_wait3A_604 = arith.constant 0 : i32
    %dma_wait3A_605 = tpu.memref_slice %arg3[%dma_wait3A_603, %dma_wait3A_604] : memref<1000000x32xf32, #tpu.memory_space<hbm>> -> memref<1000000x32xf32, #tpu.memory_space<hbm>>
    tpu.wait_indirect_dma semaphore(%arg21 : memref<!tpu.dma_semaphore, #tpu.memory_space<semaphore_mem>>) src(%dma_wait3A_605 : memref<1000000x32xf32, #tpu.memory_space<hbm>>) dst(%dma_wait3A_599 : memref<128x32xf32, #tpu.memory_space<vmem>>)
    %scan3A = arith.constant 0 : i32
    %scan3A_606 = arith.constant 0 : i32
    %scan3A_607 = arith.constant 32 : i32
    %scan3A_608 = arith.addi %scan3A_606, %scan3A_607 : i32
    %scan3A_609 = arith.constant 1 : i32
    scf.for %scan3A_1225 = %scan3A_606 to %scan3A_608 step %scan3A_609  : i32 {
      %mul3A_1226 = arith.constant 16 : i32
      %mul3A_1227 = arith.muli %scan3A_1225, %mul3A_1226 : i32
      %add3A_1228 = vector.broadcast %mul3A_1227 : i32 to vector<16xi32>
      %add3A_1229 = arith.addi %add3A_1228, %iota3A : vector<16xi32>
      %broadcast_in_dim3A = arith.constant 0.000000e+00 : f32
      %broadcast_in_dim3A_1230 = vector.broadcast %broadcast_in_dim3A : f32 to vector<16xf32>
      %broadcast_in_dim3A_1231 = arith.constant 0 : i32
      %broadcast_in_dim3A_1232 = vector.broadcast %broadcast_in_dim3A_1231 : i32 to vector<16xi32>
      %gather3A_1233 = tpu.vector_load_idx %arg18[%add3A_1229, %broadcast_in_dim3A_1232] : memref<512x32xf32, #tpu.memory_space<vmem>>[vector<16xi32>, vector<16xi32>], vector<16xf32>,
      %gather3A_1234 = tpu.vector_load_idx %arg19[%add3A_1229, %broadcast_in_dim3A_1232] : memref<512x32xf32, #tpu.memory_space<vmem>>[vector<16xi32>, vector<16xi32>], vector<16xf32>,
      %mul3A_1235 = arith.mulf %gather3A_1233, %gather3A_1234 : vector<16xf32>
      %add3A_1236 = arith.addf %broadcast_in_dim3A_1230, %mul3A_1235 : vector<16xf32>
      %broadcast_in_dim3A_1237 = arith.constant 1 : i32
      %broadcast_in_dim3A_1238 = vector.broadcast %broadcast_in_dim3A_1237 : i32 to vector<16xi32>
      %gather3A_1239 = tpu.vector_load_idx %arg18[%add3A_1229, %broadcast_in_dim3A_1238] : memref<512x32xf32, #tpu.memory_space<vmem>>[vector<16xi32>, vector<16xi32>], vector<16xf32>,
      %gather3A_1240 = tpu.vector_load_idx %arg19[%add3A_1229, %broadcast_in_dim3A_1238] : memref<512x32xf32, #tpu.memory_space<vmem>>[vector<16xi32>, vector<16xi32>], vector<16xf32>,
      %mul3A_1241 = arith.mulf %gather3A_1239, %gather3A_1240 : vector<16xf32>
      %add3A_1242 = arith.addf %add3A_1236, %mul3A_1241 : vector<16xf32>
      %broadcast_in_dim3A_1243 = arith.constant 2 : i32
      %broadcast_in_dim3A_1244 = vector.broadcast %broadcast_in_dim3A_1243 : i32 to vector<16xi32>
      %gather3A_1245 = tpu.vector_load_idx %arg18[%add3A_1229, %broadcast_in_dim3A_1244] : memref<512x32xf32, #tpu.memory_space<vmem>>[vector<16xi32>, vector<16xi32>], vector<16xf32>,
      %gather3A_1246 = tpu.vector_load_idx %arg19[%add3A_1229, %broadcast_in_dim3A_1244] : memref<512x32xf32, #tpu.memory_space<vmem>>[vector<16xi32>, vector<16xi32>], vector<16xf32>,
      %mul3A_1247 = arith.mulf %gather3A_1245, %gather3A_1246 : vector<16xf32>
      %add3A_1248 = arith.addf %add3A_1242, %mul3A_1247 : vector<16xf32>
      %broadcast_in_dim3A_1249 = arith.constant 3 : i32
      %broadcast_in_dim3A_1250 = vector.broadcast %broadcast_in_dim3A_1249 : i32 to vector<16xi32>
      %gather3A_1251 = tpu.vector_load_idx %arg18[%add3A_1229, %broadcast_in_dim3A_1250] : memref<512x32xf32, #tpu.memory_space<vmem>>[vector<16xi32>, vector<16xi32>], vector<16xf32>,
      %gather3A_1252 = tpu.vector_load_idx %arg19[%add3A_1229, %broadcast_in_dim3A_1250] : memref<512x32xf32, #tpu.memory_space<vmem>>[vector<16xi32>, vector<16xi32>], vector<16xf32>,
      %mul3A_1253 = arith.mulf %gather3A_1251, %gather3A_1252 : vector<16xf32>
      %add3A_1254 = arith.addf %add3A_1248, %mul3A_1253 : vector<16xf32>
      %broadcast_in_dim3A_1255 = arith.constant 4 : i32
      %broadcast_in_dim3A_1256 = vector.broadcast %broadcast_in_dim3A_1255 : i32 to vector<16xi32>
      %gather3A_1257 = tpu.vector_load_idx %arg18[%add3A_1229, %broadcast_in_dim3A_1256] : memref<512x32xf32, #tpu.memory_space<vmem>>[vector<16xi32>, vector<16xi32>], vector<16xf32>,
      %gather3A_1258 = tpu.vector_load_idx %arg19[%add3A_1229, %broadcast_in_dim3A_1256] : memref<512x32xf32, #tpu.memory_space<vmem>>[vector<16xi32>, vector<16xi32>], vector<16xf32>,
      %mul3A_1259 = arith.mulf %gather3A_1257, %gather3A_1258 : vector<16xf32>
      %add3A_1260 = arith.addf %add3A_1254, %mul3A_1259 : vector<16xf32>
      %broadcast_in_dim3A_1261 = arith.constant 5 : i32
      %broadcast_in_dim3A_1262 = vector.broadcast %broadcast_in_dim3A_1261 : i32 to vector<16xi32>
      %gather3A_1263 = tpu.vector_load_idx %arg18[%add3A_1229, %broadcast_in_dim3A_1262] : memref<512x32xf32, #tpu.memory_space<vmem>>[vector<16xi32>, vector<16xi32>], vector<16xf32>,
      %gather3A_1264 = tpu.vector_load_idx %arg19[%add3A_1229, %broadcast_in_dim3A_1262] : memref<512x32xf32, #tpu.memory_space<vmem>>[vector<16xi32>, vector<16xi32>], vector<16xf32>,
      %mul3A_1265 = arith.mulf %gather3A_1263, %gather3A_1264 : vector<16xf32>
      %add3A_1266 = arith.addf %add3A_1260, %mul3A_1265 : vector<16xf32>
      %broadcast_in_dim3A_1267 = arith.constant 6 : i32
      %broadcast_in_dim3A_1268 = vector.broadcast %broadcast_in_dim3A_1267 : i32 to vector<16xi32>
      %gather3A_1269 = tpu.vector_load_idx %arg18[%add3A_1229, %broadcast_in_dim3A_1268] : memref<512x32xf32, #tpu.memory_space<vmem>>[vector<16xi32>, vector<16xi32>], vector<16xf32>,
      %gather3A_1270 = tpu.vector_load_idx %arg19[%add3A_1229, %broadcast_in_dim3A_1268] : memref<512x32xf32, #tpu.memory_space<vmem>>[vector<16xi32>, vector<16xi32>], vector<16xf32>,
      %mul3A_1271 = arith.mulf %gather3A_1269, %gather3A_1270 : vector<16xf32>
      %add3A_1272 = arith.addf %add3A_1266, %mul3A_1271 : vector<16xf32>
      %broadcast_in_dim3A_1273 = arith.constant 7 : i32
      %broadcast_in_dim3A_1274 = vector.broadcast %broadcast_in_dim3A_1273 : i32 to vector<16xi32>
      %gather3A_1275 = tpu.vector_load_idx %arg18[%add3A_1229, %broadcast_in_dim3A_1274] : memref<512x32xf32, #tpu.memory_space<vmem>>[vector<16xi32>, vector<16xi32>], vector<16xf32>,
      %gather3A_1276 = tpu.vector_load_idx %arg19[%add3A_1229, %broadcast_in_dim3A_1274] : memref<512x32xf32, #tpu.memory_space<vmem>>[vector<16xi32>, vector<16xi32>], vector<16xf32>,
      %mul3A_1277 = arith.mulf %gather3A_1275, %gather3A_1276 : vector<16xf32>
      %add3A_1278 = arith.addf %add3A_1272, %mul3A_1277 : vector<16xf32>
      %broadcast_in_dim3A_1279 = arith.constant 8 : i32
      %broadcast_in_dim3A_1280 = vector.broadcast %broadcast_in_dim3A_1279 : i32 to vector<16xi32>
      %gather3A_1281 = tpu.vector_load_idx %arg18[%add3A_1229, %broadcast_in_dim3A_1280] : memref<512x32xf32, #tpu.memory_space<vmem>>[vector<16xi32>, vector<16xi32>], vector<16xf32>,
      %gather3A_1282 = tpu.vector_load_idx %arg19[%add3A_1229, %broadcast_in_dim3A_1280] : memref<512x32xf32, #tpu.memory_space<vmem>>[vector<16xi32>, vector<16xi32>], vector<16xf32>,
      %mul3A_1283 = arith.mulf %gather3A_1281, %gather3A_1282 : vector<16xf32>
      %add3A_1284 = arith.addf %add3A_1278, %mul3A_1283 : vector<16xf32>
      %broadcast_in_dim3A_1285 = arith.constant 9 : i32
      %broadcast_in_dim3A_1286 = vector.broadcast %broadcast_in_dim3A_1285 : i32 to vector<16xi32>
      %gather3A_1287 = tpu.vector_load_idx %arg18[%add3A_1229, %broadcast_in_dim3A_1286] : memref<512x32xf32, #tpu.memory_space<vmem>>[vector<16xi32>, vector<16xi32>], vector<16xf32>,
      %gather3A_1288 = tpu.vector_load_idx %arg19[%add3A_1229, %broadcast_in_dim3A_1286] : memref<512x32xf32, #tpu.memory_space<vmem>>[vector<16xi32>, vector<16xi32>], vector<16xf32>,
      %mul3A_1289 = arith.mulf %gather3A_1287, %gather3A_1288 : vector<16xf32>
      %add3A_1290 = arith.addf %add3A_1284, %mul3A_1289 : vector<16xf32>
      %broadcast_in_dim3A_1291 = arith.constant 10 : i32
      %broadcast_in_dim3A_1292 = vector.broadcast %broadcast_in_dim3A_1291 : i32 to vector<16xi32>
      %gather3A_1293 = tpu.vector_load_idx %arg18[%add3A_1229, %broadcast_in_dim3A_1292] : memref<512x32xf32, #tpu.memory_space<vmem>>[vector<16xi32>, vector<16xi32>], vector<16xf32>,
      %gather3A_1294 = tpu.vector_load_idx %arg19[%add3A_1229, %broadcast_in_dim3A_1292] : memref<512x32xf32, #tpu.memory_space<vmem>>[vector<16xi32>, vector<16xi32>], vector<16xf32>,
      %mul3A_1295 = arith.mulf %gather3A_1293, %gather3A_1294 : vector<16xf32>
      %add3A_1296 = arith.addf %add3A_1290, %mul3A_1295 : vector<16xf32>
      %broadcast_in_dim3A_1297 = arith.constant 11 : i32
      %broadcast_in_dim3A_1298 = vector.broadcast %broadcast_in_dim3A_1297 : i32 to vector<16xi32>
      %gather3A_1299 = tpu.vector_load_idx %arg18[%add3A_1229, %broadcast_in_dim3A_1298] : memref<512x32xf32, #tpu.memory_space<vmem>>[vector<16xi32>, vector<16xi32>], vector<16xf32>,
      %gather3A_1300 = tpu.vector_load_idx %arg19[%add3A_1229, %broadcast_in_dim3A_1298] : memref<512x32xf32, #tpu.memory_space<vmem>>[vector<16xi32>, vector<16xi32>], vector<16xf32>,
      %mul3A_1301 = arith.mulf %gather3A_1299, %gather3A_1300 : vector<16xf32>
      %add3A_1302 = arith.addf %add3A_1296, %mul3A_1301 : vector<16xf32>
      %broadcast_in_dim3A_1303 = arith.constant 12 : i32
      %broadcast_in_dim3A_1304 = vector.broadcast %broadcast_in_dim3A_1303 : i32 to vector<16xi32>
      %gather3A_1305 = tpu.vector_load_idx %arg18[%add3A_1229, %broadcast_in_dim3A_1304] : memref<512x32xf32, #tpu.memory_space<vmem>>[vector<16xi32>, vector<16xi32>], vector<16xf32>,
      %gather3A_1306 = tpu.vector_load_idx %arg19[%add3A_1229, %broadcast_in_dim3A_1304] : memref<512x32xf32, #tpu.memory_space<vmem>>[vector<16xi32>, vector<16xi32>], vector<16xf32>,
      %mul3A_1307 = arith.mulf %gather3A_1305, %gather3A_1306 : vector<16xf32>
      %add3A_1308 = arith.addf %add3A_1302, %mul3A_1307 : vector<16xf32>
      %broadcast_in_dim3A_1309 = arith.constant 13 : i32
      %broadcast_in_dim3A_1310 = vector.broadcast %broadcast_in_dim3A_1309 : i32 to vector<16xi32>
      %gather3A_1311 = tpu.vector_load_idx %arg18[%add3A_1229, %broadcast_in_dim3A_1310] : memref<512x32xf32, #tpu.memory_space<vmem>>[vector<16xi32>, vector<16xi32>], vector<16xf32>,
      %gather3A_1312 = tpu.vector_load_idx %arg19[%add3A_1229, %broadcast_in_dim3A_1310] : memref<512x32xf32, #tpu.memory_space<vmem>>[vector<16xi32>, vector<16xi32>], vector<16xf32>,
      %mul3A_1313 = arith.mulf %gather3A_1311, %gather3A_1312 : vector<16xf32>
      %add3A_1314 = arith.addf %add3A_1308, %mul3A_1313 : vector<16xf32>
      %broadcast_in_dim3A_1315 = arith.constant 14 : i32
      %broadcast_in_dim3A_1316 = vector.broadcast %broadcast_in_dim3A_1315 : i32 to vector<16xi32>
      %gather3A_1317 = tpu.vector_load_idx %arg18[%add3A_1229, %broadcast_in_dim3A_1316] : memref<512x32xf32, #tpu.memory_space<vmem>>[vector<16xi32>, vector<16xi32>], vector<16xf32>,
      %gather3A_1318 = tpu.vector_load_idx %arg19[%add3A_1229, %broadcast_in_dim3A_1316] : memref<512x32xf32, #tpu.memory_space<vmem>>[vector<16xi32>, vector<16xi32>], vector<16xf32>,
      %mul3A_1319 = arith.mulf %gather3A_1317, %gather3A_1318 : vector<16xf32>
      %add3A_1320 = arith.addf %add3A_1314, %mul3A_1319 : vector<16xf32>
      %broadcast_in_dim3A_1321 = arith.constant 15 : i32
      %broadcast_in_dim3A_1322 = vector.broadcast %broadcast_in_dim3A_1321 : i32 to vector<16xi32>
      %gather3A_1323 = tpu.vector_load_idx %arg18[%add3A_1229, %broadcast_in_dim3A_1322] : memref<512x32xf32, #tpu.memory_space<vmem>>[vector<16xi32>, vector<16xi32>], vector<16xf32>,
      %gather3A_1324 = tpu.vector_load_idx %arg19[%add3A_1229, %broadcast_in_dim3A_1322] : memref<512x32xf32, #tpu.memory_space<vmem>>[vector<16xi32>, vector<16xi32>], vector<16xf32>,
      %mul3A_1325 = arith.mulf %gather3A_1323, %gather3A_1324 : vector<16xf32>
      %add3A_1326 = arith.addf %add3A_1320, %mul3A_1325 : vector<16xf32>
      %broadcast_in_dim3A_1327 = arith.constant 16 : i32
      %broadcast_in_dim3A_1328 = vector.broadcast %broadcast_in_dim3A_1327 : i32 to vector<16xi32>
      %gather3A_1329 = tpu.vector_load_idx %arg18[%add3A_1229, %broadcast_in_dim3A_1328] : memref<512x32xf32, #tpu.memory_space<vmem>>[vector<16xi32>, vector<16xi32>], vector<16xf32>,
      %gather3A_1330 = tpu.vector_load_idx %arg19[%add3A_1229, %broadcast_in_dim3A_1328] : memref<512x32xf32, #tpu.memory_space<vmem>>[vector<16xi32>, vector<16xi32>], vector<16xf32>,
      %mul3A_1331 = arith.mulf %gather3A_1329, %gather3A_1330 : vector<16xf32>
      %add3A_1332 = arith.addf %add3A_1326, %mul3A_1331 : vector<16xf32>
      %broadcast_in_dim3A_1333 = arith.constant 17 : i32
      %broadcast_in_dim3A_1334 = vector.broadcast %broadcast_in_dim3A_1333 : i32 to vector<16xi32>
      %gather3A_1335 = tpu.vector_load_idx %arg18[%add3A_1229, %broadcast_in_dim3A_1334] : memref<512x32xf32, #tpu.memory_space<vmem>>[vector<16xi32>, vector<16xi32>], vector<16xf32>,
      %gather3A_1336 = tpu.vector_load_idx %arg19[%add3A_1229, %broadcast_in_dim3A_1334] : memref<512x32xf32, #tpu.memory_space<vmem>>[vector<16xi32>, vector<16xi32>], vector<16xf32>,
      %mul3A_1337 = arith.mulf %gather3A_1335, %gather3A_1336 : vector<16xf32>
      %add3A_1338 = arith.addf %add3A_1332, %mul3A_1337 : vector<16xf32>
      %broadcast_in_dim3A_1339 = arith.constant 18 : i32
      %broadcast_in_dim3A_1340 = vector.broadcast %broadcast_in_dim3A_1339 : i32 to vector<16xi32>
      %gather3A_1341 = tpu.vector_load_idx %arg18[%add3A_1229, %broadcast_in_dim3A_1340] : memref<512x32xf32, #tpu.memory_space<vmem>>[vector<16xi32>, vector<16xi32>], vector<16xf32>,
      %gather3A_1342 = tpu.vector_load_idx %arg19[%add3A_1229, %broadcast_in_dim3A_1340] : memref<512x32xf32, #tpu.memory_space<vmem>>[vector<16xi32>, vector<16xi32>], vector<16xf32>,
      %mul3A_1343 = arith.mulf %gather3A_1341, %gather3A_1342 : vector<16xf32>
      %add3A_1344 = arith.addf %add3A_1338, %mul3A_1343 : vector<16xf32>
      %broadcast_in_dim3A_1345 = arith.constant 19 : i32
      %broadcast_in_dim3A_1346 = vector.broadcast %broadcast_in_dim3A_1345 : i32 to vector<16xi32>
      %gather3A_1347 = tpu.vector_load_idx %arg18[%add3A_1229, %broadcast_in_dim3A_1346] : memref<512x32xf32, #tpu.memory_space<vmem>>[vector<16xi32>, vector<16xi32>], vector<16xf32>,
      %gather3A_1348 = tpu.vector_load_idx %arg19[%add3A_1229, %broadcast_in_dim3A_1346] : memref<512x32xf32, #tpu.memory_space<vmem>>[vector<16xi32>, vector<16xi32>], vector<16xf32>,
      %mul3A_1349 = arith.mulf %gather3A_1347, %gather3A_1348 : vector<16xf32>
      %add3A_1350 = arith.addf %add3A_1344, %mul3A_1349 : vector<16xf32>
      %broadcast_in_dim3A_1351 = arith.constant 20 : i32
      %broadcast_in_dim3A_1352 = vector.broadcast %broadcast_in_dim3A_1351 : i32 to vector<16xi32>
      %gather3A_1353 = tpu.vector_load_idx %arg18[%add3A_1229, %broadcast_in_dim3A_1352] : memref<512x32xf32, #tpu.memory_space<vmem>>[vector<16xi32>, vector<16xi32>], vector<16xf32>,
      %gather3A_1354 = tpu.vector_load_idx %arg19[%add3A_1229, %broadcast_in_dim3A_1352] : memref<512x32xf32, #tpu.memory_space<vmem>>[vector<16xi32>, vector<16xi32>], vector<16xf32>,
      %mul3A_1355 = arith.mulf %gather3A_1353, %gather3A_1354 : vector<16xf32>
      %add3A_1356 = arith.addf %add3A_1350, %mul3A_1355 : vector<16xf32>
      %broadcast_in_dim3A_1357 = arith.constant 21 : i32
      %broadcast_in_dim3A_1358 = vector.broadcast %broadcast_in_dim3A_1357 : i32 to vector<16xi32>
      %gather3A_1359 = tpu.vector_load_idx %arg18[%add3A_1229, %broadcast_in_dim3A_1358] : memref<512x32xf32, #tpu.memory_space<vmem>>[vector<16xi32>, vector<16xi32>], vector<16xf32>,
      %gather3A_1360 = tpu.vector_load_idx %arg19[%add3A_1229, %broadcast_in_dim3A_1358] : memref<512x32xf32, #tpu.memory_space<vmem>>[vector<16xi32>, vector<16xi32>], vector<16xf32>,
      %mul3A_1361 = arith.mulf %gather3A_1359, %gather3A_1360 : vector<16xf32>
      %add3A_1362 = arith.addf %add3A_1356, %mul3A_1361 : vector<16xf32>
      %broadcast_in_dim3A_1363 = arith.constant 22 : i32
      %broadcast_in_dim3A_1364 = vector.broadcast %broadcast_in_dim3A_1363 : i32 to vector<16xi32>
      %gather3A_1365 = tpu.vector_load_idx %arg18[%add3A_1229, %broadcast_in_dim3A_1364] : memref<512x32xf32, #tpu.memory_space<vmem>>[vector<16xi32>, vector<16xi32>], vector<16xf32>,
      %gather3A_1366 = tpu.vector_load_idx %arg19[%add3A_1229, %broadcast_in_dim3A_1364] : memref<512x32xf32, #tpu.memory_space<vmem>>[vector<16xi32>, vector<16xi32>], vector<16xf32>,
      %mul3A_1367 = arith.mulf %gather3A_1365, %gather3A_1366 : vector<16xf32>
      %add3A_1368 = arith.addf %add3A_1362, %mul3A_1367 : vector<16xf32>
      %broadcast_in_dim3A_1369 = arith.constant 23 : i32
      %broadcast_in_dim3A_1370 = vector.broadcast %broadcast_in_dim3A_1369 : i32 to vector<16xi32>
      %gather3A_1371 = tpu.vector_load_idx %arg18[%add3A_1229, %broadcast_in_dim3A_1370] : memref<512x32xf32, #tpu.memory_space<vmem>>[vector<16xi32>, vector<16xi32>], vector<16xf32>,
      %gather3A_1372 = tpu.vector_load_idx %arg19[%add3A_1229, %broadcast_in_dim3A_1370] : memref<512x32xf32, #tpu.memory_space<vmem>>[vector<16xi32>, vector<16xi32>], vector<16xf32>,
      %mul3A_1373 = arith.mulf %gather3A_1371, %gather3A_1372 : vector<16xf32>
      %add3A_1374 = arith.addf %add3A_1368, %mul3A_1373 : vector<16xf32>
      %broadcast_in_dim3A_1375 = arith.constant 24 : i32
      %broadcast_in_dim3A_1376 = vector.broadcast %broadcast_in_dim3A_1375 : i32 to vector<16xi32>
      %gather3A_1377 = tpu.vector_load_idx %arg18[%add3A_1229, %broadcast_in_dim3A_1376] : memref<512x32xf32, #tpu.memory_space<vmem>>[vector<16xi32>, vector<16xi32>], vector<16xf32>,
      %gather3A_1378 = tpu.vector_load_idx %arg19[%add3A_1229, %broadcast_in_dim3A_1376] : memref<512x32xf32, #tpu.memory_space<vmem>>[vector<16xi32>, vector<16xi32>], vector<16xf32>,
      %mul3A_1379 = arith.mulf %gather3A_1377, %gather3A_1378 : vector<16xf32>
      %add3A_1380 = arith.addf %add3A_1374, %mul3A_1379 : vector<16xf32>
      %broadcast_in_dim3A_1381 = arith.constant 25 : i32
      %broadcast_in_dim3A_1382 = vector.broadcast %broadcast_in_dim3A_1381 : i32 to vector<16xi32>
      %gather3A_1383 = tpu.vector_load_idx %arg18[%add3A_1229, %broadcast_in_dim3A_1382] : memref<512x32xf32, #tpu.memory_space<vmem>>[vector<16xi32>, vector<16xi32>], vector<16xf32>,
      %gather3A_1384 = tpu.vector_load_idx %arg19[%add3A_1229, %broadcast_in_dim3A_1382] : memref<512x32xf32, #tpu.memory_space<vmem>>[vector<16xi32>, vector<16xi32>], vector<16xf32>,
      %mul3A_1385 = arith.mulf %gather3A_1383, %gather3A_1384 : vector<16xf32>
      %add3A_1386 = arith.addf %add3A_1380, %mul3A_1385 : vector<16xf32>
      %broadcast_in_dim3A_1387 = arith.constant 26 : i32
      %broadcast_in_dim3A_1388 = vector.broadcast %broadcast_in_dim3A_1387 : i32 to vector<16xi32>
      %gather3A_1389 = tpu.vector_load_idx %arg18[%add3A_1229, %broadcast_in_dim3A_1388] : memref<512x32xf32, #tpu.memory_space<vmem>>[vector<16xi32>, vector<16xi32>], vector<16xf32>,
      %gather3A_1390 = tpu.vector_load_idx %arg19[%add3A_1229, %broadcast_in_dim3A_1388] : memref<512x32xf32, #tpu.memory_space<vmem>>[vector<16xi32>, vector<16xi32>], vector<16xf32>,
      %mul3A_1391 = arith.mulf %gather3A_1389, %gather3A_1390 : vector<16xf32>
      %add3A_1392 = arith.addf %add3A_1386, %mul3A_1391 : vector<16xf32>
      %broadcast_in_dim3A_1393 = arith.constant 27 : i32
      %broadcast_in_dim3A_1394 = vector.broadcast %broadcast_in_dim3A_1393 : i32 to vector<16xi32>
      %gather3A_1395 = tpu.vector_load_idx %arg18[%add3A_1229, %broadcast_in_dim3A_1394] : memref<512x32xf32, #tpu.memory_space<vmem>>[vector<16xi32>, vector<16xi32>], vector<16xf32>,
      %gather3A_1396 = tpu.vector_load_idx %arg19[%add3A_1229, %broadcast_in_dim3A_1394] : memref<512x32xf32, #tpu.memory_space<vmem>>[vector<16xi32>, vector<16xi32>], vector<16xf32>,
      %mul3A_1397 = arith.mulf %gather3A_1395, %gather3A_1396 : vector<16xf32>
      %add3A_1398 = arith.addf %add3A_1392, %mul3A_1397 : vector<16xf32>
      %broadcast_in_dim3A_1399 = arith.constant 28 : i32
      %broadcast_in_dim3A_1400 = vector.broadcast %broadcast_in_dim3A_1399 : i32 to vector<16xi32>
      %gather3A_1401 = tpu.vector_load_idx %arg18[%add3A_1229, %broadcast_in_dim3A_1400] : memref<512x32xf32, #tpu.memory_space<vmem>>[vector<16xi32>, vector<16xi32>], vector<16xf32>,
      %gather3A_1402 = tpu.vector_load_idx %arg19[%add3A_1229, %broadcast_in_dim3A_1400] : memref<512x32xf32, #tpu.memory_space<vmem>>[vector<16xi32>, vector<16xi32>], vector<16xf32>,
      %mul3A_1403 = arith.mulf %gather3A_1401, %gather3A_1402 : vector<16xf32>
      %add3A_1404 = arith.addf %add3A_1398, %mul3A_1403 : vector<16xf32>
      %broadcast_in_dim3A_1405 = arith.constant 29 : i32
      %broadcast_in_dim3A_1406 = vector.broadcast %broadcast_in_dim3A_1405 : i32 to vector<16xi32>
      %gather3A_1407 = tpu.vector_load_idx %arg18[%add3A_1229, %broadcast_in_dim3A_1406] : memref<512x32xf32, #tpu.memory_space<vmem>>[vector<16xi32>, vector<16xi32>], vector<16xf32>,
      %gather3A_1408 = tpu.vector_load_idx %arg19[%add3A_1229, %broadcast_in_dim3A_1406] : memref<512x32xf32, #tpu.memory_space<vmem>>[vector<16xi32>, vector<16xi32>], vector<16xf32>,
      %mul3A_1409 = arith.mulf %gather3A_1407, %gather3A_1408 : vector<16xf32>
      %add3A_1410 = arith.addf %add3A_1404, %mul3A_1409 : vector<16xf32>
      %broadcast_in_dim3A_1411 = arith.constant 30 : i32
      %broadcast_in_dim3A_1412 = vector.broadcast %broadcast_in_dim3A_1411 : i32 to vector<16xi32>
      %gather3A_1413 = tpu.vector_load_idx %arg18[%add3A_1229, %broadcast_in_dim3A_1412] : memref<512x32xf32, #tpu.memory_space<vmem>>[vector<16xi32>, vector<16xi32>], vector<16xf32>,
      %gather3A_1414 = tpu.vector_load_idx %arg19[%add3A_1229, %broadcast_in_dim3A_1412] : memref<512x32xf32, #tpu.memory_space<vmem>>[vector<16xi32>, vector<16xi32>], vector<16xf32>,
      %mul3A_1415 = arith.mulf %gather3A_1413, %gather3A_1414 : vector<16xf32>
      %add3A_1416 = arith.addf %add3A_1410, %mul3A_1415 : vector<16xf32>
      %broadcast_in_dim3A_1417 = arith.constant 31 : i32
      %broadcast_in_dim3A_1418 = vector.broadcast %broadcast_in_dim3A_1417 : i32 to vector<16xi32>
      %gather3A_1419 = tpu.vector_load_idx %arg18[%add3A_1229, %broadcast_in_dim3A_1418] : memref<512x32xf32, #tpu.memory_space<vmem>>[vector<16xi32>, vector<16xi32>], vector<16xf32>,
      %gather3A_1420 = tpu.vector_load_idx %arg19[%add3A_1229, %broadcast_in_dim3A_1418] : memref<512x32xf32, #tpu.memory_space<vmem>>[vector<16xi32>, vector<16xi32>], vector<16xf32>,
      %mul3A_1421 = arith.mulf %gather3A_1419, %gather3A_1420 : vector<16xf32>
      %add3A_1422 = arith.addf %add3A_1416, %mul3A_1421 : vector<16xf32>
      tpu.vector_store_idx %arg20[%add3A_1229], %add3A_1422 : memref<512xf32, #tpu.memory_space<vmem>>[vector<16xi32>], vector<16xf32>,
    }
    %scan3A_610 = arith.constant 32 : i32
    "tpu.region"() ({
      %run_scoped3A = tpu.sem_alloc : memref<!tpu.dma_semaphore, #tpu.memory_space<semaphore_mem>>
      %dma_start3A_1225 = tpu.memref_slice %arg10[%mul3A_2] : memref<16384xf32, #tpu.memory_space<hbm>> -> memref<512xf32, #tpu.memory_space<hbm>>
      %dma_start3A_1226 = tpu.memref_slice %arg10[%mul3A_2] : memref<16384xf32, #tpu.memory_space<hbm>> -> memref<512xf32, #tpu.memory_space<hbm>>
      tpu.enqueue_dma source(%arg20 : memref<512xf32, #tpu.memory_space<vmem>>) target(%dma_start3A_1226 : memref<512xf32, #tpu.memory_space<hbm>>) target_semaphore(%run_scoped3A : memref<!tpu.dma_semaphore, #tpu.memory_space<semaphore_mem>>)
      %dma_wait3A_1227 = tpu.memref_slice %arg10[%mul3A_2] : memref<16384xf32, #tpu.memory_space<hbm>> -> memref<512xf32, #tpu.memory_space<hbm>>
      %dma_wait3A_1228 = tpu.memref_slice %arg10[%mul3A_2] : memref<16384xf32, #tpu.memory_space<hbm>> -> memref<512xf32, #tpu.memory_space<hbm>>
      tpu.wait_dma2 semaphore(%run_scoped3A : memref<!tpu.dma_semaphore, #tpu.memory_space<semaphore_mem>>) src(%arg20 : memref<512xf32, #tpu.memory_space<vmem>>) dst(%dma_wait3A_1228 : memref<512xf32, #tpu.memory_space<hbm>>)
      tpu.yield
    }) : () -> ()
    "tpu.region"() ({
      %run_scoped3A = tpu.sem_alloc : memref<!tpu.dma_semaphore, #tpu.memory_space<semaphore_mem>>
      %dma_start3A_1225 = tpu.memref_slice %arg8[%mul3A_2] : memref<16384xi32, #tpu.memory_space<hbm>> -> memref<512xi32, #tpu.memory_space<hbm>>
      %dma_start3A_1226 = tpu.memref_slice %arg8[%mul3A_2] : memref<16384xi32, #tpu.memory_space<hbm>> -> memref<512xi32, #tpu.memory_space<hbm>>
      tpu.enqueue_dma source(%dma_start3A_1226 : memref<512xi32, #tpu.memory_space<hbm>>) target(%arg14 : memref<512xi32, #tpu.memory_space<vmem>>) target_semaphore(%run_scoped3A : memref<!tpu.dma_semaphore, #tpu.memory_space<semaphore_mem>>)
      %dma_wait3A_1227 = tpu.memref_slice %arg8[%mul3A_2] : memref<16384xi32, #tpu.memory_space<hbm>> -> memref<512xi32, #tpu.memory_space<hbm>>
      %dma_wait3A_1228 = tpu.memref_slice %arg8[%mul3A_2] : memref<16384xi32, #tpu.memory_space<hbm>> -> memref<512xi32, #tpu.memory_space<hbm>>
      tpu.wait_dma2 semaphore(%run_scoped3A : memref<!tpu.dma_semaphore, #tpu.memory_space<semaphore_mem>>) src(%dma_wait3A_1228 : memref<512xi32, #tpu.memory_space<hbm>>) dst(%arg14 : memref<512xi32, #tpu.memory_space<vmem>>)
      tpu.yield
    }) : () -> ()
    "tpu.region"() ({
      %run_scoped3A = tpu.sem_alloc : memref<!tpu.dma_semaphore, #tpu.memory_space<semaphore_mem>>
      %dma_start3A_1225 = tpu.memref_slice %arg9[%mul3A_2] : memref<16384xi32, #tpu.memory_space<hbm>> -> memref<512xi32, #tpu.memory_space<hbm>>
      %dma_start3A_1226 = tpu.memref_slice %arg9[%mul3A_2] : memref<16384xi32, #tpu.memory_space<hbm>> -> memref<512xi32, #tpu.memory_space<hbm>>
      tpu.enqueue_dma source(%dma_start3A_1226 : memref<512xi32, #tpu.memory_space<hbm>>) target(%arg15 : memref<512xi32, #tpu.memory_space<vmem>>) target_semaphore(%run_scoped3A : memref<!tpu.dma_semaphore, #tpu.memory_space<semaphore_mem>>)
      %dma_wait3A_1227 = tpu.memref_slice %arg9[%mul3A_2] : memref<16384xi32, #tpu.memory_space<hbm>> -> memref<512xi32, #tpu.memory_space<hbm>>
      %dma_wait3A_1228 = tpu.memref_slice %arg9[%mul3A_2] : memref<16384xi32, #tpu.memory_space<hbm>> -> memref<512xi32, #tpu.memory_space<hbm>>
      tpu.wait_dma2 semaphore(%run_scoped3A : memref<!tpu.dma_semaphore, #tpu.memory_space<semaphore_mem>>) src(%dma_wait3A_1228 : memref<512xi32, #tpu.memory_space<hbm>>) dst(%arg15 : memref<512xi32, #tpu.memory_space<vmem>>)
      tpu.yield
    }) : () -> ()
    %get3A_611 = arith.constant 0 : index
    %get3A_612 = tpu.vector_load %arg14[%get3A_611] {strides = array<i32>} : memref<512xi32, #tpu.memory_space<vmem>>, vector<16xi32>,
    %get3A_613 = arith.constant 0 : index
    %get3A_614 = tpu.vector_load %arg15[%get3A_613] {strides = array<i32>} : memref<512xi32, #tpu.memory_space<vmem>>, vector<16xi32>,
    %gather3A_615 = tpu.vector_load_idx %arg12[%get3A_612] : memref<16384xi32, #tpu.memory_space<vmem>>[vector<16xi32>], vector<16xi32>,
    %gather3A_616 = tpu.vector_load_idx %arg13[%get3A_614] : memref<16384xi32, #tpu.memory_space<vmem>>[vector<16xi32>], vector<16xi32>,
    %swap3A_617 = arith.constant 0 : i32
    %swap3A_618 = arith.index_cast %swap3A_617 : i32 to index
    %swap3A_619 = arith.constant 0 : index
    %swap3A_620 = tpu.vector_load %arg16[%swap3A_618, %swap3A_619] {strides = array<i32>} : memref<4x128xi32, #tpu.memory_space<vmem>>, vector<16xi32>,
    tpu.vector_store %arg16[%swap3A_618, %swap3A_619], %gather3A_615 {strides = array<i32>} : memref<4x128xi32, #tpu.memory_space<vmem>>, vector<16xi32>,
    %swap3A_621 = arith.constant 0 : i32
    %swap3A_622 = arith.index_cast %swap3A_621 : i32 to index
    %swap3A_623 = arith.constant 0 : index
    %swap3A_624 = tpu.vector_load %arg17[%swap3A_622, %swap3A_623] {strides = array<i32>} : memref<4x128xi32, #tpu.memory_space<vmem>>, vector<16xi32>,
    tpu.vector_store %arg17[%swap3A_622, %swap3A_623], %gather3A_616 {strides = array<i32>} : memref<4x128xi32, #tpu.memory_space<vmem>>, vector<16xi32>,
    %get3A_625 = arith.constant 16 : index
    %get3A_626 = tpu.vector_load %arg14[%get3A_625] {strides = array<i32>} : memref<512xi32, #tpu.memory_space<vmem>>, vector<16xi32>,
    %get3A_627 = arith.constant 16 : index
    %get3A_628 = tpu.vector_load %arg15[%get3A_627] {strides = array<i32>} : memref<512xi32, #tpu.memory_space<vmem>>, vector<16xi32>,
    %gather3A_629 = tpu.vector_load_idx %arg12[%get3A_626] : memref<16384xi32, #tpu.memory_space<vmem>>[vector<16xi32>], vector<16xi32>,
    %gather3A_630 = tpu.vector_load_idx %arg13[%get3A_628] : memref<16384xi32, #tpu.memory_space<vmem>>[vector<16xi32>], vector<16xi32>,
    %swap3A_631 = arith.constant 0 : i32
    %swap3A_632 = arith.index_cast %swap3A_631 : i32 to index
    %swap3A_633 = arith.constant 16 : index
    %swap3A_634 = tpu.vector_load %arg16[%swap3A_632, %swap3A_633] {strides = array<i32>} : memref<4x128xi32, #tpu.memory_space<vmem>>, vector<16xi32>,
    tpu.vector_store %arg16[%swap3A_632, %swap3A_633], %gather3A_629 {strides = array<i32>} : memref<4x128xi32, #tpu.memory_space<vmem>>, vector<16xi32>,
    %swap3A_635 = arith.constant 0 : i32
    %swap3A_636 = arith.index_cast %swap3A_635 : i32 to index
    %swap3A_637 = arith.constant 16 : index
    %swap3A_638 = tpu.vector_load %arg17[%swap3A_636, %swap3A_637] {strides = array<i32>} : memref<4x128xi32, #tpu.memory_space<vmem>>, vector<16xi32>,
    tpu.vector_store %arg17[%swap3A_636, %swap3A_637], %gather3A_630 {strides = array<i32>} : memref<4x128xi32, #tpu.memory_space<vmem>>, vector<16xi32>,
    %get3A_639 = arith.constant 32 : index
    %get3A_640 = tpu.vector_load %arg14[%get3A_639] {strides = array<i32>} : memref<512xi32, #tpu.memory_space<vmem>>, vector<16xi32>,
    %get3A_641 = arith.constant 32 : index
    %get3A_642 = tpu.vector_load %arg15[%get3A_641] {strides = array<i32>} : memref<512xi32, #tpu.memory_space<vmem>>, vector<16xi32>,
    %gather3A_643 = tpu.vector_load_idx %arg12[%get3A_640] : memref<16384xi32, #tpu.memory_space<vmem>>[vector<16xi32>], vector<16xi32>,
    %gather3A_644 = tpu.vector_load_idx %arg13[%get3A_642] : memref<16384xi32, #tpu.memory_space<vmem>>[vector<16xi32>], vector<16xi32>,
    %swap3A_645 = arith.constant 0 : i32
    %swap3A_646 = arith.index_cast %swap3A_645 : i32 to index
    %swap3A_647 = arith.constant 32 : index
    %swap3A_648 = tpu.vector_load %arg16[%swap3A_646, %swap3A_647] {strides = array<i32>} : memref<4x128xi32, #tpu.memory_space<vmem>>, vector<16xi32>,
    tpu.vector_store %arg16[%swap3A_646, %swap3A_647], %gather3A_643 {strides = array<i32>} : memref<4x128xi32, #tpu.memory_space<vmem>>, vector<16xi32>,
    %swap3A_649 = arith.constant 0 : i32
    %swap3A_650 = arith.index_cast %swap3A_649 : i32 to index
    %swap3A_651 = arith.constant 32 : index
    %swap3A_652 = tpu.vector_load %arg17[%swap3A_650, %swap3A_651] {strides = array<i32>} : memref<4x128xi32, #tpu.memory_space<vmem>>, vector<16xi32>,
    tpu.vector_store %arg17[%swap3A_650, %swap3A_651], %gather3A_644 {strides = array<i32>} : memref<4x128xi32, #tpu.memory_space<vmem>>, vector<16xi32>,
    %get3A_653 = arith.constant 48 : index
    %get3A_654 = tpu.vector_load %arg14[%get3A_653] {strides = array<i32>} : memref<512xi32, #tpu.memory_space<vmem>>, vector<16xi32>,
    %get3A_655 = arith.constant 48 : index
    %get3A_656 = tpu.vector_load %arg15[%get3A_655] {strides = array<i32>} : memref<512xi32, #tpu.memory_space<vmem>>, vector<16xi32>,
    %gather3A_657 = tpu.vector_load_idx %arg12[%get3A_654] : memref<16384xi32, #tpu.memory_space<vmem>>[vector<16xi32>], vector<16xi32>,
    %gather3A_658 = tpu.vector_load_idx %arg13[%get3A_656] : memref<16384xi32, #tpu.memory_space<vmem>>[vector<16xi32>], vector<16xi32>,
    %swap3A_659 = arith.constant 0 : i32
    %swap3A_660 = arith.index_cast %swap3A_659 : i32 to index
    %swap3A_661 = arith.constant 48 : index
    %swap3A_662 = tpu.vector_load %arg16[%swap3A_660, %swap3A_661] {strides = array<i32>} : memref<4x128xi32, #tpu.memory_space<vmem>>, vector<16xi32>,
    tpu.vector_store %arg16[%swap3A_660, %swap3A_661], %gather3A_657 {strides = array<i32>} : memref<4x128xi32, #tpu.memory_space<vmem>>, vector<16xi32>,
    %swap3A_663 = arith.constant 0 : i32
    %swap3A_664 = arith.index_cast %swap3A_663 : i32 to index
    %swap3A_665 = arith.constant 48 : index
    %swap3A_666 = tpu.vector_load %arg17[%swap3A_664, %swap3A_665] {strides = array<i32>} : memref<4x128xi32, #tpu.memory_space<vmem>>, vector<16xi32>,
    tpu.vector_store %arg17[%swap3A_664, %swap3A_665], %gather3A_658 {strides = array<i32>} : memref<4x128xi32, #tpu.memory_space<vmem>>, vector<16xi32>,
    %get3A_667 = arith.constant 64 : index
    %get3A_668 = tpu.vector_load %arg14[%get3A_667] {strides = array<i32>} : memref<512xi32, #tpu.memory_space<vmem>>, vector<16xi32>,
    %get3A_669 = arith.constant 64 : index
    %get3A_670 = tpu.vector_load %arg15[%get3A_669] {strides = array<i32>} : memref<512xi32, #tpu.memory_space<vmem>>, vector<16xi32>,
    %gather3A_671 = tpu.vector_load_idx %arg12[%get3A_668] : memref<16384xi32, #tpu.memory_space<vmem>>[vector<16xi32>], vector<16xi32>,
    %gather3A_672 = tpu.vector_load_idx %arg13[%get3A_670] : memref<16384xi32, #tpu.memory_space<vmem>>[vector<16xi32>], vector<16xi32>,
    %swap3A_673 = arith.constant 0 : i32
    %swap3A_674 = arith.index_cast %swap3A_673 : i32 to index
    %swap3A_675 = arith.constant 64 : index
    %swap3A_676 = tpu.vector_load %arg16[%swap3A_674, %swap3A_675] {strides = array<i32>} : memref<4x128xi32, #tpu.memory_space<vmem>>, vector<16xi32>,
    tpu.vector_store %arg16[%swap3A_674, %swap3A_675], %gather3A_671 {strides = array<i32>} : memref<4x128xi32, #tpu.memory_space<vmem>>, vector<16xi32>,
    %swap3A_677 = arith.constant 0 : i32
    %swap3A_678 = arith.index_cast %swap3A_677 : i32 to index
    %swap3A_679 = arith.constant 64 : index
    %swap3A_680 = tpu.vector_load %arg17[%swap3A_678, %swap3A_679] {strides = array<i32>} : memref<4x128xi32, #tpu.memory_space<vmem>>, vector<16xi32>,
    tpu.vector_store %arg17[%swap3A_678, %swap3A_679], %gather3A_672 {strides = array<i32>} : memref<4x128xi32, #tpu.memory_space<vmem>>, vector<16xi32>,
    %get3A_681 = arith.constant 80 : index
    %get3A_682 = tpu.vector_load %arg14[%get3A_681] {strides = array<i32>} : memref<512xi32, #tpu.memory_space<vmem>>, vector<16xi32>,
    %get3A_683 = arith.constant 80 : index
    %get3A_684 = tpu.vector_load %arg15[%get3A_683] {strides = array<i32>} : memref<512xi32, #tpu.memory_space<vmem>>, vector<16xi32>,
    %gather3A_685 = tpu.vector_load_idx %arg12[%get3A_682] : memref<16384xi32, #tpu.memory_space<vmem>>[vector<16xi32>], vector<16xi32>,
    %gather3A_686 = tpu.vector_load_idx %arg13[%get3A_684] : memref<16384xi32, #tpu.memory_space<vmem>>[vector<16xi32>], vector<16xi32>,
    %swap3A_687 = arith.constant 0 : i32
    %swap3A_688 = arith.index_cast %swap3A_687 : i32 to index
    %swap3A_689 = arith.constant 80 : index
    %swap3A_690 = tpu.vector_load %arg16[%swap3A_688, %swap3A_689] {strides = array<i32>} : memref<4x128xi32, #tpu.memory_space<vmem>>, vector<16xi32>,
    tpu.vector_store %arg16[%swap3A_688, %swap3A_689], %gather3A_685 {strides = array<i32>} : memref<4x128xi32, #tpu.memory_space<vmem>>, vector<16xi32>,
    %swap3A_691 = arith.constant 0 : i32
    %swap3A_692 = arith.index_cast %swap3A_691 : i32 to index
    %swap3A_693 = arith.constant 80 : index
    %swap3A_694 = tpu.vector_load %arg17[%swap3A_692, %swap3A_693] {strides = array<i32>} : memref<4x128xi32, #tpu.memory_space<vmem>>, vector<16xi32>,
    tpu.vector_store %arg17[%swap3A_692, %swap3A_693], %gather3A_686 {strides = array<i32>} : memref<4x128xi32, #tpu.memory_space<vmem>>, vector<16xi32>,
    %get3A_695 = arith.constant 96 : index
    %get3A_696 = tpu.vector_load %arg14[%get3A_695] {strides = array<i32>} : memref<512xi32, #tpu.memory_space<vmem>>, vector<16xi32>,
    %get3A_697 = arith.constant 96 : index
    %get3A_698 = tpu.vector_load %arg15[%get3A_697] {strides = array<i32>} : memref<512xi32, #tpu.memory_space<vmem>>, vector<16xi32>,
    %gather3A_699 = tpu.vector_load_idx %arg12[%get3A_696] : memref<16384xi32, #tpu.memory_space<vmem>>[vector<16xi32>], vector<16xi32>,
    %gather3A_700 = tpu.vector_load_idx %arg13[%get3A_698] : memref<16384xi32, #tpu.memory_space<vmem>>[vector<16xi32>], vector<16xi32>,
    %swap3A_701 = arith.constant 0 : i32
    %swap3A_702 = arith.index_cast %swap3A_701 : i32 to index
    %swap3A_703 = arith.constant 96 : index
    %swap3A_704 = tpu.vector_load %arg16[%swap3A_702, %swap3A_703] {strides = array<i32>} : memref<4x128xi32, #tpu.memory_space<vmem>>, vector<16xi32>,
    tpu.vector_store %arg16[%swap3A_702, %swap3A_703], %gather3A_699 {strides = array<i32>} : memref<4x128xi32, #tpu.memory_space<vmem>>, vector<16xi32>,
    %swap3A_705 = arith.constant 0 : i32
    %swap3A_706 = arith.index_cast %swap3A_705 : i32 to index
    %swap3A_707 = arith.constant 96 : index
    %swap3A_708 = tpu.vector_load %arg17[%swap3A_706, %swap3A_707] {strides = array<i32>} : memref<4x128xi32, #tpu.memory_space<vmem>>, vector<16xi32>,
    tpu.vector_store %arg17[%swap3A_706, %swap3A_707], %gather3A_700 {strides = array<i32>} : memref<4x128xi32, #tpu.memory_space<vmem>>, vector<16xi32>,
    %get3A_709 = arith.constant 112 : index
    %get3A_710 = tpu.vector_load %arg14[%get3A_709] {strides = array<i32>} : memref<512xi32, #tpu.memory_space<vmem>>, vector<16xi32>,
    %get3A_711 = arith.constant 112 : index
    %get3A_712 = tpu.vector_load %arg15[%get3A_711] {strides = array<i32>} : memref<512xi32, #tpu.memory_space<vmem>>, vector<16xi32>,
    %gather3A_713 = tpu.vector_load_idx %arg12[%get3A_710] : memref<16384xi32, #tpu.memory_space<vmem>>[vector<16xi32>], vector<16xi32>,
    %gather3A_714 = tpu.vector_load_idx %arg13[%get3A_712] : memref<16384xi32, #tpu.memory_space<vmem>>[vector<16xi32>], vector<16xi32>,
    %swap3A_715 = arith.constant 0 : i32
    %swap3A_716 = arith.index_cast %swap3A_715 : i32 to index
    %swap3A_717 = arith.constant 112 : index
    %swap3A_718 = tpu.vector_load %arg16[%swap3A_716, %swap3A_717] {strides = array<i32>} : memref<4x128xi32, #tpu.memory_space<vmem>>, vector<16xi32>,
    tpu.vector_store %arg16[%swap3A_716, %swap3A_717], %gather3A_713 {strides = array<i32>} : memref<4x128xi32, #tpu.memory_space<vmem>>, vector<16xi32>,
    %swap3A_719 = arith.constant 0 : i32
    %swap3A_720 = arith.index_cast %swap3A_719 : i32 to index
    %swap3A_721 = arith.constant 112 : index
    %swap3A_722 = tpu.vector_load %arg17[%swap3A_720, %swap3A_721] {strides = array<i32>} : memref<4x128xi32, #tpu.memory_space<vmem>>, vector<16xi32>,
    tpu.vector_store %arg17[%swap3A_720, %swap3A_721], %gather3A_714 {strides = array<i32>} : memref<4x128xi32, #tpu.memory_space<vmem>>, vector<16xi32>,
    %get3A_723 = arith.constant 128 : index
    %get3A_724 = tpu.vector_load %arg14[%get3A_723] {strides = array<i32>} : memref<512xi32, #tpu.memory_space<vmem>>, vector<16xi32>,
    %get3A_725 = arith.constant 128 : index
    %get3A_726 = tpu.vector_load %arg15[%get3A_725] {strides = array<i32>} : memref<512xi32, #tpu.memory_space<vmem>>, vector<16xi32>,
    %gather3A_727 = tpu.vector_load_idx %arg12[%get3A_724] : memref<16384xi32, #tpu.memory_space<vmem>>[vector<16xi32>], vector<16xi32>,
    %gather3A_728 = tpu.vector_load_idx %arg13[%get3A_726] : memref<16384xi32, #tpu.memory_space<vmem>>[vector<16xi32>], vector<16xi32>,
    %swap3A_729 = arith.constant 1 : i32
    %swap3A_730 = arith.index_cast %swap3A_729 : i32 to index
    %swap3A_731 = arith.constant 0 : index
    %swap3A_732 = tpu.vector_load %arg16[%swap3A_730, %swap3A_731] {strides = array<i32>} : memref<4x128xi32, #tpu.memory_space<vmem>>, vector<16xi32>,
    tpu.vector_store %arg16[%swap3A_730, %swap3A_731], %gather3A_727 {strides = array<i32>} : memref<4x128xi32, #tpu.memory_space<vmem>>, vector<16xi32>,
    %swap3A_733 = arith.constant 1 : i32
    %swap3A_734 = arith.index_cast %swap3A_733 : i32 to index
    %swap3A_735 = arith.constant 0 : index
    %swap3A_736 = tpu.vector_load %arg17[%swap3A_734, %swap3A_735] {strides = array<i32>} : memref<4x128xi32, #tpu.memory_space<vmem>>, vector<16xi32>,
    tpu.vector_store %arg17[%swap3A_734, %swap3A_735], %gather3A_728 {strides = array<i32>} : memref<4x128xi32, #tpu.memory_space<vmem>>, vector<16xi32>,
    %get3A_737 = arith.constant 144 : index
    %get3A_738 = tpu.vector_load %arg14[%get3A_737] {strides = array<i32>} : memref<512xi32, #tpu.memory_space<vmem>>, vector<16xi32>,
    %get3A_739 = arith.constant 144 : index
    %get3A_740 = tpu.vector_load %arg15[%get3A_739] {strides = array<i32>} : memref<512xi32, #tpu.memory_space<vmem>>, vector<16xi32>,
    %gather3A_741 = tpu.vector_load_idx %arg12[%get3A_738] : memref<16384xi32, #tpu.memory_space<vmem>>[vector<16xi32>], vector<16xi32>,
    %gather3A_742 = tpu.vector_load_idx %arg13[%get3A_740] : memref<16384xi32, #tpu.memory_space<vmem>>[vector<16xi32>], vector<16xi32>,
    %swap3A_743 = arith.constant 1 : i32
    %swap3A_744 = arith.index_cast %swap3A_743 : i32 to index
    %swap3A_745 = arith.constant 16 : index
    %swap3A_746 = tpu.vector_load %arg16[%swap3A_744, %swap3A_745] {strides = array<i32>} : memref<4x128xi32, #tpu.memory_space<vmem>>, vector<16xi32>,
    tpu.vector_store %arg16[%swap3A_744, %swap3A_745], %gather3A_741 {strides = array<i32>} : memref<4x128xi32, #tpu.memory_space<vmem>>, vector<16xi32>,
    %swap3A_747 = arith.constant 1 : i32
    %swap3A_748 = arith.index_cast %swap3A_747 : i32 to index
    %swap3A_749 = arith.constant 16 : index
    %swap3A_750 = tpu.vector_load %arg17[%swap3A_748, %swap3A_749] {strides = array<i32>} : memref<4x128xi32, #tpu.memory_space<vmem>>, vector<16xi32>,
    tpu.vector_store %arg17[%swap3A_748, %swap3A_749], %gather3A_742 {strides = array<i32>} : memref<4x128xi32, #tpu.memory_space<vmem>>, vector<16xi32>,
    %get3A_751 = arith.constant 160 : index
    %get3A_752 = tpu.vector_load %arg14[%get3A_751] {strides = array<i32>} : memref<512xi32, #tpu.memory_space<vmem>>, vector<16xi32>,
    %get3A_753 = arith.constant 160 : index
    %get3A_754 = tpu.vector_load %arg15[%get3A_753] {strides = array<i32>} : memref<512xi32, #tpu.memory_space<vmem>>, vector<16xi32>,
    %gather3A_755 = tpu.vector_load_idx %arg12[%get3A_752] : memref<16384xi32, #tpu.memory_space<vmem>>[vector<16xi32>], vector<16xi32>,
    %gather3A_756 = tpu.vector_load_idx %arg13[%get3A_754] : memref<16384xi32, #tpu.memory_space<vmem>>[vector<16xi32>], vector<16xi32>,
    %swap3A_757 = arith.constant 1 : i32
    %swap3A_758 = arith.index_cast %swap3A_757 : i32 to index
    %swap3A_759 = arith.constant 32 : index
    %swap3A_760 = tpu.vector_load %arg16[%swap3A_758, %swap3A_759] {strides = array<i32>} : memref<4x128xi32, #tpu.memory_space<vmem>>, vector<16xi32>,
    tpu.vector_store %arg16[%swap3A_758, %swap3A_759], %gather3A_755 {strides = array<i32>} : memref<4x128xi32, #tpu.memory_space<vmem>>, vector<16xi32>,
    %swap3A_761 = arith.constant 1 : i32
    %swap3A_762 = arith.index_cast %swap3A_761 : i32 to index
    %swap3A_763 = arith.constant 32 : index
    %swap3A_764 = tpu.vector_load %arg17[%swap3A_762, %swap3A_763] {strides = array<i32>} : memref<4x128xi32, #tpu.memory_space<vmem>>, vector<16xi32>,
    tpu.vector_store %arg17[%swap3A_762, %swap3A_763], %gather3A_756 {strides = array<i32>} : memref<4x128xi32, #tpu.memory_space<vmem>>, vector<16xi32>,
    %get3A_765 = arith.constant 176 : index
    %get3A_766 = tpu.vector_load %arg14[%get3A_765] {strides = array<i32>} : memref<512xi32, #tpu.memory_space<vmem>>, vector<16xi32>,
    %get3A_767 = arith.constant 176 : index
    %get3A_768 = tpu.vector_load %arg15[%get3A_767] {strides = array<i32>} : memref<512xi32, #tpu.memory_space<vmem>>, vector<16xi32>,
    %gather3A_769 = tpu.vector_load_idx %arg12[%get3A_766] : memref<16384xi32, #tpu.memory_space<vmem>>[vector<16xi32>], vector<16xi32>,
    %gather3A_770 = tpu.vector_load_idx %arg13[%get3A_768] : memref<16384xi32, #tpu.memory_space<vmem>>[vector<16xi32>], vector<16xi32>,
    %swap3A_771 = arith.constant 1 : i32
    %swap3A_772 = arith.index_cast %swap3A_771 : i32 to index
    %swap3A_773 = arith.constant 48 : index
    %swap3A_774 = tpu.vector_load %arg16[%swap3A_772, %swap3A_773] {strides = array<i32>} : memref<4x128xi32, #tpu.memory_space<vmem>>, vector<16xi32>,
    tpu.vector_store %arg16[%swap3A_772, %swap3A_773], %gather3A_769 {strides = array<i32>} : memref<4x128xi32, #tpu.memory_space<vmem>>, vector<16xi32>,
    %swap3A_775 = arith.constant 1 : i32
    %swap3A_776 = arith.index_cast %swap3A_775 : i32 to index
    %swap3A_777 = arith.constant 48 : index
    %swap3A_778 = tpu.vector_load %arg17[%swap3A_776, %swap3A_777] {strides = array<i32>} : memref<4x128xi32, #tpu.memory_space<vmem>>, vector<16xi32>,
    tpu.vector_store %arg17[%swap3A_776, %swap3A_777], %gather3A_770 {strides = array<i32>} : memref<4x128xi32, #tpu.memory_space<vmem>>, vector<16xi32>,
    %get3A_779 = arith.constant 192 : index
    %get3A_780 = tpu.vector_load %arg14[%get3A_779] {strides = array<i32>} : memref<512xi32, #tpu.memory_space<vmem>>, vector<16xi32>,
    %get3A_781 = arith.constant 192 : index
    %get3A_782 = tpu.vector_load %arg15[%get3A_781] {strides = array<i32>} : memref<512xi32, #tpu.memory_space<vmem>>, vector<16xi32>,
    %gather3A_783 = tpu.vector_load_idx %arg12[%get3A_780] : memref<16384xi32, #tpu.memory_space<vmem>>[vector<16xi32>], vector<16xi32>,
    %gather3A_784 = tpu.vector_load_idx %arg13[%get3A_782] : memref<16384xi32, #tpu.memory_space<vmem>>[vector<16xi32>], vector<16xi32>,
    %swap3A_785 = arith.constant 1 : i32
    %swap3A_786 = arith.index_cast %swap3A_785 : i32 to index
    %swap3A_787 = arith.constant 64 : index
    %swap3A_788 = tpu.vector_load %arg16[%swap3A_786, %swap3A_787] {strides = array<i32>} : memref<4x128xi32, #tpu.memory_space<vmem>>, vector<16xi32>,
    tpu.vector_store %arg16[%swap3A_786, %swap3A_787], %gather3A_783 {strides = array<i32>} : memref<4x128xi32, #tpu.memory_space<vmem>>, vector<16xi32>,
    %swap3A_789 = arith.constant 1 : i32
    %swap3A_790 = arith.index_cast %swap3A_789 : i32 to index
    %swap3A_791 = arith.constant 64 : index
    %swap3A_792 = tpu.vector_load %arg17[%swap3A_790, %swap3A_791] {strides = array<i32>} : memref<4x128xi32, #tpu.memory_space<vmem>>, vector<16xi32>,
    tpu.vector_store %arg17[%swap3A_790, %swap3A_791], %gather3A_784 {strides = array<i32>} : memref<4x128xi32, #tpu.memory_space<vmem>>, vector<16xi32>,
    %get3A_793 = arith.constant 208 : index
    %get3A_794 = tpu.vector_load %arg14[%get3A_793] {strides = array<i32>} : memref<512xi32, #tpu.memory_space<vmem>>, vector<16xi32>,
    %get3A_795 = arith.constant 208 : index
    %get3A_796 = tpu.vector_load %arg15[%get3A_795] {strides = array<i32>} : memref<512xi32, #tpu.memory_space<vmem>>, vector<16xi32>,
    %gather3A_797 = tpu.vector_load_idx %arg12[%get3A_794] : memref<16384xi32, #tpu.memory_space<vmem>>[vector<16xi32>], vector<16xi32>,
    %gather3A_798 = tpu.vector_load_idx %arg13[%get3A_796] : memref<16384xi32, #tpu.memory_space<vmem>>[vector<16xi32>], vector<16xi32>,
    %swap3A_799 = arith.constant 1 : i32
    %swap3A_800 = arith.index_cast %swap3A_799 : i32 to index
    %swap3A_801 = arith.constant 80 : index
    %swap3A_802 = tpu.vector_load %arg16[%swap3A_800, %swap3A_801] {strides = array<i32>} : memref<4x128xi32, #tpu.memory_space<vmem>>, vector<16xi32>,
    tpu.vector_store %arg16[%swap3A_800, %swap3A_801], %gather3A_797 {strides = array<i32>} : memref<4x128xi32, #tpu.memory_space<vmem>>, vector<16xi32>,
    %swap3A_803 = arith.constant 1 : i32
    %swap3A_804 = arith.index_cast %swap3A_803 : i32 to index
    %swap3A_805 = arith.constant 80 : index
    %swap3A_806 = tpu.vector_load %arg17[%swap3A_804, %swap3A_805] {strides = array<i32>} : memref<4x128xi32, #tpu.memory_space<vmem>>, vector<16xi32>,
    tpu.vector_store %arg17[%swap3A_804, %swap3A_805], %gather3A_798 {strides = array<i32>} : memref<4x128xi32, #tpu.memory_space<vmem>>, vector<16xi32>,
    %get3A_807 = arith.constant 224 : index
    %get3A_808 = tpu.vector_load %arg14[%get3A_807] {strides = array<i32>} : memref<512xi32, #tpu.memory_space<vmem>>, vector<16xi32>,
    %get3A_809 = arith.constant 224 : index
    %get3A_810 = tpu.vector_load %arg15[%get3A_809] {strides = array<i32>} : memref<512xi32, #tpu.memory_space<vmem>>, vector<16xi32>,
    %gather3A_811 = tpu.vector_load_idx %arg12[%get3A_808] : memref<16384xi32, #tpu.memory_space<vmem>>[vector<16xi32>], vector<16xi32>,
    %gather3A_812 = tpu.vector_load_idx %arg13[%get3A_810] : memref<16384xi32, #tpu.memory_space<vmem>>[vector<16xi32>], vector<16xi32>,
    %swap3A_813 = arith.constant 1 : i32
    %swap3A_814 = arith.index_cast %swap3A_813 : i32 to index
    %swap3A_815 = arith.constant 96 : index
    %swap3A_816 = tpu.vector_load %arg16[%swap3A_814, %swap3A_815] {strides = array<i32>} : memref<4x128xi32, #tpu.memory_space<vmem>>, vector<16xi32>,
    tpu.vector_store %arg16[%swap3A_814, %swap3A_815], %gather3A_811 {strides = array<i32>} : memref<4x128xi32, #tpu.memory_space<vmem>>, vector<16xi32>,
    %swap3A_817 = arith.constant 1 : i32
    %swap3A_818 = arith.index_cast %swap3A_817 : i32 to index
    %swap3A_819 = arith.constant 96 : index
    %swap3A_820 = tpu.vector_load %arg17[%swap3A_818, %swap3A_819] {strides = array<i32>} : memref<4x128xi32, #tpu.memory_space<vmem>>, vector<16xi32>,
    tpu.vector_store %arg17[%swap3A_818, %swap3A_819], %gather3A_812 {strides = array<i32>} : memref<4x128xi32, #tpu.memory_space<vmem>>, vector<16xi32>,
    %get3A_821 = arith.constant 240 : index
    %get3A_822 = tpu.vector_load %arg14[%get3A_821] {strides = array<i32>} : memref<512xi32, #tpu.memory_space<vmem>>, vector<16xi32>,
    %get3A_823 = arith.constant 240 : index
    %get3A_824 = tpu.vector_load %arg15[%get3A_823] {strides = array<i32>} : memref<512xi32, #tpu.memory_space<vmem>>, vector<16xi32>,
    %gather3A_825 = tpu.vector_load_idx %arg12[%get3A_822] : memref<16384xi32, #tpu.memory_space<vmem>>[vector<16xi32>], vector<16xi32>,
    %gather3A_826 = tpu.vector_load_idx %arg13[%get3A_824] : memref<16384xi32, #tpu.memory_space<vmem>>[vector<16xi32>], vector<16xi32>,
    %swap3A_827 = arith.constant 1 : i32
    %swap3A_828 = arith.index_cast %swap3A_827 : i32 to index
    %swap3A_829 = arith.constant 112 : index
    %swap3A_830 = tpu.vector_load %arg16[%swap3A_828, %swap3A_829] {strides = array<i32>} : memref<4x128xi32, #tpu.memory_space<vmem>>, vector<16xi32>,
    tpu.vector_store %arg16[%swap3A_828, %swap3A_829], %gather3A_825 {strides = array<i32>} : memref<4x128xi32, #tpu.memory_space<vmem>>, vector<16xi32>,
    %swap3A_831 = arith.constant 1 : i32
    %swap3A_832 = arith.index_cast %swap3A_831 : i32 to index
    %swap3A_833 = arith.constant 112 : index
    %swap3A_834 = tpu.vector_load %arg17[%swap3A_832, %swap3A_833] {strides = array<i32>} : memref<4x128xi32, #tpu.memory_space<vmem>>, vector<16xi32>,
    tpu.vector_store %arg17[%swap3A_832, %swap3A_833], %gather3A_826 {strides = array<i32>} : memref<4x128xi32, #tpu.memory_space<vmem>>, vector<16xi32>,
    %get3A_835 = arith.constant 256 : index
    %get3A_836 = tpu.vector_load %arg14[%get3A_835] {strides = array<i32>} : memref<512xi32, #tpu.memory_space<vmem>>, vector<16xi32>,
    %get3A_837 = arith.constant 256 : index
    %get3A_838 = tpu.vector_load %arg15[%get3A_837] {strides = array<i32>} : memref<512xi32, #tpu.memory_space<vmem>>, vector<16xi32>,
    %gather3A_839 = tpu.vector_load_idx %arg12[%get3A_836] : memref<16384xi32, #tpu.memory_space<vmem>>[vector<16xi32>], vector<16xi32>,
    %gather3A_840 = tpu.vector_load_idx %arg13[%get3A_838] : memref<16384xi32, #tpu.memory_space<vmem>>[vector<16xi32>], vector<16xi32>,
    %swap3A_841 = arith.constant 2 : i32
    %swap3A_842 = arith.index_cast %swap3A_841 : i32 to index
    %swap3A_843 = arith.constant 0 : index
    %swap3A_844 = tpu.vector_load %arg16[%swap3A_842, %swap3A_843] {strides = array<i32>} : memref<4x128xi32, #tpu.memory_space<vmem>>, vector<16xi32>,
    tpu.vector_store %arg16[%swap3A_842, %swap3A_843], %gather3A_839 {strides = array<i32>} : memref<4x128xi32, #tpu.memory_space<vmem>>, vector<16xi32>,
    %swap3A_845 = arith.constant 2 : i32
    %swap3A_846 = arith.index_cast %swap3A_845 : i32 to index
    %swap3A_847 = arith.constant 0 : index
    %swap3A_848 = tpu.vector_load %arg17[%swap3A_846, %swap3A_847] {strides = array<i32>} : memref<4x128xi32, #tpu.memory_space<vmem>>, vector<16xi32>,
    tpu.vector_store %arg17[%swap3A_846, %swap3A_847], %gather3A_840 {strides = array<i32>} : memref<4x128xi32, #tpu.memory_space<vmem>>, vector<16xi32>,
    %get3A_849 = arith.constant 272 : index
    %get3A_850 = tpu.vector_load %arg14[%get3A_849] {strides = array<i32>} : memref<512xi32, #tpu.memory_space<vmem>>, vector<16xi32>,
    %get3A_851 = arith.constant 272 : index
    %get3A_852 = tpu.vector_load %arg15[%get3A_851] {strides = array<i32>} : memref<512xi32, #tpu.memory_space<vmem>>, vector<16xi32>,
    %gather3A_853 = tpu.vector_load_idx %arg12[%get3A_850] : memref<16384xi32, #tpu.memory_space<vmem>>[vector<16xi32>], vector<16xi32>,
    %gather3A_854 = tpu.vector_load_idx %arg13[%get3A_852] : memref<16384xi32, #tpu.memory_space<vmem>>[vector<16xi32>], vector<16xi32>,
    %swap3A_855 = arith.constant 2 : i32
    %swap3A_856 = arith.index_cast %swap3A_855 : i32 to index
    %swap3A_857 = arith.constant 16 : index
    %swap3A_858 = tpu.vector_load %arg16[%swap3A_856, %swap3A_857] {strides = array<i32>} : memref<4x128xi32, #tpu.memory_space<vmem>>, vector<16xi32>,
    tpu.vector_store %arg16[%swap3A_856, %swap3A_857], %gather3A_853 {strides = array<i32>} : memref<4x128xi32, #tpu.memory_space<vmem>>, vector<16xi32>,
    %swap3A_859 = arith.constant 2 : i32
    %swap3A_860 = arith.index_cast %swap3A_859 : i32 to index
    %swap3A_861 = arith.constant 16 : index
    %swap3A_862 = tpu.vector_load %arg17[%swap3A_860, %swap3A_861] {strides = array<i32>} : memref<4x128xi32, #tpu.memory_space<vmem>>, vector<16xi32>,
    tpu.vector_store %arg17[%swap3A_860, %swap3A_861], %gather3A_854 {strides = array<i32>} : memref<4x128xi32, #tpu.memory_space<vmem>>, vector<16xi32>,
    %get3A_863 = arith.constant 288 : index
    %get3A_864 = tpu.vector_load %arg14[%get3A_863] {strides = array<i32>} : memref<512xi32, #tpu.memory_space<vmem>>, vector<16xi32>,
    %get3A_865 = arith.constant 288 : index
    %get3A_866 = tpu.vector_load %arg15[%get3A_865] {strides = array<i32>} : memref<512xi32, #tpu.memory_space<vmem>>, vector<16xi32>,
    %gather3A_867 = tpu.vector_load_idx %arg12[%get3A_864] : memref<16384xi32, #tpu.memory_space<vmem>>[vector<16xi32>], vector<16xi32>,
    %gather3A_868 = tpu.vector_load_idx %arg13[%get3A_866] : memref<16384xi32, #tpu.memory_space<vmem>>[vector<16xi32>], vector<16xi32>,
    %swap3A_869 = arith.constant 2 : i32
    %swap3A_870 = arith.index_cast %swap3A_869 : i32 to index
    %swap3A_871 = arith.constant 32 : index
    %swap3A_872 = tpu.vector_load %arg16[%swap3A_870, %swap3A_871] {strides = array<i32>} : memref<4x128xi32, #tpu.memory_space<vmem>>, vector<16xi32>,
    tpu.vector_store %arg16[%swap3A_870, %swap3A_871], %gather3A_867 {strides = array<i32>} : memref<4x128xi32, #tpu.memory_space<vmem>>, vector<16xi32>,
    %swap3A_873 = arith.constant 2 : i32
    %swap3A_874 = arith.index_cast %swap3A_873 : i32 to index
    %swap3A_875 = arith.constant 32 : index
    %swap3A_876 = tpu.vector_load %arg17[%swap3A_874, %swap3A_875] {strides = array<i32>} : memref<4x128xi32, #tpu.memory_space<vmem>>, vector<16xi32>,
    tpu.vector_store %arg17[%swap3A_874, %swap3A_875], %gather3A_868 {strides = array<i32>} : memref<4x128xi32, #tpu.memory_space<vmem>>, vector<16xi32>,
    %get3A_877 = arith.constant 304 : index
    %get3A_878 = tpu.vector_load %arg14[%get3A_877] {strides = array<i32>} : memref<512xi32, #tpu.memory_space<vmem>>, vector<16xi32>,
    %get3A_879 = arith.constant 304 : index
    %get3A_880 = tpu.vector_load %arg15[%get3A_879] {strides = array<i32>} : memref<512xi32, #tpu.memory_space<vmem>>, vector<16xi32>,
    %gather3A_881 = tpu.vector_load_idx %arg12[%get3A_878] : memref<16384xi32, #tpu.memory_space<vmem>>[vector<16xi32>], vector<16xi32>,
    %gather3A_882 = tpu.vector_load_idx %arg13[%get3A_880] : memref<16384xi32, #tpu.memory_space<vmem>>[vector<16xi32>], vector<16xi32>,
    %swap3A_883 = arith.constant 2 : i32
    %swap3A_884 = arith.index_cast %swap3A_883 : i32 to index
    %swap3A_885 = arith.constant 48 : index
    %swap3A_886 = tpu.vector_load %arg16[%swap3A_884, %swap3A_885] {strides = array<i32>} : memref<4x128xi32, #tpu.memory_space<vmem>>, vector<16xi32>,
    tpu.vector_store %arg16[%swap3A_884, %swap3A_885], %gather3A_881 {strides = array<i32>} : memref<4x128xi32, #tpu.memory_space<vmem>>, vector<16xi32>,
    %swap3A_887 = arith.constant 2 : i32
    %swap3A_888 = arith.index_cast %swap3A_887 : i32 to index
    %swap3A_889 = arith.constant 48 : index
    %swap3A_890 = tpu.vector_load %arg17[%swap3A_888, %swap3A_889] {strides = array<i32>} : memref<4x128xi32, #tpu.memory_space<vmem>>, vector<16xi32>,
    tpu.vector_store %arg17[%swap3A_888, %swap3A_889], %gather3A_882 {strides = array<i32>} : memref<4x128xi32, #tpu.memory_space<vmem>>, vector<16xi32>,
    %get3A_891 = arith.constant 320 : index
    %get3A_892 = tpu.vector_load %arg14[%get3A_891] {strides = array<i32>} : memref<512xi32, #tpu.memory_space<vmem>>, vector<16xi32>,
    %get3A_893 = arith.constant 320 : index
    %get3A_894 = tpu.vector_load %arg15[%get3A_893] {strides = array<i32>} : memref<512xi32, #tpu.memory_space<vmem>>, vector<16xi32>,
    %gather3A_895 = tpu.vector_load_idx %arg12[%get3A_892] : memref<16384xi32, #tpu.memory_space<vmem>>[vector<16xi32>], vector<16xi32>,
    %gather3A_896 = tpu.vector_load_idx %arg13[%get3A_894] : memref<16384xi32, #tpu.memory_space<vmem>>[vector<16xi32>], vector<16xi32>,
    %swap3A_897 = arith.constant 2 : i32
    %swap3A_898 = arith.index_cast %swap3A_897 : i32 to index
    %swap3A_899 = arith.constant 64 : index
    %swap3A_900 = tpu.vector_load %arg16[%swap3A_898, %swap3A_899] {strides = array<i32>} : memref<4x128xi32, #tpu.memory_space<vmem>>, vector<16xi32>,
    tpu.vector_store %arg16[%swap3A_898, %swap3A_899], %gather3A_895 {strides = array<i32>} : memref<4x128xi32, #tpu.memory_space<vmem>>, vector<16xi32>,
    %swap3A_901 = arith.constant 2 : i32
    %swap3A_902 = arith.index_cast %swap3A_901 : i32 to index
    %swap3A_903 = arith.constant 64 : index
    %swap3A_904 = tpu.vector_load %arg17[%swap3A_902, %swap3A_903] {strides = array<i32>} : memref<4x128xi32, #tpu.memory_space<vmem>>, vector<16xi32>,
    tpu.vector_store %arg17[%swap3A_902, %swap3A_903], %gather3A_896 {strides = array<i32>} : memref<4x128xi32, #tpu.memory_space<vmem>>, vector<16xi32>,
    %get3A_905 = arith.constant 336 : index
    %get3A_906 = tpu.vector_load %arg14[%get3A_905] {strides = array<i32>} : memref<512xi32, #tpu.memory_space<vmem>>, vector<16xi32>,
    %get3A_907 = arith.constant 336 : index
    %get3A_908 = tpu.vector_load %arg15[%get3A_907] {strides = array<i32>} : memref<512xi32, #tpu.memory_space<vmem>>, vector<16xi32>,
    %gather3A_909 = tpu.vector_load_idx %arg12[%get3A_906] : memref<16384xi32, #tpu.memory_space<vmem>>[vector<16xi32>], vector<16xi32>,
    %gather3A_910 = tpu.vector_load_idx %arg13[%get3A_908] : memref<16384xi32, #tpu.memory_space<vmem>>[vector<16xi32>], vector<16xi32>,
    %swap3A_911 = arith.constant 2 : i32
    %swap3A_912 = arith.index_cast %swap3A_911 : i32 to index
    %swap3A_913 = arith.constant 80 : index
    %swap3A_914 = tpu.vector_load %arg16[%swap3A_912, %swap3A_913] {strides = array<i32>} : memref<4x128xi32, #tpu.memory_space<vmem>>, vector<16xi32>,
    tpu.vector_store %arg16[%swap3A_912, %swap3A_913], %gather3A_909 {strides = array<i32>} : memref<4x128xi32, #tpu.memory_space<vmem>>, vector<16xi32>,
    %swap3A_915 = arith.constant 2 : i32
    %swap3A_916 = arith.index_cast %swap3A_915 : i32 to index
    %swap3A_917 = arith.constant 80 : index
    %swap3A_918 = tpu.vector_load %arg17[%swap3A_916, %swap3A_917] {strides = array<i32>} : memref<4x128xi32, #tpu.memory_space<vmem>>, vector<16xi32>,
    tpu.vector_store %arg17[%swap3A_916, %swap3A_917], %gather3A_910 {strides = array<i32>} : memref<4x128xi32, #tpu.memory_space<vmem>>, vector<16xi32>,
    %get3A_919 = arith.constant 352 : index
    %get3A_920 = tpu.vector_load %arg14[%get3A_919] {strides = array<i32>} : memref<512xi32, #tpu.memory_space<vmem>>, vector<16xi32>,
    %get3A_921 = arith.constant 352 : index
    %get3A_922 = tpu.vector_load %arg15[%get3A_921] {strides = array<i32>} : memref<512xi32, #tpu.memory_space<vmem>>, vector<16xi32>,
    %gather3A_923 = tpu.vector_load_idx %arg12[%get3A_920] : memref<16384xi32, #tpu.memory_space<vmem>>[vector<16xi32>], vector<16xi32>,
    %gather3A_924 = tpu.vector_load_idx %arg13[%get3A_922] : memref<16384xi32, #tpu.memory_space<vmem>>[vector<16xi32>], vector<16xi32>,
    %swap3A_925 = arith.constant 2 : i32
    %swap3A_926 = arith.index_cast %swap3A_925 : i32 to index
    %swap3A_927 = arith.constant 96 : index
    %swap3A_928 = tpu.vector_load %arg16[%swap3A_926, %swap3A_927] {strides = array<i32>} : memref<4x128xi32, #tpu.memory_space<vmem>>, vector<16xi32>,
    tpu.vector_store %arg16[%swap3A_926, %swap3A_927], %gather3A_923 {strides = array<i32>} : memref<4x128xi32, #tpu.memory_space<vmem>>, vector<16xi32>,
    %swap3A_929 = arith.constant 2 : i32
    %swap3A_930 = arith.index_cast %swap3A_929 : i32 to index
    %swap3A_931 = arith.constant 96 : index
    %swap3A_932 = tpu.vector_load %arg17[%swap3A_930, %swap3A_931] {strides = array<i32>} : memref<4x128xi32, #tpu.memory_space<vmem>>, vector<16xi32>,
    tpu.vector_store %arg17[%swap3A_930, %swap3A_931], %gather3A_924 {strides = array<i32>} : memref<4x128xi32, #tpu.memory_space<vmem>>, vector<16xi32>,
    %get3A_933 = arith.constant 368 : index
    %get3A_934 = tpu.vector_load %arg14[%get3A_933] {strides = array<i32>} : memref<512xi32, #tpu.memory_space<vmem>>, vector<16xi32>,
    %get3A_935 = arith.constant 368 : index
    %get3A_936 = tpu.vector_load %arg15[%get3A_935] {strides = array<i32>} : memref<512xi32, #tpu.memory_space<vmem>>, vector<16xi32>,
    %gather3A_937 = tpu.vector_load_idx %arg12[%get3A_934] : memref<16384xi32, #tpu.memory_space<vmem>>[vector<16xi32>], vector<16xi32>,
    %gather3A_938 = tpu.vector_load_idx %arg13[%get3A_936] : memref<16384xi32, #tpu.memory_space<vmem>>[vector<16xi32>], vector<16xi32>,
    %swap3A_939 = arith.constant 2 : i32
    %swap3A_940 = arith.index_cast %swap3A_939 : i32 to index
    %swap3A_941 = arith.constant 112 : index
    %swap3A_942 = tpu.vector_load %arg16[%swap3A_940, %swap3A_941] {strides = array<i32>} : memref<4x128xi32, #tpu.memory_space<vmem>>, vector<16xi32>,
    tpu.vector_store %arg16[%swap3A_940, %swap3A_941], %gather3A_937 {strides = array<i32>} : memref<4x128xi32, #tpu.memory_space<vmem>>, vector<16xi32>,
    %swap3A_943 = arith.constant 2 : i32
    %swap3A_944 = arith.index_cast %swap3A_943 : i32 to index
    %swap3A_945 = arith.constant 112 : index
    %swap3A_946 = tpu.vector_load %arg17[%swap3A_944, %swap3A_945] {strides = array<i32>} : memref<4x128xi32, #tpu.memory_space<vmem>>, vector<16xi32>,
    tpu.vector_store %arg17[%swap3A_944, %swap3A_945], %gather3A_938 {strides = array<i32>} : memref<4x128xi32, #tpu.memory_space<vmem>>, vector<16xi32>,
    %get3A_947 = arith.constant 384 : index
    %get3A_948 = tpu.vector_load %arg14[%get3A_947] {strides = array<i32>} : memref<512xi32, #tpu.memory_space<vmem>>, vector<16xi32>,
    %get3A_949 = arith.constant 384 : index
    %get3A_950 = tpu.vector_load %arg15[%get3A_949] {strides = array<i32>} : memref<512xi32, #tpu.memory_space<vmem>>, vector<16xi32>,
    %gather3A_951 = tpu.vector_load_idx %arg12[%get3A_948] : memref<16384xi32, #tpu.memory_space<vmem>>[vector<16xi32>], vector<16xi32>,
    %gather3A_952 = tpu.vector_load_idx %arg13[%get3A_950] : memref<16384xi32, #tpu.memory_space<vmem>>[vector<16xi32>], vector<16xi32>,
    %swap3A_953 = arith.constant 3 : i32
    %swap3A_954 = arith.index_cast %swap3A_953 : i32 to index
    %swap3A_955 = arith.constant 0 : index
    %swap3A_956 = tpu.vector_load %arg16[%swap3A_954, %swap3A_955] {strides = array<i32>} : memref<4x128xi32, #tpu.memory_space<vmem>>, vector<16xi32>,
    tpu.vector_store %arg16[%swap3A_954, %swap3A_955], %gather3A_951 {strides = array<i32>} : memref<4x128xi32, #tpu.memory_space<vmem>>, vector<16xi32>,
    %swap3A_957 = arith.constant 3 : i32
    %swap3A_958 = arith.index_cast %swap3A_957 : i32 to index
    %swap3A_959 = arith.constant 0 : index
    %swap3A_960 = tpu.vector_load %arg17[%swap3A_958, %swap3A_959] {strides = array<i32>} : memref<4x128xi32, #tpu.memory_space<vmem>>, vector<16xi32>,
    tpu.vector_store %arg17[%swap3A_958, %swap3A_959], %gather3A_952 {strides = array<i32>} : memref<4x128xi32, #tpu.memory_space<vmem>>, vector<16xi32>,
    %get3A_961 = arith.constant 400 : index
    %get3A_962 = tpu.vector_load %arg14[%get3A_961] {strides = array<i32>} : memref<512xi32, #tpu.memory_space<vmem>>, vector<16xi32>,
    %get3A_963 = arith.constant 400 : index
    %get3A_964 = tpu.vector_load %arg15[%get3A_963] {strides = array<i32>} : memref<512xi32, #tpu.memory_space<vmem>>, vector<16xi32>,
    %gather3A_965 = tpu.vector_load_idx %arg12[%get3A_962] : memref<16384xi32, #tpu.memory_space<vmem>>[vector<16xi32>], vector<16xi32>,
    %gather3A_966 = tpu.vector_load_idx %arg13[%get3A_964] : memref<16384xi32, #tpu.memory_space<vmem>>[vector<16xi32>], vector<16xi32>,
    %swap3A_967 = arith.constant 3 : i32
    %swap3A_968 = arith.index_cast %swap3A_967 : i32 to index
    %swap3A_969 = arith.constant 16 : index
    %swap3A_970 = tpu.vector_load %arg16[%swap3A_968, %swap3A_969] {strides = array<i32>} : memref<4x128xi32, #tpu.memory_space<vmem>>, vector<16xi32>,
    tpu.vector_store %arg16[%swap3A_968, %swap3A_969], %gather3A_965 {strides = array<i32>} : memref<4x128xi32, #tpu.memory_space<vmem>>, vector<16xi32>,
    %swap3A_971 = arith.constant 3 : i32
    %swap3A_972 = arith.index_cast %swap3A_971 : i32 to index
    %swap3A_973 = arith.constant 16 : index
    %swap3A_974 = tpu.vector_load %arg17[%swap3A_972, %swap3A_973] {strides = array<i32>} : memref<4x128xi32, #tpu.memory_space<vmem>>, vector<16xi32>,
    tpu.vector_store %arg17[%swap3A_972, %swap3A_973], %gather3A_966 {strides = array<i32>} : memref<4x128xi32, #tpu.memory_space<vmem>>, vector<16xi32>,
    %get3A_975 = arith.constant 416 : index
    %get3A_976 = tpu.vector_load %arg14[%get3A_975] {strides = array<i32>} : memref<512xi32, #tpu.memory_space<vmem>>, vector<16xi32>,
    %get3A_977 = arith.constant 416 : index
    %get3A_978 = tpu.vector_load %arg15[%get3A_977] {strides = array<i32>} : memref<512xi32, #tpu.memory_space<vmem>>, vector<16xi32>,
    %gather3A_979 = tpu.vector_load_idx %arg12[%get3A_976] : memref<16384xi32, #tpu.memory_space<vmem>>[vector<16xi32>], vector<16xi32>,
    %gather3A_980 = tpu.vector_load_idx %arg13[%get3A_978] : memref<16384xi32, #tpu.memory_space<vmem>>[vector<16xi32>], vector<16xi32>,
    %swap3A_981 = arith.constant 3 : i32
    %swap3A_982 = arith.index_cast %swap3A_981 : i32 to index
    %swap3A_983 = arith.constant 32 : index
    %swap3A_984 = tpu.vector_load %arg16[%swap3A_982, %swap3A_983] {strides = array<i32>} : memref<4x128xi32, #tpu.memory_space<vmem>>, vector<16xi32>,
    tpu.vector_store %arg16[%swap3A_982, %swap3A_983], %gather3A_979 {strides = array<i32>} : memref<4x128xi32, #tpu.memory_space<vmem>>, vector<16xi32>,
    %swap3A_985 = arith.constant 3 : i32
    %swap3A_986 = arith.index_cast %swap3A_985 : i32 to index
    %swap3A_987 = arith.constant 32 : index
    %swap3A_988 = tpu.vector_load %arg17[%swap3A_986, %swap3A_987] {strides = array<i32>} : memref<4x128xi32, #tpu.memory_space<vmem>>, vector<16xi32>,
    tpu.vector_store %arg17[%swap3A_986, %swap3A_987], %gather3A_980 {strides = array<i32>} : memref<4x128xi32, #tpu.memory_space<vmem>>, vector<16xi32>,
    %get3A_989 = arith.constant 432 : index
    %get3A_990 = tpu.vector_load %arg14[%get3A_989] {strides = array<i32>} : memref<512xi32, #tpu.memory_space<vmem>>, vector<16xi32>,
    %get3A_991 = arith.constant 432 : index
    %get3A_992 = tpu.vector_load %arg15[%get3A_991] {strides = array<i32>} : memref<512xi32, #tpu.memory_space<vmem>>, vector<16xi32>,
    %gather3A_993 = tpu.vector_load_idx %arg12[%get3A_990] : memref<16384xi32, #tpu.memory_space<vmem>>[vector<16xi32>], vector<16xi32>,
    %gather3A_994 = tpu.vector_load_idx %arg13[%get3A_992] : memref<16384xi32, #tpu.memory_space<vmem>>[vector<16xi32>], vector<16xi32>,
    %swap3A_995 = arith.constant 3 : i32
    %swap3A_996 = arith.index_cast %swap3A_995 : i32 to index
    %swap3A_997 = arith.constant 48 : index
    %swap3A_998 = tpu.vector_load %arg16[%swap3A_996, %swap3A_997] {strides = array<i32>} : memref<4x128xi32, #tpu.memory_space<vmem>>, vector<16xi32>,
    tpu.vector_store %arg16[%swap3A_996, %swap3A_997], %gather3A_993 {strides = array<i32>} : memref<4x128xi32, #tpu.memory_space<vmem>>, vector<16xi32>,
    %swap3A_999 = arith.constant 3 : i32
    %swap3A_1000 = arith.index_cast %swap3A_999 : i32 to index
    %swap3A_1001 = arith.constant 48 : index
    %swap3A_1002 = tpu.vector_load %arg17[%swap3A_1000, %swap3A_1001] {strides = array<i32>} : memref<4x128xi32, #tpu.memory_space<vmem>>, vector<16xi32>,
    tpu.vector_store %arg17[%swap3A_1000, %swap3A_1001], %gather3A_994 {strides = array<i32>} : memref<4x128xi32, #tpu.memory_space<vmem>>, vector<16xi32>,
    %get3A_1003 = arith.constant 448 : index
    %get3A_1004 = tpu.vector_load %arg14[%get3A_1003] {strides = array<i32>} : memref<512xi32, #tpu.memory_space<vmem>>, vector<16xi32>,
    %get3A_1005 = arith.constant 448 : index
    %get3A_1006 = tpu.vector_load %arg15[%get3A_1005] {strides = array<i32>} : memref<512xi32, #tpu.memory_space<vmem>>, vector<16xi32>,
    %gather3A_1007 = tpu.vector_load_idx %arg12[%get3A_1004] : memref<16384xi32, #tpu.memory_space<vmem>>[vector<16xi32>], vector<16xi32>,
    %gather3A_1008 = tpu.vector_load_idx %arg13[%get3A_1006] : memref<16384xi32, #tpu.memory_space<vmem>>[vector<16xi32>], vector<16xi32>,
    %swap3A_1009 = arith.constant 3 : i32
    %swap3A_1010 = arith.index_cast %swap3A_1009 : i32 to index
    %swap3A_1011 = arith.constant 64 : index
    %swap3A_1012 = tpu.vector_load %arg16[%swap3A_1010, %swap3A_1011] {strides = array<i32>} : memref<4x128xi32, #tpu.memory_space<vmem>>, vector<16xi32>,
    tpu.vector_store %arg16[%swap3A_1010, %swap3A_1011], %gather3A_1007 {strides = array<i32>} : memref<4x128xi32, #tpu.memory_space<vmem>>, vector<16xi32>,
    %swap3A_1013 = arith.constant 3 : i32
    %swap3A_1014 = arith.index_cast %swap3A_1013 : i32 to index
    %swap3A_1015 = arith.constant 64 : index
    %swap3A_1016 = tpu.vector_load %arg17[%swap3A_1014, %swap3A_1015] {strides = array<i32>} : memref<4x128xi32, #tpu.memory_space<vmem>>, vector<16xi32>,
    tpu.vector_store %arg17[%swap3A_1014, %swap3A_1015], %gather3A_1008 {strides = array<i32>} : memref<4x128xi32, #tpu.memory_space<vmem>>, vector<16xi32>,
    %get3A_1017 = arith.constant 464 : index
    %get3A_1018 = tpu.vector_load %arg14[%get3A_1017] {strides = array<i32>} : memref<512xi32, #tpu.memory_space<vmem>>, vector<16xi32>,
    %get3A_1019 = arith.constant 464 : index
    %get3A_1020 = tpu.vector_load %arg15[%get3A_1019] {strides = array<i32>} : memref<512xi32, #tpu.memory_space<vmem>>, vector<16xi32>,
    %gather3A_1021 = tpu.vector_load_idx %arg12[%get3A_1018] : memref<16384xi32, #tpu.memory_space<vmem>>[vector<16xi32>], vector<16xi32>,
    %gather3A_1022 = tpu.vector_load_idx %arg13[%get3A_1020] : memref<16384xi32, #tpu.memory_space<vmem>>[vector<16xi32>], vector<16xi32>,
    %swap3A_1023 = arith.constant 3 : i32
    %swap3A_1024 = arith.index_cast %swap3A_1023 : i32 to index
    %swap3A_1025 = arith.constant 80 : index
    %swap3A_1026 = tpu.vector_load %arg16[%swap3A_1024, %swap3A_1025] {strides = array<i32>} : memref<4x128xi32, #tpu.memory_space<vmem>>, vector<16xi32>,
    tpu.vector_store %arg16[%swap3A_1024, %swap3A_1025], %gather3A_1021 {strides = array<i32>} : memref<4x128xi32, #tpu.memory_space<vmem>>, vector<16xi32>,
    %swap3A_1027 = arith.constant 3 : i32
    %swap3A_1028 = arith.index_cast %swap3A_1027 : i32 to index
    %swap3A_1029 = arith.constant 80 : index
    %swap3A_1030 = tpu.vector_load %arg17[%swap3A_1028, %swap3A_1029] {strides = array<i32>} : memref<4x128xi32, #tpu.memory_space<vmem>>, vector<16xi32>,
    tpu.vector_store %arg17[%swap3A_1028, %swap3A_1029], %gather3A_1022 {strides = array<i32>} : memref<4x128xi32, #tpu.memory_space<vmem>>, vector<16xi32>,
    %get3A_1031 = arith.constant 480 : index
    %get3A_1032 = tpu.vector_load %arg14[%get3A_1031] {strides = array<i32>} : memref<512xi32, #tpu.memory_space<vmem>>, vector<16xi32>,
    %get3A_1033 = arith.constant 480 : index
    %get3A_1034 = tpu.vector_load %arg15[%get3A_1033] {strides = array<i32>} : memref<512xi32, #tpu.memory_space<vmem>>, vector<16xi32>,
    %gather3A_1035 = tpu.vector_load_idx %arg12[%get3A_1032] : memref<16384xi32, #tpu.memory_space<vmem>>[vector<16xi32>], vector<16xi32>,
    %gather3A_1036 = tpu.vector_load_idx %arg13[%get3A_1034] : memref<16384xi32, #tpu.memory_space<vmem>>[vector<16xi32>], vector<16xi32>,
    %swap3A_1037 = arith.constant 3 : i32
    %swap3A_1038 = arith.index_cast %swap3A_1037 : i32 to index
    %swap3A_1039 = arith.constant 96 : index
    %swap3A_1040 = tpu.vector_load %arg16[%swap3A_1038, %swap3A_1039] {strides = array<i32>} : memref<4x128xi32, #tpu.memory_space<vmem>>, vector<16xi32>,
    tpu.vector_store %arg16[%swap3A_1038, %swap3A_1039], %gather3A_1035 {strides = array<i32>} : memref<4x128xi32, #tpu.memory_space<vmem>>, vector<16xi32>,
    %swap3A_1041 = arith.constant 3 : i32
    %swap3A_1042 = arith.index_cast %swap3A_1041 : i32 to index
    %swap3A_1043 = arith.constant 96 : index
    %swap3A_1044 = tpu.vector_load %arg17[%swap3A_1042, %swap3A_1043] {strides = array<i32>} : memref<4x128xi32, #tpu.memory_space<vmem>>, vector<16xi32>,
    tpu.vector_store %arg17[%swap3A_1042, %swap3A_1043], %gather3A_1036 {strides = array<i32>} : memref<4x128xi32, #tpu.memory_space<vmem>>, vector<16xi32>,
    %get3A_1045 = arith.constant 496 : index
    %get3A_1046 = tpu.vector_load %arg14[%get3A_1045] {strides = array<i32>} : memref<512xi32, #tpu.memory_space<vmem>>, vector<16xi32>,
    %get3A_1047 = arith.constant 496 : index
    %get3A_1048 = tpu.vector_load %arg15[%get3A_1047] {strides = array<i32>} : memref<512xi32, #tpu.memory_space<vmem>>, vector<16xi32>,
    %gather3A_1049 = tpu.vector_load_idx %arg12[%get3A_1046] : memref<16384xi32, #tpu.memory_space<vmem>>[vector<16xi32>], vector<16xi32>,
    %gather3A_1050 = tpu.vector_load_idx %arg13[%get3A_1048] : memref<16384xi32, #tpu.memory_space<vmem>>[vector<16xi32>], vector<16xi32>,
    %swap3A_1051 = arith.constant 3 : i32
    %swap3A_1052 = arith.index_cast %swap3A_1051 : i32 to index
    %swap3A_1053 = arith.constant 112 : index
    %swap3A_1054 = tpu.vector_load %arg16[%swap3A_1052, %swap3A_1053] {strides = array<i32>} : memref<4x128xi32, #tpu.memory_space<vmem>>, vector<16xi32>,
    tpu.vector_store %arg16[%swap3A_1052, %swap3A_1053], %gather3A_1049 {strides = array<i32>} : memref<4x128xi32, #tpu.memory_space<vmem>>, vector<16xi32>,
    %swap3A_1055 = arith.constant 3 : i32
    %swap3A_1056 = arith.index_cast %swap3A_1055 : i32 to index
    %swap3A_1057 = arith.constant 112 : index
    %swap3A_1058 = tpu.vector_load %arg17[%swap3A_1056, %swap3A_1057] {strides = array<i32>} : memref<4x128xi32, #tpu.memory_space<vmem>>, vector<16xi32>,
    tpu.vector_store %arg17[%swap3A_1056, %swap3A_1057], %gather3A_1050 {strides = array<i32>} : memref<4x128xi32, #tpu.memory_space<vmem>>, vector<16xi32>,
    %dma_start3A_1059 = arith.constant 0 : i32
    %dma_start3A_1060 = arith.constant 0 : i32
    %dma_start3A_1061 = arith.constant 0 : i32
    %dma_start3A_1062 = tpu.memref_slice %arg18[%dma_start3A_1060, %dma_start3A_1061] : memref<512x32xf32, #tpu.memory_space<vmem>> -> memref<128x32xf32, #tpu.memory_space<vmem>>
    %dma_start3A_1063 = arith.constant 0 : i32
    %dma_start3A_1064 = tpu.memref_slice %arg16[%dma_start3A_1059, %dma_start3A_1063] : memref<4x128xi32, #tpu.memory_space<vmem>> -> memref<1x128xi32, #tpu.memory_space<vmem>>
    %dma_start3A_1065 = tpu.memref_squeeze %dma_start3A_1064 : memref<1x128xi32, #tpu.memory_space<vmem>> -> memref<128xi32, #tpu.memory_space<vmem>>
    %dma_start3A_1066 = arith.constant 0 : i32
    %dma_start3A_1067 = arith.constant 0 : i32
    %dma_start3A_1068 = tpu.memref_slice %arg2[%dma_start3A_1066, %dma_start3A_1067] : memref<1000000x32xf32, #tpu.memory_space<hbm>> -> memref<1000000x32xf32, #tpu.memory_space<hbm>>
    tpu.enqueue_indirect_dma source(%dma_start3A_1068 : memref<1000000x32xf32, #tpu.memory_space<hbm>>) target(%dma_start3A_1062 : memref<128x32xf32, #tpu.memory_space<vmem>>) offsets(%dma_start3A_1065 : memref<128xi32, #tpu.memory_space<vmem>>) semaphore(%arg21 : memref<!tpu.dma_semaphore, #tpu.memory_space<semaphore_mem>>)
    %dma_start3A_1069 = arith.constant 0 : i32
    %dma_start3A_1070 = arith.constant 0 : i32
    %dma_start3A_1071 = arith.constant 0 : i32
    %dma_start3A_1072 = tpu.memref_slice %arg19[%dma_start3A_1070, %dma_start3A_1071] : memref<512x32xf32, #tpu.memory_space<vmem>> -> memref<128x32xf32, #tpu.memory_space<vmem>>
    %dma_start3A_1073 = arith.constant 0 : i32
    %dma_start3A_1074 = tpu.memref_slice %arg17[%dma_start3A_1069, %dma_start3A_1073] : memref<4x128xi32, #tpu.memory_space<vmem>> -> memref<1x128xi32, #tpu.memory_space<vmem>>
    %dma_start3A_1075 = tpu.memref_squeeze %dma_start3A_1074 : memref<1x128xi32, #tpu.memory_space<vmem>> -> memref<128xi32, #tpu.memory_space<vmem>>
    %dma_start3A_1076 = arith.constant 0 : i32
    %dma_start3A_1077 = arith.constant 0 : i32
    %dma_start3A_1078 = tpu.memref_slice %arg3[%dma_start3A_1076, %dma_start3A_1077] : memref<1000000x32xf32, #tpu.memory_space<hbm>> -> memref<1000000x32xf32, #tpu.memory_space<hbm>>
    tpu.enqueue_indirect_dma source(%dma_start3A_1078 : memref<1000000x32xf32, #tpu.memory_space<hbm>>) target(%dma_start3A_1072 : memref<128x32xf32, #tpu.memory_space<vmem>>) offsets(%dma_start3A_1075 : memref<128xi32, #tpu.memory_space<vmem>>) semaphore(%arg21 : memref<!tpu.dma_semaphore, #tpu.memory_space<semaphore_mem>>)
    %dma_start3A_1079 = arith.constant 1 : i32
    %dma_start3A_1080 = arith.constant 128 : i32
    %dma_start3A_1081 = arith.constant 0 : i32
    %dma_start3A_1082 = tpu.memref_slice %arg18[%dma_start3A_1080, %dma_start3A_1081] : memref<512x32xf32, #tpu.memory_space<vmem>> -> memref<128x32xf32, #tpu.memory_space<vmem>>
    %dma_start3A_1083 = arith.constant 0 : i32
    %dma_start3A_1084 = tpu.memref_slice %arg16[%dma_start3A_1079, %dma_start3A_1083] : memref<4x128xi32, #tpu.memory_space<vmem>> -> memref<1x128xi32, #tpu.memory_space<vmem>>
    %dma_start3A_1085 = tpu.memref_squeeze %dma_start3A_1084 : memref<1x128xi32, #tpu.memory_space<vmem>> -> memref<128xi32, #tpu.memory_space<vmem>>
    %dma_start3A_1086 = arith.constant 0 : i32
    %dma_start3A_1087 = arith.constant 0 : i32
    %dma_start3A_1088 = tpu.memref_slice %arg2[%dma_start3A_1086, %dma_start3A_1087] : memref<1000000x32xf32, #tpu.memory_space<hbm>> -> memref<1000000x32xf32, #tpu.memory_space<hbm>>
    tpu.enqueue_indirect_dma source(%dma_start3A_1088 : memref<1000000x32xf32, #tpu.memory_space<hbm>>) target(%dma_start3A_1082 : memref<128x32xf32, #tpu.memory_space<vmem>>) offsets(%dma_start3A_1085 : memref<128xi32, #tpu.memory_space<vmem>>) semaphore(%arg21 : memref<!tpu.dma_semaphore, #tpu.memory_space<semaphore_mem>>)
    %dma_start3A_1089 = arith.constant 1 : i32
    %dma_start3A_1090 = arith.constant 128 : i32
    %dma_start3A_1091 = arith.constant 0 : i32
    %dma_start3A_1092 = tpu.memref_slice %arg19[%dma_start3A_1090, %dma_start3A_1091] : memref<512x32xf32, #tpu.memory_space<vmem>> -> memref<128x32xf32, #tpu.memory_space<vmem>>
    %dma_start3A_1093 = arith.constant 0 : i32
    %dma_start3A_1094 = tpu.memref_slice %arg17[%dma_start3A_1089, %dma_start3A_1093] : memref<4x128xi32, #tpu.memory_space<vmem>> -> memref<1x128xi32, #tpu.memory_space<vmem>>
    %dma_start3A_1095 = tpu.memref_squeeze %dma_start3A_1094 : memref<1x128xi32, #tpu.memory_space<vmem>> -> memref<128xi32, #tpu.memory_space<vmem>>
    %dma_start3A_1096 = arith.constant 0 : i32
    %dma_start3A_1097 = arith.constant 0 : i32
    %dma_start3A_1098 = tpu.memref_slice %arg3[%dma_start3A_1096, %dma_start3A_1097] : memref<1000000x32xf32, #tpu.memory_space<hbm>> -> memref<1000000x32xf32, #tpu.memory_space<hbm>>
    tpu.enqueue_indirect_dma source(%dma_start3A_1098 : memref<1000000x32xf32, #tpu.memory_space<hbm>>) target(%dma_start3A_1092 : memref<128x32xf32, #tpu.memory_space<vmem>>) offsets(%dma_start3A_1095 : memref<128xi32, #tpu.memory_space<vmem>>) semaphore(%arg21 : memref<!tpu.dma_semaphore, #tpu.memory_space<semaphore_mem>>)
    %dma_start3A_1099 = arith.constant 2 : i32
    %dma_start3A_1100 = arith.constant 256 : i32
    %dma_start3A_1101 = arith.constant 0 : i32
    %dma_start3A_1102 = tpu.memref_slice %arg18[%dma_start3A_1100, %dma_start3A_1101] : memref<512x32xf32, #tpu.memory_space<vmem>> -> memref<128x32xf32, #tpu.memory_space<vmem>>
    %dma_start3A_1103 = arith.constant 0 : i32
    %dma_start3A_1104 = tpu.memref_slice %arg16[%dma_start3A_1099, %dma_start3A_1103] : memref<4x128xi32, #tpu.memory_space<vmem>> -> memref<1x128xi32, #tpu.memory_space<vmem>>
    %dma_start3A_1105 = tpu.memref_squeeze %dma_start3A_1104 : memref<1x128xi32, #tpu.memory_space<vmem>> -> memref<128xi32, #tpu.memory_space<vmem>>
    %dma_start3A_1106 = arith.constant 0 : i32
    %dma_start3A_1107 = arith.constant 0 : i32
    %dma_start3A_1108 = tpu.memref_slice %arg2[%dma_start3A_1106, %dma_start3A_1107] : memref<1000000x32xf32, #tpu.memory_space<hbm>> -> memref<1000000x32xf32, #tpu.memory_space<hbm>>
    tpu.enqueue_indirect_dma source(%dma_start3A_1108 : memref<1000000x32xf32, #tpu.memory_space<hbm>>) target(%dma_start3A_1102 : memref<128x32xf32, #tpu.memory_space<vmem>>) offsets(%dma_start3A_1105 : memref<128xi32, #tpu.memory_space<vmem>>) semaphore(%arg21 : memref<!tpu.dma_semaphore, #tpu.memory_space<semaphore_mem>>)
    %dma_start3A_1109 = arith.constant 2 : i32
    %dma_start3A_1110 = arith.constant 256 : i32
    %dma_start3A_1111 = arith.constant 0 : i32
    %dma_start3A_1112 = tpu.memref_slice %arg19[%dma_start3A_1110, %dma_start3A_1111] : memref<512x32xf32, #tpu.memory_space<vmem>> -> memref<128x32xf32, #tpu.memory_space<vmem>>
    %dma_start3A_1113 = arith.constant 0 : i32
    %dma_start3A_1114 = tpu.memref_slice %arg17[%dma_start3A_1109, %dma_start3A_1113] : memref<4x128xi32, #tpu.memory_space<vmem>> -> memref<1x128xi32, #tpu.memory_space<vmem>>
    %dma_start3A_1115 = tpu.memref_squeeze %dma_start3A_1114 : memref<1x128xi32, #tpu.memory_space<vmem>> -> memref<128xi32, #tpu.memory_space<vmem>>
    %dma_start3A_1116 = arith.constant 0 : i32
    %dma_start3A_1117 = arith.constant 0 : i32
    %dma_start3A_1118 = tpu.memref_slice %arg3[%dma_start3A_1116, %dma_start3A_1117] : memref<1000000x32xf32, #tpu.memory_space<hbm>> -> memref<1000000x32xf32, #tpu.memory_space<hbm>>
    tpu.enqueue_indirect_dma source(%dma_start3A_1118 : memref<1000000x32xf32, #tpu.memory_space<hbm>>) target(%dma_start3A_1112 : memref<128x32xf32, #tpu.memory_space<vmem>>) offsets(%dma_start3A_1115 : memref<128xi32, #tpu.memory_space<vmem>>) semaphore(%arg21 : memref<!tpu.dma_semaphore, #tpu.memory_space<semaphore_mem>>)
    %dma_start3A_1119 = arith.constant 3 : i32
    %dma_start3A_1120 = arith.constant 384 : i32
    %dma_start3A_1121 = arith.constant 0 : i32
    %dma_start3A_1122 = tpu.memref_slice %arg18[%dma_start3A_1120, %dma_start3A_1121] : memref<512x32xf32, #tpu.memory_space<vmem>> -> memref<128x32xf32, #tpu.memory_space<vmem>>
    %dma_start3A_1123 = arith.constant 0 : i32
    %dma_start3A_1124 = tpu.memref_slice %arg16[%dma_start3A_1119, %dma_start3A_1123] : memref<4x128xi32, #tpu.memory_space<vmem>> -> memref<1x128xi32, #tpu.memory_space<vmem>>
    %dma_start3A_1125 = tpu.memref_squeeze %dma_start3A_1124 : memref<1x128xi32, #tpu.memory_space<vmem>> -> memref<128xi32, #tpu.memory_space<vmem>>
    %dma_start3A_1126 = arith.constant 0 : i32
    %dma_start3A_1127 = arith.constant 0 : i32
    %dma_start3A_1128 = tpu.memref_slice %arg2[%dma_start3A_1126, %dma_start3A_1127] : memref<1000000x32xf32, #tpu.memory_space<hbm>> -> memref<1000000x32xf32, #tpu.memory_space<hbm>>
    tpu.enqueue_indirect_dma source(%dma_start3A_1128 : memref<1000000x32xf32, #tpu.memory_space<hbm>>) target(%dma_start3A_1122 : memref<128x32xf32, #tpu.memory_space<vmem>>) offsets(%dma_start3A_1125 : memref<128xi32, #tpu.memory_space<vmem>>) semaphore(%arg21 : memref<!tpu.dma_semaphore, #tpu.memory_space<semaphore_mem>>)
    %dma_start3A_1129 = arith.constant 3 : i32
    %dma_start3A_1130 = arith.constant 384 : i32
    %dma_start3A_1131 = arith.constant 0 : i32
    %dma_start3A_1132 = tpu.memref_slice %arg19[%dma_start3A_1130, %dma_start3A_1131] : memref<512x32xf32, #tpu.memory_space<vmem>> -> memref<128x32xf32, #tpu.memory_space<vmem>>
    %dma_start3A_1133 = arith.constant 0 : i32
    %dma_start3A_1134 = tpu.memref_slice %arg17[%dma_start3A_1129, %dma_start3A_1133] : memref<4x128xi32, #tpu.memory_space<vmem>> -> memref<1x128xi32, #tpu.memory_space<vmem>>
    %dma_start3A_1135 = tpu.memref_squeeze %dma_start3A_1134 : memref<1x128xi32, #tpu.memory_space<vmem>> -> memref<128xi32, #tpu.memory_space<vmem>>
    %dma_start3A_1136 = arith.constant 0 : i32
    %dma_start3A_1137 = arith.constant 0 : i32
    %dma_start3A_1138 = tpu.memref_slice %arg3[%dma_start3A_1136, %dma_start3A_1137] : memref<1000000x32xf32, #tpu.memory_space<hbm>> -> memref<1000000x32xf32, #tpu.memory_space<hbm>>
    tpu.enqueue_indirect_dma source(%dma_start3A_1138 : memref<1000000x32xf32, #tpu.memory_space<hbm>>) target(%dma_start3A_1132 : memref<128x32xf32, #tpu.memory_space<vmem>>) offsets(%dma_start3A_1135 : memref<128xi32, #tpu.memory_space<vmem>>) semaphore(%arg21 : memref<!tpu.dma_semaphore, #tpu.memory_space<semaphore_mem>>)
    %dma_wait3A_1139 = arith.constant 0 : i32
    %dma_wait3A_1140 = arith.constant 0 : i32
    %dma_wait3A_1141 = arith.constant 0 : i32
    %dma_wait3A_1142 = tpu.memref_slice %arg18[%dma_wait3A_1140, %dma_wait3A_1141] : memref<512x32xf32, #tpu.memory_space<vmem>> -> memref<128x32xf32, #tpu.memory_space<vmem>>
    %dma_wait3A_1143 = arith.constant 0 : i32
    %dma_wait3A_1144 = tpu.memref_slice %arg16[%dma_wait3A_1139, %dma_wait3A_1143] : memref<4x128xi32, #tpu.memory_space<vmem>> -> memref<1x128xi32, #tpu.memory_space<vmem>>
    %dma_wait3A_1145 = tpu.memref_squeeze %dma_wait3A_1144 : memref<1x128xi32, #tpu.memory_space<vmem>> -> memref<128xi32, #tpu.memory_space<vmem>>
    %dma_wait3A_1146 = arith.constant 0 : i32
    %dma_wait3A_1147 = arith.constant 0 : i32
    %dma_wait3A_1148 = tpu.memref_slice %arg2[%dma_wait3A_1146, %dma_wait3A_1147] : memref<1000000x32xf32, #tpu.memory_space<hbm>> -> memref<1000000x32xf32, #tpu.memory_space<hbm>>
    tpu.wait_indirect_dma semaphore(%arg21 : memref<!tpu.dma_semaphore, #tpu.memory_space<semaphore_mem>>) src(%dma_wait3A_1148 : memref<1000000x32xf32, #tpu.memory_space<hbm>>) dst(%dma_wait3A_1142 : memref<128x32xf32, #tpu.memory_space<vmem>>)
    %dma_wait3A_1149 = arith.constant 0 : i32
    %dma_wait3A_1150 = arith.constant 0 : i32
    %dma_wait3A_1151 = arith.constant 0 : i32
    %dma_wait3A_1152 = tpu.memref_slice %arg19[%dma_wait3A_1150, %dma_wait3A_1151] : memref<512x32xf32, #tpu.memory_space<vmem>> -> memref<128x32xf32, #tpu.memory_space<vmem>>
    %dma_wait3A_1153 = arith.constant 0 : i32
    %dma_wait3A_1154 = tpu.memref_slice %arg17[%dma_wait3A_1149, %dma_wait3A_1153] : memref<4x128xi32, #tpu.memory_space<vmem>> -> memref<1x128xi32, #tpu.memory_space<vmem>>
    %dma_wait3A_1155 = tpu.memref_squeeze %dma_wait3A_1154 : memref<1x128xi32, #tpu.memory_space<vmem>> -> memref<128xi32, #tpu.memory_space<vmem>>
    %dma_wait3A_1156 = arith.constant 0 : i32
    %dma_wait3A_1157 = arith.constant 0 : i32
    %dma_wait3A_1158 = tpu.memref_slice %arg3[%dma_wait3A_1156, %dma_wait3A_1157] : memref<1000000x32xf32, #tpu.memory_space<hbm>> -> memref<1000000x32xf32, #tpu.memory_space<hbm>>
    tpu.wait_indirect_dma semaphore(%arg21 : memref<!tpu.dma_semaphore, #tpu.memory_space<semaphore_mem>>) src(%dma_wait3A_1158 : memref<1000000x32xf32, #tpu.memory_space<hbm>>) dst(%dma_wait3A_1152 : memref<128x32xf32, #tpu.memory_space<vmem>>)
    %dma_wait3A_1159 = arith.constant 1 : i32
    %dma_wait3A_1160 = arith.constant 128 : i32
    %dma_wait3A_1161 = arith.constant 0 : i32
    %dma_wait3A_1162 = tpu.memref_slice %arg18[%dma_wait3A_1160, %dma_wait3A_1161] : memref<512x32xf32, #tpu.memory_space<vmem>> -> memref<128x32xf32, #tpu.memory_space<vmem>>
    %dma_wait3A_1163 = arith.constant 0 : i32
    %dma_wait3A_1164 = tpu.memref_slice %arg16[%dma_wait3A_1159, %dma_wait3A_1163] : memref<4x128xi32, #tpu.memory_space<vmem>> -> memref<1x128xi32, #tpu.memory_space<vmem>>
    %dma_wait3A_1165 = tpu.memref_squeeze %dma_wait3A_1164 : memref<1x128xi32, #tpu.memory_space<vmem>> -> memref<128xi32, #tpu.memory_space<vmem>>
    %dma_wait3A_1166 = arith.constant 0 : i32
    %dma_wait3A_1167 = arith.constant 0 : i32
    %dma_wait3A_1168 = tpu.memref_slice %arg2[%dma_wait3A_1166, %dma_wait3A_1167] : memref<1000000x32xf32, #tpu.memory_space<hbm>> -> memref<1000000x32xf32, #tpu.memory_space<hbm>>
    tpu.wait_indirect_dma semaphore(%arg21 : memref<!tpu.dma_semaphore, #tpu.memory_space<semaphore_mem>>) src(%dma_wait3A_1168 : memref<1000000x32xf32, #tpu.memory_space<hbm>>) dst(%dma_wait3A_1162 : memref<128x32xf32, #tpu.memory_space<vmem>>)
    %dma_wait3A_1169 = arith.constant 1 : i32
    %dma_wait3A_1170 = arith.constant 128 : i32
    %dma_wait3A_1171 = arith.constant 0 : i32
    %dma_wait3A_1172 = tpu.memref_slice %arg19[%dma_wait3A_1170, %dma_wait3A_1171] : memref<512x32xf32, #tpu.memory_space<vmem>> -> memref<128x32xf32, #tpu.memory_space<vmem>>
    %dma_wait3A_1173 = arith.constant 0 : i32
    %dma_wait3A_1174 = tpu.memref_slice %arg17[%dma_wait3A_1169, %dma_wait3A_1173] : memref<4x128xi32, #tpu.memory_space<vmem>> -> memref<1x128xi32, #tpu.memory_space<vmem>>
    %dma_wait3A_1175 = tpu.memref_squeeze %dma_wait3A_1174 : memref<1x128xi32, #tpu.memory_space<vmem>> -> memref<128xi32, #tpu.memory_space<vmem>>
    %dma_wait3A_1176 = arith.constant 0 : i32
    %dma_wait3A_1177 = arith.constant 0 : i32
    %dma_wait3A_1178 = tpu.memref_slice %arg3[%dma_wait3A_1176, %dma_wait3A_1177] : memref<1000000x32xf32, #tpu.memory_space<hbm>> -> memref<1000000x32xf32, #tpu.memory_space<hbm>>
    tpu.wait_indirect_dma semaphore(%arg21 : memref<!tpu.dma_semaphore, #tpu.memory_space<semaphore_mem>>) src(%dma_wait3A_1178 : memref<1000000x32xf32, #tpu.memory_space<hbm>>) dst(%dma_wait3A_1172 : memref<128x32xf32, #tpu.memory_space<vmem>>)
    %dma_wait3A_1179 = arith.constant 2 : i32
    %dma_wait3A_1180 = arith.constant 256 : i32
    %dma_wait3A_1181 = arith.constant 0 : i32
    %dma_wait3A_1182 = tpu.memref_slice %arg18[%dma_wait3A_1180, %dma_wait3A_1181] : memref<512x32xf32, #tpu.memory_space<vmem>> -> memref<128x32xf32, #tpu.memory_space<vmem>>
    %dma_wait3A_1183 = arith.constant 0 : i32
    %dma_wait3A_1184 = tpu.memref_slice %arg16[%dma_wait3A_1179, %dma_wait3A_1183] : memref<4x128xi32, #tpu.memory_space<vmem>> -> memref<1x128xi32, #tpu.memory_space<vmem>>
    %dma_wait3A_1185 = tpu.memref_squeeze %dma_wait3A_1184 : memref<1x128xi32, #tpu.memory_space<vmem>> -> memref<128xi32, #tpu.memory_space<vmem>>
    %dma_wait3A_1186 = arith.constant 0 : i32
    %dma_wait3A_1187 = arith.constant 0 : i32
    %dma_wait3A_1188 = tpu.memref_slice %arg2[%dma_wait3A_1186, %dma_wait3A_1187] : memref<1000000x32xf32, #tpu.memory_space<hbm>> -> memref<1000000x32xf32, #tpu.memory_space<hbm>>
    tpu.wait_indirect_dma semaphore(%arg21 : memref<!tpu.dma_semaphore, #tpu.memory_space<semaphore_mem>>) src(%dma_wait3A_1188 : memref<1000000x32xf32, #tpu.memory_space<hbm>>) dst(%dma_wait3A_1182 : memref<128x32xf32, #tpu.memory_space<vmem>>)
    %dma_wait3A_1189 = arith.constant 2 : i32
    %dma_wait3A_1190 = arith.constant 256 : i32
    %dma_wait3A_1191 = arith.constant 0 : i32
    %dma_wait3A_1192 = tpu.memref_slice %arg19[%dma_wait3A_1190, %dma_wait3A_1191] : memref<512x32xf32, #tpu.memory_space<vmem>> -> memref<128x32xf32, #tpu.memory_space<vmem>>
    %dma_wait3A_1193 = arith.constant 0 : i32
    %dma_wait3A_1194 = tpu.memref_slice %arg17[%dma_wait3A_1189, %dma_wait3A_1193] : memref<4x128xi32, #tpu.memory_space<vmem>> -> memref<1x128xi32, #tpu.memory_space<vmem>>
    %dma_wait3A_1195 = tpu.memref_squeeze %dma_wait3A_1194 : memref<1x128xi32, #tpu.memory_space<vmem>> -> memref<128xi32, #tpu.memory_space<vmem>>
    %dma_wait3A_1196 = arith.constant 0 : i32
    %dma_wait3A_1197 = arith.constant 0 : i32
    %dma_wait3A_1198 = tpu.memref_slice %arg3[%dma_wait3A_1196, %dma_wait3A_1197] : memref<1000000x32xf32, #tpu.memory_space<hbm>> -> memref<1000000x32xf32, #tpu.memory_space<hbm>>
    tpu.wait_indirect_dma semaphore(%arg21 : memref<!tpu.dma_semaphore, #tpu.memory_space<semaphore_mem>>) src(%dma_wait3A_1198 : memref<1000000x32xf32, #tpu.memory_space<hbm>>) dst(%dma_wait3A_1192 : memref<128x32xf32, #tpu.memory_space<vmem>>)
    %dma_wait3A_1199 = arith.constant 3 : i32
    %dma_wait3A_1200 = arith.constant 384 : i32
    %dma_wait3A_1201 = arith.constant 0 : i32
    %dma_wait3A_1202 = tpu.memref_slice %arg18[%dma_wait3A_1200, %dma_wait3A_1201] : memref<512x32xf32, #tpu.memory_space<vmem>> -> memref<128x32xf32, #tpu.memory_space<vmem>>
    %dma_wait3A_1203 = arith.constant 0 : i32
    %dma_wait3A_1204 = tpu.memref_slice %arg16[%dma_wait3A_1199, %dma_wait3A_1203] : memref<4x128xi32, #tpu.memory_space<vmem>> -> memref<1x128xi32, #tpu.memory_space<vmem>>
    %dma_wait3A_1205 = tpu.memref_squeeze %dma_wait3A_1204 : memref<1x128xi32, #tpu.memory_space<vmem>> -> memref<128xi32, #tpu.memory_space<vmem>>
    %dma_wait3A_1206 = arith.constant 0 : i32
    %dma_wait3A_1207 = arith.constant 0 : i32
    %dma_wait3A_1208 = tpu.memref_slice %arg2[%dma_wait3A_1206, %dma_wait3A_1207] : memref<1000000x32xf32, #tpu.memory_space<hbm>> -> memref<1000000x32xf32, #tpu.memory_space<hbm>>
    tpu.wait_indirect_dma semaphore(%arg21 : memref<!tpu.dma_semaphore, #tpu.memory_space<semaphore_mem>>) src(%dma_wait3A_1208 : memref<1000000x32xf32, #tpu.memory_space<hbm>>) dst(%dma_wait3A_1202 : memref<128x32xf32, #tpu.memory_space<vmem>>)
    %dma_wait3A_1209 = arith.constant 3 : i32
    %dma_wait3A_1210 = arith.constant 384 : i32
    %dma_wait3A_1211 = arith.constant 0 : i32
    %dma_wait3A_1212 = tpu.memref_slice %arg19[%dma_wait3A_1210, %dma_wait3A_1211] : memref<512x32xf32, #tpu.memory_space<vmem>> -> memref<128x32xf32, #tpu.memory_space<vmem>>
    %dma_wait3A_1213 = arith.constant 0 : i32
    %dma_wait3A_1214 = tpu.memref_slice %arg17[%dma_wait3A_1209, %dma_wait3A_1213] : memref<4x128xi32, #tpu.memory_space<vmem>> -> memref<1x128xi32, #tpu.memory_space<vmem>>
    %dma_wait3A_1215 = tpu.memref_squeeze %dma_wait3A_1214 : memref<1x128xi32, #tpu.memory_space<vmem>> -> memref<128xi32, #tpu.memory_space<vmem>>
    %dma_wait3A_1216 = arith.constant 0 : i32
    %dma_wait3A_1217 = arith.constant 0 : i32
    %dma_wait3A_1218 = tpu.memref_slice %arg3[%dma_wait3A_1216, %dma_wait3A_1217] : memref<1000000x32xf32, #tpu.memory_space<hbm>> -> memref<1000000x32xf32, #tpu.memory_space<hbm>>
    tpu.wait_indirect_dma semaphore(%arg21 : memref<!tpu.dma_semaphore, #tpu.memory_space<semaphore_mem>>) src(%dma_wait3A_1218 : memref<1000000x32xf32, #tpu.memory_space<hbm>>) dst(%dma_wait3A_1212 : memref<128x32xf32, #tpu.memory_space<vmem>>)
    %scan3A_1219 = arith.constant 0 : i32
    %scan3A_1220 = arith.constant 0 : i32
    %scan3A_1221 = arith.constant 32 : i32
    %scan3A_1222 = arith.addi %scan3A_1220, %scan3A_1221 : i32
    %scan3A_1223 = arith.constant 1 : i32
    scf.for %scan3A_1225 = %scan3A_1220 to %scan3A_1222 step %scan3A_1223  : i32 {
      %mul3A_1226 = arith.constant 16 : i32
      %mul3A_1227 = arith.muli %scan3A_1225, %mul3A_1226 : i32
      %add3A_1228 = vector.broadcast %mul3A_1227 : i32 to vector<16xi32>
      %add3A_1229 = arith.addi %add3A_1228, %iota3A : vector<16xi32>
      %broadcast_in_dim3A = arith.constant 0.000000e+00 : f32
      %broadcast_in_dim3A_1230 = vector.broadcast %broadcast_in_dim3A : f32 to vector<16xf32>
      %broadcast_in_dim3A_1231 = arith.constant 0 : i32
      %broadcast_in_dim3A_1232 = vector.broadcast %broadcast_in_dim3A_1231 : i32 to vector<16xi32>
      %gather3A_1233 = tpu.vector_load_idx %arg18[%add3A_1229, %broadcast_in_dim3A_1232] : memref<512x32xf32, #tpu.memory_space<vmem>>[vector<16xi32>, vector<16xi32>], vector<16xf32>,
      %gather3A_1234 = tpu.vector_load_idx %arg19[%add3A_1229, %broadcast_in_dim3A_1232] : memref<512x32xf32, #tpu.memory_space<vmem>>[vector<16xi32>, vector<16xi32>], vector<16xf32>,
      %mul3A_1235 = arith.mulf %gather3A_1233, %gather3A_1234 : vector<16xf32>
      %add3A_1236 = arith.addf %broadcast_in_dim3A_1230, %mul3A_1235 : vector<16xf32>
      %broadcast_in_dim3A_1237 = arith.constant 1 : i32
      %broadcast_in_dim3A_1238 = vector.broadcast %broadcast_in_dim3A_1237 : i32 to vector<16xi32>
      %gather3A_1239 = tpu.vector_load_idx %arg18[%add3A_1229, %broadcast_in_dim3A_1238] : memref<512x32xf32, #tpu.memory_space<vmem>>[vector<16xi32>, vector<16xi32>], vector<16xf32>,
      %gather3A_1240 = tpu.vector_load_idx %arg19[%add3A_1229, %broadcast_in_dim3A_1238] : memref<512x32xf32, #tpu.memory_space<vmem>>[vector<16xi32>, vector<16xi32>], vector<16xf32>,
      %mul3A_1241 = arith.mulf %gather3A_1239, %gather3A_1240 : vector<16xf32>
      %add3A_1242 = arith.addf %add3A_1236, %mul3A_1241 : vector<16xf32>
      %broadcast_in_dim3A_1243 = arith.constant 2 : i32
      %broadcast_in_dim3A_1244 = vector.broadcast %broadcast_in_dim3A_1243 : i32 to vector<16xi32>
      %gather3A_1245 = tpu.vector_load_idx %arg18[%add3A_1229, %broadcast_in_dim3A_1244] : memref<512x32xf32, #tpu.memory_space<vmem>>[vector<16xi32>, vector<16xi32>], vector<16xf32>,
      %gather3A_1246 = tpu.vector_load_idx %arg19[%add3A_1229, %broadcast_in_dim3A_1244] : memref<512x32xf32, #tpu.memory_space<vmem>>[vector<16xi32>, vector<16xi32>], vector<16xf32>,
      %mul3A_1247 = arith.mulf %gather3A_1245, %gather3A_1246 : vector<16xf32>
      %add3A_1248 = arith.addf %add3A_1242, %mul3A_1247 : vector<16xf32>
      %broadcast_in_dim3A_1249 = arith.constant 3 : i32
      %broadcast_in_dim3A_1250 = vector.broadcast %broadcast_in_dim3A_1249 : i32 to vector<16xi32>
      %gather3A_1251 = tpu.vector_load_idx %arg18[%add3A_1229, %broadcast_in_dim3A_1250] : memref<512x32xf32, #tpu.memory_space<vmem>>[vector<16xi32>, vector<16xi32>], vector<16xf32>,
      %gather3A_1252 = tpu.vector_load_idx %arg19[%add3A_1229, %broadcast_in_dim3A_1250] : memref<512x32xf32, #tpu.memory_space<vmem>>[vector<16xi32>, vector<16xi32>], vector<16xf32>,
      %mul3A_1253 = arith.mulf %gather3A_1251, %gather3A_1252 : vector<16xf32>
      %add3A_1254 = arith.addf %add3A_1248, %mul3A_1253 : vector<16xf32>
      %broadcast_in_dim3A_1255 = arith.constant 4 : i32
      %broadcast_in_dim3A_1256 = vector.broadcast %broadcast_in_dim3A_1255 : i32 to vector<16xi32>
      %gather3A_1257 = tpu.vector_load_idx %arg18[%add3A_1229, %broadcast_in_dim3A_1256] : memref<512x32xf32, #tpu.memory_space<vmem>>[vector<16xi32>, vector<16xi32>], vector<16xf32>,
      %gather3A_1258 = tpu.vector_load_idx %arg19[%add3A_1229, %broadcast_in_dim3A_1256] : memref<512x32xf32, #tpu.memory_space<vmem>>[vector<16xi32>, vector<16xi32>], vector<16xf32>,
      %mul3A_1259 = arith.mulf %gather3A_1257, %gather3A_1258 : vector<16xf32>
      %add3A_1260 = arith.addf %add3A_1254, %mul3A_1259 : vector<16xf32>
      %broadcast_in_dim3A_1261 = arith.constant 5 : i32
      %broadcast_in_dim3A_1262 = vector.broadcast %broadcast_in_dim3A_1261 : i32 to vector<16xi32>
      %gather3A_1263 = tpu.vector_load_idx %arg18[%add3A_1229, %broadcast_in_dim3A_1262] : memref<512x32xf32, #tpu.memory_space<vmem>>[vector<16xi32>, vector<16xi32>], vector<16xf32>,
      %gather3A_1264 = tpu.vector_load_idx %arg19[%add3A_1229, %broadcast_in_dim3A_1262] : memref<512x32xf32, #tpu.memory_space<vmem>>[vector<16xi32>, vector<16xi32>], vector<16xf32>,
      %mul3A_1265 = arith.mulf %gather3A_1263, %gather3A_1264 : vector<16xf32>
      %add3A_1266 = arith.addf %add3A_1260, %mul3A_1265 : vector<16xf32>
      %broadcast_in_dim3A_1267 = arith.constant 6 : i32
      %broadcast_in_dim3A_1268 = vector.broadcast %broadcast_in_dim3A_1267 : i32 to vector<16xi32>
      %gather3A_1269 = tpu.vector_load_idx %arg18[%add3A_1229, %broadcast_in_dim3A_1268] : memref<512x32xf32, #tpu.memory_space<vmem>>[vector<16xi32>, vector<16xi32>], vector<16xf32>,
      %gather3A_1270 = tpu.vector_load_idx %arg19[%add3A_1229, %broadcast_in_dim3A_1268] : memref<512x32xf32, #tpu.memory_space<vmem>>[vector<16xi32>, vector<16xi32>], vector<16xf32>,
      %mul3A_1271 = arith.mulf %gather3A_1269, %gather3A_1270 : vector<16xf32>
      %add3A_1272 = arith.addf %add3A_1266, %mul3A_1271 : vector<16xf32>
      %broadcast_in_dim3A_1273 = arith.constant 7 : i32
      %broadcast_in_dim3A_1274 = vector.broadcast %broadcast_in_dim3A_1273 : i32 to vector<16xi32>
      %gather3A_1275 = tpu.vector_load_idx %arg18[%add3A_1229, %broadcast_in_dim3A_1274] : memref<512x32xf32, #tpu.memory_space<vmem>>[vector<16xi32>, vector<16xi32>], vector<16xf32>,
      %gather3A_1276 = tpu.vector_load_idx %arg19[%add3A_1229, %broadcast_in_dim3A_1274] : memref<512x32xf32, #tpu.memory_space<vmem>>[vector<16xi32>, vector<16xi32>], vector<16xf32>,
      %mul3A_1277 = arith.mulf %gather3A_1275, %gather3A_1276 : vector<16xf32>
      %add3A_1278 = arith.addf %add3A_1272, %mul3A_1277 : vector<16xf32>
      %broadcast_in_dim3A_1279 = arith.constant 8 : i32
      %broadcast_in_dim3A_1280 = vector.broadcast %broadcast_in_dim3A_1279 : i32 to vector<16xi32>
      %gather3A_1281 = tpu.vector_load_idx %arg18[%add3A_1229, %broadcast_in_dim3A_1280] : memref<512x32xf32, #tpu.memory_space<vmem>>[vector<16xi32>, vector<16xi32>], vector<16xf32>,
      %gather3A_1282 = tpu.vector_load_idx %arg19[%add3A_1229, %broadcast_in_dim3A_1280] : memref<512x32xf32, #tpu.memory_space<vmem>>[vector<16xi32>, vector<16xi32>], vector<16xf32>,
      %mul3A_1283 = arith.mulf %gather3A_1281, %gather3A_1282 : vector<16xf32>
      %add3A_1284 = arith.addf %add3A_1278, %mul3A_1283 : vector<16xf32>
      %broadcast_in_dim3A_1285 = arith.constant 9 : i32
      %broadcast_in_dim3A_1286 = vector.broadcast %broadcast_in_dim3A_1285 : i32 to vector<16xi32>
      %gather3A_1287 = tpu.vector_load_idx %arg18[%add3A_1229, %broadcast_in_dim3A_1286] : memref<512x32xf32, #tpu.memory_space<vmem>>[vector<16xi32>, vector<16xi32>], vector<16xf32>,
      %gather3A_1288 = tpu.vector_load_idx %arg19[%add3A_1229, %broadcast_in_dim3A_1286] : memref<512x32xf32, #tpu.memory_space<vmem>>[vector<16xi32>, vector<16xi32>], vector<16xf32>,
      %mul3A_1289 = arith.mulf %gather3A_1287, %gather3A_1288 : vector<16xf32>
      %add3A_1290 = arith.addf %add3A_1284, %mul3A_1289 : vector<16xf32>
      %broadcast_in_dim3A_1291 = arith.constant 10 : i32
      %broadcast_in_dim3A_1292 = vector.broadcast %broadcast_in_dim3A_1291 : i32 to vector<16xi32>
      %gather3A_1293 = tpu.vector_load_idx %arg18[%add3A_1229, %broadcast_in_dim3A_1292] : memref<512x32xf32, #tpu.memory_space<vmem>>[vector<16xi32>, vector<16xi32>], vector<16xf32>,
      %gather3A_1294 = tpu.vector_load_idx %arg19[%add3A_1229, %broadcast_in_dim3A_1292] : memref<512x32xf32, #tpu.memory_space<vmem>>[vector<16xi32>, vector<16xi32>], vector<16xf32>,
      %mul3A_1295 = arith.mulf %gather3A_1293, %gather3A_1294 : vector<16xf32>
      %add3A_1296 = arith.addf %add3A_1290, %mul3A_1295 : vector<16xf32>
      %broadcast_in_dim3A_1297 = arith.constant 11 : i32
      %broadcast_in_dim3A_1298 = vector.broadcast %broadcast_in_dim3A_1297 : i32 to vector<16xi32>
      %gather3A_1299 = tpu.vector_load_idx %arg18[%add3A_1229, %broadcast_in_dim3A_1298] : memref<512x32xf32, #tpu.memory_space<vmem>>[vector<16xi32>, vector<16xi32>], vector<16xf32>,
      %gather3A_1300 = tpu.vector_load_idx %arg19[%add3A_1229, %broadcast_in_dim3A_1298] : memref<512x32xf32, #tpu.memory_space<vmem>>[vector<16xi32>, vector<16xi32>], vector<16xf32>,
      %mul3A_1301 = arith.mulf %gather3A_1299, %gather3A_1300 : vector<16xf32>
      %add3A_1302 = arith.addf %add3A_1296, %mul3A_1301 : vector<16xf32>
      %broadcast_in_dim3A_1303 = arith.constant 12 : i32
      %broadcast_in_dim3A_1304 = vector.broadcast %broadcast_in_dim3A_1303 : i32 to vector<16xi32>
      %gather3A_1305 = tpu.vector_load_idx %arg18[%add3A_1229, %broadcast_in_dim3A_1304] : memref<512x32xf32, #tpu.memory_space<vmem>>[vector<16xi32>, vector<16xi32>], vector<16xf32>,
      %gather3A_1306 = tpu.vector_load_idx %arg19[%add3A_1229, %broadcast_in_dim3A_1304] : memref<512x32xf32, #tpu.memory_space<vmem>>[vector<16xi32>, vector<16xi32>], vector<16xf32>,
      %mul3A_1307 = arith.mulf %gather3A_1305, %gather3A_1306 : vector<16xf32>
      %add3A_1308 = arith.addf %add3A_1302, %mul3A_1307 : vector<16xf32>
      %broadcast_in_dim3A_1309 = arith.constant 13 : i32
      %broadcast_in_dim3A_1310 = vector.broadcast %broadcast_in_dim3A_1309 : i32 to vector<16xi32>
      %gather3A_1311 = tpu.vector_load_idx %arg18[%add3A_1229, %broadcast_in_dim3A_1310] : memref<512x32xf32, #tpu.memory_space<vmem>>[vector<16xi32>, vector<16xi32>], vector<16xf32>,
      %gather3A_1312 = tpu.vector_load_idx %arg19[%add3A_1229, %broadcast_in_dim3A_1310] : memref<512x32xf32, #tpu.memory_space<vmem>>[vector<16xi32>, vector<16xi32>], vector<16xf32>,
      %mul3A_1313 = arith.mulf %gather3A_1311, %gather3A_1312 : vector<16xf32>
      %add3A_1314 = arith.addf %add3A_1308, %mul3A_1313 : vector<16xf32>
      %broadcast_in_dim3A_1315 = arith.constant 14 : i32
      %broadcast_in_dim3A_1316 = vector.broadcast %broadcast_in_dim3A_1315 : i32 to vector<16xi32>
      %gather3A_1317 = tpu.vector_load_idx %arg18[%add3A_1229, %broadcast_in_dim3A_1316] : memref<512x32xf32, #tpu.memory_space<vmem>>[vector<16xi32>, vector<16xi32>], vector<16xf32>,
      %gather3A_1318 = tpu.vector_load_idx %arg19[%add3A_1229, %broadcast_in_dim3A_1316] : memref<512x32xf32, #tpu.memory_space<vmem>>[vector<16xi32>, vector<16xi32>], vector<16xf32>,
      %mul3A_1319 = arith.mulf %gather3A_1317, %gather3A_1318 : vector<16xf32>
      %add3A_1320 = arith.addf %add3A_1314, %mul3A_1319 : vector<16xf32>
      %broadcast_in_dim3A_1321 = arith.constant 15 : i32
      %broadcast_in_dim3A_1322 = vector.broadcast %broadcast_in_dim3A_1321 : i32 to vector<16xi32>
      %gather3A_1323 = tpu.vector_load_idx %arg18[%add3A_1229, %broadcast_in_dim3A_1322] : memref<512x32xf32, #tpu.memory_space<vmem>>[vector<16xi32>, vector<16xi32>], vector<16xf32>,
      %gather3A_1324 = tpu.vector_load_idx %arg19[%add3A_1229, %broadcast_in_dim3A_1322] : memref<512x32xf32, #tpu.memory_space<vmem>>[vector<16xi32>, vector<16xi32>], vector<16xf32>,
      %mul3A_1325 = arith.mulf %gather3A_1323, %gather3A_1324 : vector<16xf32>
      %add3A_1326 = arith.addf %add3A_1320, %mul3A_1325 : vector<16xf32>
      %broadcast_in_dim3A_1327 = arith.constant 16 : i32
      %broadcast_in_dim3A_1328 = vector.broadcast %broadcast_in_dim3A_1327 : i32 to vector<16xi32>
      %gather3A_1329 = tpu.vector_load_idx %arg18[%add3A_1229, %broadcast_in_dim3A_1328] : memref<512x32xf32, #tpu.memory_space<vmem>>[vector<16xi32>, vector<16xi32>], vector<16xf32>,
      %gather3A_1330 = tpu.vector_load_idx %arg19[%add3A_1229, %broadcast_in_dim3A_1328] : memref<512x32xf32, #tpu.memory_space<vmem>>[vector<16xi32>, vector<16xi32>], vector<16xf32>,
      %mul3A_1331 = arith.mulf %gather3A_1329, %gather3A_1330 : vector<16xf32>
      %add3A_1332 = arith.addf %add3A_1326, %mul3A_1331 : vector<16xf32>
      %broadcast_in_dim3A_1333 = arith.constant 17 : i32
      %broadcast_in_dim3A_1334 = vector.broadcast %broadcast_in_dim3A_1333 : i32 to vector<16xi32>
      %gather3A_1335 = tpu.vector_load_idx %arg18[%add3A_1229, %broadcast_in_dim3A_1334] : memref<512x32xf32, #tpu.memory_space<vmem>>[vector<16xi32>, vector<16xi32>], vector<16xf32>,
      %gather3A_1336 = tpu.vector_load_idx %arg19[%add3A_1229, %broadcast_in_dim3A_1334] : memref<512x32xf32, #tpu.memory_space<vmem>>[vector<16xi32>, vector<16xi32>], vector<16xf32>,
      %mul3A_1337 = arith.mulf %gather3A_1335, %gather3A_1336 : vector<16xf32>
      %add3A_1338 = arith.addf %add3A_1332, %mul3A_1337 : vector<16xf32>
      %broadcast_in_dim3A_1339 = arith.constant 18 : i32
      %broadcast_in_dim3A_1340 = vector.broadcast %broadcast_in_dim3A_1339 : i32 to vector<16xi32>
      %gather3A_1341 = tpu.vector_load_idx %arg18[%add3A_1229, %broadcast_in_dim3A_1340] : memref<512x32xf32, #tpu.memory_space<vmem>>[vector<16xi32>, vector<16xi32>], vector<16xf32>,
      %gather3A_1342 = tpu.vector_load_idx %arg19[%add3A_1229, %broadcast_in_dim3A_1340] : memref<512x32xf32, #tpu.memory_space<vmem>>[vector<16xi32>, vector<16xi32>], vector<16xf32>,
      %mul3A_1343 = arith.mulf %gather3A_1341, %gather3A_1342 : vector<16xf32>
      %add3A_1344 = arith.addf %add3A_1338, %mul3A_1343 : vector<16xf32>
      %broadcast_in_dim3A_1345 = arith.constant 19 : i32
      %broadcast_in_dim3A_1346 = vector.broadcast %broadcast_in_dim3A_1345 : i32 to vector<16xi32>
      %gather3A_1347 = tpu.vector_load_idx %arg18[%add3A_1229, %broadcast_in_dim3A_1346] : memref<512x32xf32, #tpu.memory_space<vmem>>[vector<16xi32>, vector<16xi32>], vector<16xf32>,
      %gather3A_1348 = tpu.vector_load_idx %arg19[%add3A_1229, %broadcast_in_dim3A_1346] : memref<512x32xf32, #tpu.memory_space<vmem>>[vector<16xi32>, vector<16xi32>], vector<16xf32>,
      %mul3A_1349 = arith.mulf %gather3A_1347, %gather3A_1348 : vector<16xf32>
      %add3A_1350 = arith.addf %add3A_1344, %mul3A_1349 : vector<16xf32>
      %broadcast_in_dim3A_1351 = arith.constant 20 : i32
      %broadcast_in_dim3A_1352 = vector.broadcast %broadcast_in_dim3A_1351 : i32 to vector<16xi32>
      %gather3A_1353 = tpu.vector_load_idx %arg18[%add3A_1229, %broadcast_in_dim3A_1352] : memref<512x32xf32, #tpu.memory_space<vmem>>[vector<16xi32>, vector<16xi32>], vector<16xf32>,
      %gather3A_1354 = tpu.vector_load_idx %arg19[%add3A_1229, %broadcast_in_dim3A_1352] : memref<512x32xf32, #tpu.memory_space<vmem>>[vector<16xi32>, vector<16xi32>], vector<16xf32>,
      %mul3A_1355 = arith.mulf %gather3A_1353, %gather3A_1354 : vector<16xf32>
      %add3A_1356 = arith.addf %add3A_1350, %mul3A_1355 : vector<16xf32>
      %broadcast_in_dim3A_1357 = arith.constant 21 : i32
      %broadcast_in_dim3A_1358 = vector.broadcast %broadcast_in_dim3A_1357 : i32 to vector<16xi32>
      %gather3A_1359 = tpu.vector_load_idx %arg18[%add3A_1229, %broadcast_in_dim3A_1358] : memref<512x32xf32, #tpu.memory_space<vmem>>[vector<16xi32>, vector<16xi32>], vector<16xf32>,
      %gather3A_1360 = tpu.vector_load_idx %arg19[%add3A_1229, %broadcast_in_dim3A_1358] : memref<512x32xf32, #tpu.memory_space<vmem>>[vector<16xi32>, vector<16xi32>], vector<16xf32>,
      %mul3A_1361 = arith.mulf %gather3A_1359, %gather3A_1360 : vector<16xf32>
      %add3A_1362 = arith.addf %add3A_1356, %mul3A_1361 : vector<16xf32>
      %broadcast_in_dim3A_1363 = arith.constant 22 : i32
      %broadcast_in_dim3A_1364 = vector.broadcast %broadcast_in_dim3A_1363 : i32 to vector<16xi32>
      %gather3A_1365 = tpu.vector_load_idx %arg18[%add3A_1229, %broadcast_in_dim3A_1364] : memref<512x32xf32, #tpu.memory_space<vmem>>[vector<16xi32>, vector<16xi32>], vector<16xf32>,
      %gather3A_1366 = tpu.vector_load_idx %arg19[%add3A_1229, %broadcast_in_dim3A_1364] : memref<512x32xf32, #tpu.memory_space<vmem>>[vector<16xi32>, vector<16xi32>], vector<16xf32>,
      %mul3A_1367 = arith.mulf %gather3A_1365, %gather3A_1366 : vector<16xf32>
      %add3A_1368 = arith.addf %add3A_1362, %mul3A_1367 : vector<16xf32>
      %broadcast_in_dim3A_1369 = arith.constant 23 : i32
      %broadcast_in_dim3A_1370 = vector.broadcast %broadcast_in_dim3A_1369 : i32 to vector<16xi32>
      %gather3A_1371 = tpu.vector_load_idx %arg18[%add3A_1229, %broadcast_in_dim3A_1370] : memref<512x32xf32, #tpu.memory_space<vmem>>[vector<16xi32>, vector<16xi32>], vector<16xf32>,
      %gather3A_1372 = tpu.vector_load_idx %arg19[%add3A_1229, %broadcast_in_dim3A_1370] : memref<512x32xf32, #tpu.memory_space<vmem>>[vector<16xi32>, vector<16xi32>], vector<16xf32>,
      %mul3A_1373 = arith.mulf %gather3A_1371, %gather3A_1372 : vector<16xf32>
      %add3A_1374 = arith.addf %add3A_1368, %mul3A_1373 : vector<16xf32>
      %broadcast_in_dim3A_1375 = arith.constant 24 : i32
      %broadcast_in_dim3A_1376 = vector.broadcast %broadcast_in_dim3A_1375 : i32 to vector<16xi32>
      %gather3A_1377 = tpu.vector_load_idx %arg18[%add3A_1229, %broadcast_in_dim3A_1376] : memref<512x32xf32, #tpu.memory_space<vmem>>[vector<16xi32>, vector<16xi32>], vector<16xf32>,
      %gather3A_1378 = tpu.vector_load_idx %arg19[%add3A_1229, %broadcast_in_dim3A_1376] : memref<512x32xf32, #tpu.memory_space<vmem>>[vector<16xi32>, vector<16xi32>], vector<16xf32>,
      %mul3A_1379 = arith.mulf %gather3A_1377, %gather3A_1378 : vector<16xf32>
      %add3A_1380 = arith.addf %add3A_1374, %mul3A_1379 : vector<16xf32>
      %broadcast_in_dim3A_1381 = arith.constant 25 : i32
      %broadcast_in_dim3A_1382 = vector.broadcast %broadcast_in_dim3A_1381 : i32 to vector<16xi32>
      %gather3A_1383 = tpu.vector_load_idx %arg18[%add3A_1229, %broadcast_in_dim3A_1382] : memref<512x32xf32, #tpu.memory_space<vmem>>[vector<16xi32>, vector<16xi32>], vector<16xf32>,
      %gather3A_1384 = tpu.vector_load_idx %arg19[%add3A_1229, %broadcast_in_dim3A_1382] : memref<512x32xf32, #tpu.memory_space<vmem>>[vector<16xi32>, vector<16xi32>], vector<16xf32>,
      %mul3A_1385 = arith.mulf %gather3A_1383, %gather3A_1384 : vector<16xf32>
      %add3A_1386 = arith.addf %add3A_1380, %mul3A_1385 : vector<16xf32>
      %broadcast_in_dim3A_1387 = arith.constant 26 : i32
      %broadcast_in_dim3A_1388 = vector.broadcast %broadcast_in_dim3A_1387 : i32 to vector<16xi32>
      %gather3A_1389 = tpu.vector_load_idx %arg18[%add3A_1229, %broadcast_in_dim3A_1388] : memref<512x32xf32, #tpu.memory_space<vmem>>[vector<16xi32>, vector<16xi32>], vector<16xf32>,
      %gather3A_1390 = tpu.vector_load_idx %arg19[%add3A_1229, %broadcast_in_dim3A_1388] : memref<512x32xf32, #tpu.memory_space<vmem>>[vector<16xi32>, vector<16xi32>], vector<16xf32>,
      %mul3A_1391 = arith.mulf %gather3A_1389, %gather3A_1390 : vector<16xf32>
      %add3A_1392 = arith.addf %add3A_1386, %mul3A_1391 : vector<16xf32>
      %broadcast_in_dim3A_1393 = arith.constant 27 : i32
      %broadcast_in_dim3A_1394 = vector.broadcast %broadcast_in_dim3A_1393 : i32 to vector<16xi32>
      %gather3A_1395 = tpu.vector_load_idx %arg18[%add3A_1229, %broadcast_in_dim3A_1394] : memref<512x32xf32, #tpu.memory_space<vmem>>[vector<16xi32>, vector<16xi32>], vector<16xf32>,
      %gather3A_1396 = tpu.vector_load_idx %arg19[%add3A_1229, %broadcast_in_dim3A_1394] : memref<512x32xf32, #tpu.memory_space<vmem>>[vector<16xi32>, vector<16xi32>], vector<16xf32>,
      %mul3A_1397 = arith.mulf %gather3A_1395, %gather3A_1396 : vector<16xf32>
      %add3A_1398 = arith.addf %add3A_1392, %mul3A_1397 : vector<16xf32>
      %broadcast_in_dim3A_1399 = arith.constant 28 : i32
      %broadcast_in_dim3A_1400 = vector.broadcast %broadcast_in_dim3A_1399 : i32 to vector<16xi32>
      %gather3A_1401 = tpu.vector_load_idx %arg18[%add3A_1229, %broadcast_in_dim3A_1400] : memref<512x32xf32, #tpu.memory_space<vmem>>[vector<16xi32>, vector<16xi32>], vector<16xf32>,
      %gather3A_1402 = tpu.vector_load_idx %arg19[%add3A_1229, %broadcast_in_dim3A_1400] : memref<512x32xf32, #tpu.memory_space<vmem>>[vector<16xi32>, vector<16xi32>], vector<16xf32>,
      %mul3A_1403 = arith.mulf %gather3A_1401, %gather3A_1402 : vector<16xf32>
      %add3A_1404 = arith.addf %add3A_1398, %mul3A_1403 : vector<16xf32>
      %broadcast_in_dim3A_1405 = arith.constant 29 : i32
      %broadcast_in_dim3A_1406 = vector.broadcast %broadcast_in_dim3A_1405 : i32 to vector<16xi32>
      %gather3A_1407 = tpu.vector_load_idx %arg18[%add3A_1229, %broadcast_in_dim3A_1406] : memref<512x32xf32, #tpu.memory_space<vmem>>[vector<16xi32>, vector<16xi32>], vector<16xf32>,
      %gather3A_1408 = tpu.vector_load_idx %arg19[%add3A_1229, %broadcast_in_dim3A_1406] : memref<512x32xf32, #tpu.memory_space<vmem>>[vector<16xi32>, vector<16xi32>], vector<16xf32>,
      %mul3A_1409 = arith.mulf %gather3A_1407, %gather3A_1408 : vector<16xf32>
      %add3A_1410 = arith.addf %add3A_1404, %mul3A_1409 : vector<16xf32>
      %broadcast_in_dim3A_1411 = arith.constant 30 : i32
      %broadcast_in_dim3A_1412 = vector.broadcast %broadcast_in_dim3A_1411 : i32 to vector<16xi32>
      %gather3A_1413 = tpu.vector_load_idx %arg18[%add3A_1229, %broadcast_in_dim3A_1412] : memref<512x32xf32, #tpu.memory_space<vmem>>[vector<16xi32>, vector<16xi32>], vector<16xf32>,
      %gather3A_1414 = tpu.vector_load_idx %arg19[%add3A_1229, %broadcast_in_dim3A_1412] : memref<512x32xf32, #tpu.memory_space<vmem>>[vector<16xi32>, vector<16xi32>], vector<16xf32>,
      %mul3A_1415 = arith.mulf %gather3A_1413, %gather3A_1414 : vector<16xf32>
      %add3A_1416 = arith.addf %add3A_1410, %mul3A_1415 : vector<16xf32>
      %broadcast_in_dim3A_1417 = arith.constant 31 : i32
      %broadcast_in_dim3A_1418 = vector.broadcast %broadcast_in_dim3A_1417 : i32 to vector<16xi32>
      %gather3A_1419 = tpu.vector_load_idx %arg18[%add3A_1229, %broadcast_in_dim3A_1418] : memref<512x32xf32, #tpu.memory_space<vmem>>[vector<16xi32>, vector<16xi32>], vector<16xf32>,
      %gather3A_1420 = tpu.vector_load_idx %arg19[%add3A_1229, %broadcast_in_dim3A_1418] : memref<512x32xf32, #tpu.memory_space<vmem>>[vector<16xi32>, vector<16xi32>], vector<16xf32>,
      %mul3A_1421 = arith.mulf %gather3A_1419, %gather3A_1420 : vector<16xf32>
      %add3A_1422 = arith.addf %add3A_1416, %mul3A_1421 : vector<16xf32>
      tpu.vector_store_idx %arg20[%add3A_1229], %add3A_1422 : memref<512xf32, #tpu.memory_space<vmem>>[vector<16xi32>], vector<16xf32>,
    }
    %scan3A_1224 = arith.constant 32 : i32
    "tpu.region"() ({
      %run_scoped3A = tpu.sem_alloc : memref<!tpu.dma_semaphore, #tpu.memory_space<semaphore_mem>>
      %dma_start3A_1225 = tpu.memref_slice %arg11[%mul3A_2] : memref<16384xf32, #tpu.memory_space<hbm>> -> memref<512xf32, #tpu.memory_space<hbm>>
      %dma_start3A_1226 = tpu.memref_slice %arg11[%mul3A_2] : memref<16384xf32, #tpu.memory_space<hbm>> -> memref<512xf32, #tpu.memory_space<hbm>>
      tpu.enqueue_dma source(%arg20 : memref<512xf32, #tpu.memory_space<vmem>>) target(%dma_start3A_1226 : memref<512xf32, #tpu.memory_space<hbm>>) target_semaphore(%run_scoped3A : memref<!tpu.dma_semaphore, #tpu.memory_space<semaphore_mem>>)
      %dma_wait3A_1227 = tpu.memref_slice %arg11[%mul3A_2] : memref<16384xf32, #tpu.memory_space<hbm>> -> memref<512xf32, #tpu.memory_space<hbm>>
      %dma_wait3A_1228 = tpu.memref_slice %arg11[%mul3A_2] : memref<16384xf32, #tpu.memory_space<hbm>> -> memref<512xf32, #tpu.memory_space<hbm>>
      tpu.wait_dma2 semaphore(%run_scoped3A : memref<!tpu.dma_semaphore, #tpu.memory_space<semaphore_mem>>) src(%arg20 : memref<512xf32, #tpu.memory_space<vmem>>) dst(%dma_wait3A_1228 : memref<512xf32, #tpu.memory_space<hbm>>)
      tpu.yield
    }) : () -> ()
    return
  }
}

</mosaic_0001>

<sc_bundles>
// kernel: kernel.3.cloned.1.call-start
scs
__scs_entry_jumppad:
0x0: {  	(pc) =	sbr.rel $0x88, $3  }
0x1: {  	(tag) =	ssettag $0x0;
	lr =	simm.s32 $0x1  }
0x2: {  	[smem:$0x3F99] =	sst lr;
	_ =	strace $0xD0000000  }
0x3: {  	_ = 	snop  }
0x4: {  	_ = 	snop  }
0x5: {  	_ = 	snop  }
0x6: {  	_ = 	snop  }
0x7: {  	_ = 	snop  }
__scs_overlays_trampoline_lowered:
0x8: {  	[smem:$0x3FA8] =	sst s0  }
0x9: {  	[smem:$0x3FA9] =	sst s1  }
0xa: {  	[smem:$0x3FAA] =	sst s2  }
0xb: {  	[smem:$0x3FAB] =	sst s3  }
0xc: {  	[smem:$0x3FAC] =	sst s4  }
0xd: {  	[smem:$0x3FAD] =	sst s5  }
0xe: {  	[smem:$0x3FAE] =	sst s6  }
0xf: {  	[smem:$0x3FAF] =	sst s7  }
0x10: {  	[smem:$0x3FB0] =	sst s8  }
0x11: {  	[smem:$0x3FB1] =	sst s9;
	s0 =	simm.s32 @!p0 $0x0  }
0x12: {  	s1 =	sld [smem:$0x3F97];
	s0 =	simm.s32 @p0 $0x1  }
0x13: {  	[smem:$0x3FB2] =	sst s0;
	s0 =	simm.s32 @!p1 $0x0  }
0x14: {  	s2 =	sld [smem:$0x3F96];
	s0 =	simm.s32 @p1 $0x1  }
0x15: {  	[smem:$0x3FB3] =	sst s0;
	s0 =	simm.s32 @!p2 $0x0  }
0x16: {  	s3 =	sld [smem:$0x3FDB];
	s0 =	simm.s32 @p2 $0x1  }
0x17: {  	s4 =	simm.s32 $0x1BF5;
	[smem:$0x3FB5] =	sst s0  }
0x18: {  	s0 =	sld [smem:$0x3F98];
	_ =	swait.ge [sflag:s4], $0x0  }
0x19: {  	s7 =	sld [smem:$0x3F99]  }
0x1a: {  	s8 =	sadd.s32 $0xFFFFE003, lr  }
0x1b: {  	s9 =	sadd.s32 $0xFFFFFEF7, lr;
	s5 =	simm.s32 $0xFFFFFFFF;
	p2 =	slt.u32 s8, $0xFFFFF086  }
0x1c: {  	p1 =	slt.u32 s9, $0xF7A;
	s5 =	simm.s32 @!p2 $0x0  }
0x1d: {  	s5 =	simm.s32 @p1 $0x1;
	p0 =	seq.s32 s7, s2  }
0x1e: {  	s7 =	smul.u32 @!p0 $0xF7A, s2;
	p2 =	seq.s32 @!p0 s5, $0x0  }
0x1f: {  	s9 =	smul.u32 $0xF7A, s1;
	s8 =	simm.s32 @!p0 $0x1BF5;
	p2 =	por !p2, p0  }
0x20: {  	[sflag:s8] =	ssyncset.s32 @!p0 $0xFFFFF086;
	s6 =	sadd.s32 @!p0 s3, s7;
	s7 =	simm.s32 @!p0 $0x108  }
0x21: {  	s3 =	sadd.s32 s3, s9;
	s6 =	sadd.s32 @!p0 $0x88, s6;
	s7 =	simm.s32 @p2 $0x1082  }
0x22: {  	[simem:s7], [sflag:s8] =	dma.local @!p0 [hbm:s6], $0xF7A  }
0x23: {  	s9 =	sor.u32 $0xD0000000, s2;
	s6 =	simm.s32 $0x108;
	_ =	swait.ge @!p0 [sflag:s8], $0x0  }
0x24: {  	s3 =	sadd.s32 $0x88, s3;
	s6 =	simm.s32 @!p1 $0x1082;
	[sflag:s4] =	ssyncset.s32 $0xFFFFF086  }
0x25: {  	[simem:s6], [sflag:s4] =	dma.local [hbm:s3], $0xF7A  }
0x26: {  	[smem:$0x3F99] =	sst s1;
	(tag) =	ssettag s2;
	_ =	strace s9  }
0x27: {  	s1 =	sld [smem:$0x3FA9]  }
0x28: {  	s2 =	sld [smem:$0x3FAA]  }
0x29: {  	s4 =	sld [smem:$0x3FAC]  }
0x2a: {  	p0 =	seq.s32 s5, $0x0;
	s5 =	sld [smem:$0x3FAD]  }
0x2b: {  	s6 =	sld [smem:$0x3FAE]  }
0x2c: {  	s7 =	sld [smem:$0x3FAF]  }
0x2d: {  	s3 =	simm.s32 $0x108;
	s8 =	sld [smem:$0x3FB0]  }
0x2e: {  	s3 =	simm.s32 @!p0 $0x1082;
	s9 =	sld [smem:$0x3FB1]  }
0x2f: {  	lr =	sadd.s32 s0, s3;
	s0 =	sld [smem:$0x3FA8]  }
0x30: {  	s3 =	sld [smem:$0x3FAB]  }
0x31: {  	[smem:$0x3FB4] =	sst s10  }
0x32: {  	s10 =	sld [smem:$0x3FB2];
	_ =	sdelay $0x3  }
0x33: {  	p0 =	seq.s32 s10, $0x1;
	s10 =	sld [smem:$0x3FB4];
	_ =	sdelay $0x3  }
0x34: {  	[smem:$0x3FB4] =	sst s10  }
0x35: {  	s10 =	sld [smem:$0x3FB3];
	_ =	sdelay $0x3  }
0x36: {  	p1 =	seq.s32 s10, $0x1;
	s10 =	sld [smem:$0x3FB4];
	_ =	sdelay $0x3  }
0x37: {  	[smem:$0x3FB4] =	sst s10  }
0x38: {  	s10 =	sld [smem:$0x3FB5]  }
0x39: {  	_ = 	snop;
	(pc) =	sbr.ind lr, $3  }
0x3a: {  	_ = 	snop  }
0x3b: {  	_ = 	snop  }
0x3c: {  	p2 =	seq.s32 s10, $0x1;
	s10 =	sld [smem:$0x3FB4]  }
0x3d: {  	_ =	shalt  }
0x3e: {  	_ =	shalt  }
0x3f: {  	_ =	shalt  }
0x40: {  	_ =	shalt  }
0x41: {  	_ =	shalt  }
0x42: {  	_ =	shalt  }
0x43: {  	_ =	shalt  }
0x44: {  	_ =	shalt  }
0x45: {  	_ =	shalt  }
0x46: {  	_ =	shalt  }
0x47: {  	_ =	shalt  }
0x48: {  	_ =	shalt  }
0x49: {  	_ =	shalt  }
0x4a: {  	_ =	shalt  }
0x4b: {  	_ =	shalt  }
0x4c: {  	_ =	shalt  }
0x4d: {  	_ =	shalt  }
0x4e: {  	_ =	shalt  }
0x4f: {  	_ =	shalt  }
0x50: {  	_ =	shalt  }
0x51: {  	_ =	shalt  }
0x52: {  	_ =	shalt  }
0x53: {  	_ =	shalt  }
0x54: {  	_ =	shalt  }
0x55: {  	_ =	shalt  }
0x56: {  	_ =	shalt  }
0x57: {  	_ =	shalt  }
0x58: {  	_ =	shalt  }
0x59: {  	_ =	shalt  }
0x5a: {  	_ =	shalt  }
0x5b: {  	_ =	shalt  }
0x5c: {  	_ =	shalt  }
0x5d: {  	_ =	shalt  }
0x5e: {  	_ =	shalt  }
0x5f: {  	_ =	shalt  }
0x60: {  	_ =	shalt  }
0x61: {  	_ =	shalt  }
0x62: {  	_ =	shalt  }
0x63: {  	_ =	shalt  }
0x64: {  	_ =	shalt  }
0x65: {  	_ =	shalt  }
0x66: {  	_ =	shalt  }
0x67: {  	_ =	shalt  }
0x68: {  	_ =	shalt  }
0x69: {  	_ =	shalt  }
0x6a: {  	_ =	shalt  }
0x6b: {  	_ =	shalt  }
0x6c: {  	_ =	shalt  }
0x6d: {  	_ =	shalt  }
0x6e: {  	_ =	shalt  }
0x6f: {  	_ =	shalt  }
0x70: {  	_ =	shalt  }
0x71: {  	_ =	shalt  }
0x72: {  	_ =	shalt  }
0x73: {  	_ =	shalt  }
0x74: {  	_ =	shalt  }
0x75: {  	_ =	shalt  }
0x76: {  	_ =	shalt  }
0x77: {  	_ =	shalt  }
0x78: {  	_ =	shalt  }
0x79: {  	_ =	shalt  }
0x7a: {  	_ =	shalt  }
0x7b: {  	_ =	shalt  }
0x7c: {  	_ =	shalt  }
0x7d: {  	_ =	shalt  }
0x7e: {  	_ =	shalt  }
0x7f: {  	_ =	shalt  }
0x80: {  	_ =	shalt  }
0x81: {  	_ =	shalt  }
0x82: {  	_ =	shalt  }
0x83: {  	_ =	shalt  }
0x84: {  	_ =	shalt  }
0x85: {  	_ =	shalt  }
0x86: {  	_ =	shalt  }
0x87: {  	_ =	shalt  }
.Lfunc_end0:
.L_simem_size_0:
called_computation_lowered:
.L_overlay_start_0:
0x88: {  	s2 =	sld [smem:$0x3FD9]  }
0x89: {  	s3 =	sld [smem:$0x3FFE];
	_ =	sdelay $0x1  }
0x8a: {  	s1 =	srdreg.scid  }
0x8b: {  	s0 =	sand.u32 $0x1, s1  }
0x8c: {  	s14 =	sshll.u32 s0, $0xA;
	s2 =	sadd.s32 s3, s2  }
0x8d: {  	s2 =	sadd.s32 s2, s14  }
0x8e: {  	[smem:$0x3FC0] =	sst s2  }
0x8f: {  	_ = 	snop  }
0x90: {  	s2 =	sld [smem:$0x3FC7]  }
0x91: {  	s15 =	sld [smem:$0x3FC6]  }
0x92: {  	s4 =	sld [smem:$0x3FC5]  }
0x93: {  	s5 =	sld [smem:$0x3FD0]  }
0x94: {  	s6 =	sld [smem:$0x3FC4]  }
0x95: {  	s7 =	sld [smem:$0x3FC3]  }
0x96: {  	s9 =	simm.s32 $0xA;
	s10 =	simm.s32 $0x10;
	s8 =	sld [smem:$0x3FC2]  }
0x97: {  	[smem:s10], [sflag:s9] =	dma.local [hbm:s5], $0x1  }
0x98: {  	_ =	swait.eq [sflag:s9], $0x1  }
0x99: {  	[sflag:s9] =	ssyncset.done $0x0  }
0x9a: {  	s16 =	sld [smem:$0x10];
	[sflag:s9] =	ssyncadd.s32 $0xFFFFFFFF  }
0x9b: {  	s17 =	sld [smem:$0x11];
	(tm) =	ssettm $0x1  }
0x9c: {  	s18 =	sld [smem:$0x3FFB];
	_ =	sdelay $0x3  }
0x9d: {  	_ =	strace s18  }
0x9e: {  	s10 =	sld [smem:$0x3FFC];
	_ =	sdelay $0x3  }
0x9f: {  	_ =	strace s10  }
0xa0: {  	s10 =	sld [smem:$0x3FFD];
	_ =	sdelay $0x3  }
0xa1: {  	_ =	strace s10  }
0xa2: {  	_ =	strace $0x8FFFFFFF  }
0xa3: {  	s19 =	sld [smem:$0x3FDB];
	_ =	sdelay $0x1  }
0xa4: {  	s11 =	simm.s32 $_scs_section_size  }
0xa5: {  	s12 =	simm.s32 $_size__tile_overlayer_lowered;
	s13 =	simm.s32 $_tile_overlayer_lowered  }
0xa6: {  	s22 =	simm.s32 $0x1BFF;
	s21 =	sshll.u32 s13, $0x1;
	s10 =	sadd.s32 s11, s19  }
0xa7: {  	s20 =	sshll.u32 s12, $0x1;
	s14 =	simm.s32 $0x0;
	s12 =	sadd.s32 s21, s10  }
0xa8: {  	[timem:s14], [sflag:s22] =	dma.local [hbm:s12], s20  }
0xa9: {  	_ =	swait.ge [sflag:s22], s20  }
0xaa: {  	s11 =	ssub.s32 $0x0, s20;
	[sflag:s22] =	ssyncset.done $0x0  }
0xab: {  	[sflag:s22] =	ssyncadd.s32 s11;
	_ =	sdelay $0x1  }
0xac: {  	s23 =	simm.s32 $0x1B8B  }
0xad: {  	_ =	swait.ge [sflag:s23], $0x1  }
0xae: {  	[sflag:s23] =	ssyncset.done $0x0  }
0xaf: {  	s25 =	simm.s32 $0x1B8E;
	s24 =	sld [smem:$0x3FFE];
	[sflag:s23] =	ssyncadd.s32 $0xFFFFFFFF  }
0xb0: {  	s26 =	simm.s32 $execute0_lowered;
	[smem:$0x3FD2] =	sst s25  }
0xb1: {  	s12 =	sshll.u32 s26, $0x1;
	_ =	strace $0x80000046;
	[dreg:$0x1] =	wrdreg $0xFFFFFFFF  }
0xb2: {  	s28 =	simm.s32 $_size_execute0_lowered;
	s10 =	sadd.s32 s10, s12;
	[dreg:$0x0] =	wrdreg $0x0  }
0xb3: {  	s12 =	sshll.u32 s28, $0x1;
	[dreg:$0x2] =	wrdreg s10  }
0xb4: {  	[dreg:$0x3] =	wrdreg s12  }
0xb5: {  	[dreg:$0x4] =	wrdreg $0xC0  }
0xb6: {  	_ =	task [dreg:s14], $0x5FFFF  }
0xb7: {  	[dreg:$0x1] =	wrdreg $0xFFFFFFFF  }
0xb8: {  	[dreg:$0x0] =	wrdreg $0x60  }
0xb9: {  	[dreg:$0x2] =	wrdreg s24  }
0xba: {  	[dreg:$0x3] =	wrdreg s2  }
0xbb: {  	[dreg:$0x4] =	wrdreg s15  }
0xbc: {  	[dreg:$0x5] =	wrdreg s4  }
0xbd: {  	[dreg:$0x6] =	wrdreg s6  }
0xbe: {  	[dreg:$0x7] =	wrdreg s7  }
0xbf: {  	[dreg:$0x8] =	wrdreg s8  }
0xc0: {  	[dreg:$0x9] =	wrdreg s16  }
0xc1: {  	[dreg:$0xa] =	wrdreg s17  }
0xc2: {  	[dreg:$0xb] =	wrdreg $0x9  }
0xc3: {  	_ =	task.clear_ibuf [dreg:s14], $0xCFFFF;
	_ =	strace $0x90000046  }
0xc4: {  	s29 =	simm.s32 $0x9;
	_ =	strace $0x80000048  }
0xc5: {  	_ =	swait.ge [sflag:s29], $0x1  }
0xc6: {  	[sflag:s29] =	ssyncadd.s32 $0xFFFFFFFF  }
0xc7: {  	_ =	strace $0x90000048  }
0xc8: {  	_ =	sfence  }
0xc9: {  	s30 =	sld [smem:$0x0];
	_ =	sdelay $0x2  }
0xca: {  	s31 =	sshll.u32 s1, $0xD;
	s1 =	sshrl.u32 s1, $0x2  }
0xcb: {  	s3 =	sand.u32 $0x4000, s31;
	s1 =	sadd.s32 s1, s30  }
0xcc: {  	s0 =	sor.u32 s3, s0;
	s1 =	sshll.u32 s1, $0x11  }
0xcd: {  	s0 =	sor.u32 s1, s0  }
0xce: {  	s0 =	sadd.s32 $0x8F2B, s0  }
0xcf: {  	[sflag:s0] =	ssyncadd.remote.s32 $0x1  }
0xd0: {  	_ =	sfence.sel $0xFFFF  }
0xd1: {  	[dreg:$0x0] =	wrdreg $0xFFFFFFFF;
	(pc) =	sbr.abs _section_cstart, $3  }
0xd2: {  	[dreg:$0x1] =	wrdreg $0xFFFFFFFF  }
0xd3: {  	_ =	task.clear_ibuf [dreg:s14], $0x2FFFF;
	_ =	strace $0x9FFFFFFF  }
0xd4: {  	(tm) =	ssettm $0x7FFFFFFF  }
0xd5: {  	_ =	shalt  }
tec
execute0_lowered:
.L_overlay_start_1:
0x0: {  	(tag) =	ssettag $0x1  }
0x1: {  	s0 =	rddreg [dreg:$0x0]  }
0x2: {  	s1 =	rddreg [dreg:$0x3]  }
0x3: {  	s2 =	rddreg [dreg:$0x4]  }
0x4: {  	s3 =	rddreg [dreg:$0x5]  }
0x5: {  	s11 =	rddreg [dreg:$0x6]  }
0x6: {  	s9 =	rddreg [dreg:$0x7]  }
0x7: {  	s12 =	rddreg [dreg:$0x8];
	s4 =	simm.s32 $0x0;
	s5 =	srdreg.scid  }
0x8: {  	s6 =	stileid.u32;
	s14 =	simm.s32 $0x2;
	s15 =	simm.s32 $0x4000  }
0x9: {  	s23 =	simm.s32 $0x8200;
	s18 =	simm.s32 $0x80;
	s20 =	simm.s32 $0x8800  }
0xa: {  	s24 =	simm.s32 $0x8600;
	s22 =	simm.s32 $0xC800;
	s25 =	simm.s32 $0x9800  }
0xb: {  	s28 =	simm.s32 $0x8500;
	s29 =	simm.s32 $0xA800;
	s30 =	simm.s32 $0x8700  }
0xc: {  	s31 =	simm.s32 $0xE800;
	s16 =	simm.s32 $0x1;
	s17 =	simm.s32 $0x10800  }
0xd: {  	s19 =	simm.s32 $0x0;
	[smem:$0x7FF] =	sst s4;
	s5 =	sand.u32 $0x1, s5  }
0xe: {  	s6 =	sshll.u32 s6, $0x7;
	_ =	strace $0x80000047;
	s7 =	ssub.s32 $0x2, s5  }
0xf: {  	s8 =	sshll.u32 s5, $0x6;
	s5 =	sadd.s32 $0xF42C00, s0;
	s10 =	sshrl.u32 s7, $0x1  }
0x10: {  	s13 =	sor.u32 s8, s6;
	s6 =	sadd.s32 $0x1313600, s0;
	s0 =	simm.s32 $0x8780  }
0x11: {  	s26 =	ssub.s32 s7, s10;
	s7 =	sadd.s32 s1, s13;
	s8 =	sadd.s32 s2, s13  }
0x12: {  	s9 =	sadd.s32 s9, s13;
	s10 =	sadd.s32 s3, s13;
	s11 =	sadd.s32 s11, s13  }
0x13: {  	v0 =	vlaneseq.u32;
	s12 =	sadd.s32 s12, s13;
	s2 =	simm.s32 $0x8580;
	s3 =	simm.s32 $0xB800  }
0x14: {  	v1 =	vor.u32 $0xFFFFFFF8, v0;
	s1 =	simm.s32 $0xF800;
	s13 =	smax.u32 s26, $0x1;
	s26 =	simm.s32 $0x8680  }
.LBB2_1:
0x15: {  	s21 =	rddreg [dreg:$0x1]  }
0x16: {  	[tilespmem:s4], [sflag:$0x2] =	stream.linear.gather [hbm4b:s21+s4], $0x4000, $0x38;
	[tilespmem:$0x10A00] =	vst v63  }
0x17: {  	_ =	swait.ge [sflag:s14], $0x4000  }
0x18: {  	[sflag:s14] =	ssyncset.done $0x0  }
0x19: {  	[sflag:s14] =	ssyncadd.s32 $0xFFFFC000  }
0x1a: {  	s21 =	rddreg [dreg:$0x2]  }
0x1b: {  	[tilespmem:s15], [sflag:$0x2] =	stream.linear.gather [hbm4b:s21+s4], $0x4000, $0x38;
	[tilespmem:$0x10A00] =	vst v63  }
0x1c: {  	_ =	swait.ge [sflag:s14], $0x4000  }
0x1d: {  	[sflag:s14] =	ssyncset.done $0x0  }
0x1e: {  	s21 =	simm.s32 $0x8000;
	[sflag:s14] =	ssyncadd.s32 $0xFFFFC000  }
0x1f: {  	[tilespmem:s21], [sflag:$0x2] =	stream.linear.gather [hbm4b:s7+s4], $0x200, $0x38;
	[tilespmem:$0x10A00] =	vst v63  }
0x20: {  	_ =	swait.ge [sflag:s14], $0x200  }
0x21: {  	[sflag:s14] =	ssyncset.done $0x0  }
0x22: {  	[sflag:s14] =	ssyncadd.s32 $0xFFFFFE00  }
0x23: {  	[tilespmem:s23], [sflag:$0x2] =	stream.linear.gather [hbm4b:s8+s4], $0x200, $0x38;
	[tilespmem:$0x10A00] =	vst v63  }
0x24: {  	_ =	swait.ge [sflag:s14], $0x200  }
0x25: {  	[sflag:s14] =	ssyncset.done $0x0  }
0x26: {  	[sflag:s14] =	ssyncadd.s32 $0xFFFFFE00  }
0x27: {  	v2 =	vld [tilespmem:$0x8000]  }
0x28: {  	v3 =	vld [tilespmem:$0x8200];
	_ =	sdelay $0x4  }
0x29: {  	v4 =	vld [tilespmem:$0x8010]  }
0x2a: {  	v5 =	vld [tilespmem:$0x8210]  }
0x2b: {  	v2 =	vld.idx.msk [tilespmem:v2+s4+$0x0], $0xffff  }
0x2c: {  	v3 =	vld.idx.msk [tilespmem:v3+s15+$0x0], $0xffff;
	_ =	sdelay $0x3  }
0x2d: {  	[tilespmem:$0x8400] =	vst v2  }
0x2e: {  	[tilespmem:$0x8600] =	vst v3;
	v2 =	vld [tilespmem:$0x8020]  }
0x2f: {  	v3 =	vld.idx.msk [tilespmem:v4+s4+$0x0], $0xffff  }
0x30: {  	v4 =	vld.idx.msk [tilespmem:v5+s15+$0x0], $0xffff  }
0x31: {  	v5 =	vld [tilespmem:$0x8220];
	_ =	sdelay $0x4  }
0x32: {  	[tilespmem:$0x8410] =	vst v3;
	v3 =	vld [tilespmem:$0x8030]  }
0x33: {  	[tilespmem:$0x8610] =	vst v4;
	v4 =	vld [tilespmem:$0x8230]  }
0x34: {  	v2 =	vld.idx.msk [tilespmem:v2+s4+$0x0], $0xffff  }
0x35: {  	v5 =	vld.idx.msk [tilespmem:v5+s15+$0x0], $0xffff;
	_ =	sdelay $0x3  }
0x36: {  	[tilespmem:$0x8420] =	vst v2;
	v2 =	vld [tilespmem:$0x8040]  }
0x37: {  	[tilespmem:$0x8620] =	vst v5;
	v5 =	vld [tilespmem:$0x8240]  }
0x38: {  	v3 =	vld.idx.msk [tilespmem:v3+s4+$0x0], $0xffff  }
0x39: {  	v4 =	vld.idx.msk [tilespmem:v4+s15+$0x0], $0xffff;
	_ =	sdelay $0x3  }
0x3a: {  	[tilespmem:$0x8430] =	vst v3;
	v3 =	vld [tilespmem:$0x8050]  }
0x3b: {  	[tilespmem:$0x8630] =	vst v4;
	v4 =	vld [tilespmem:$0x8250]  }
0x3c: {  	v2 =	vld.idx.msk [tilespmem:v2+s4+$0x0], $0xffff  }
0x3d: {  	v5 =	vld.idx.msk [tilespmem:v5+s15+$0x0], $0xffff;
	_ =	sdelay $0x3  }
0x3e: {  	[tilespmem:$0x8440] =	vst v2;
	v2 =	vld [tilespmem:$0x8060]  }
0x3f: {  	[tilespmem:$0x8640] =	vst v5;
	v5 =	vld [tilespmem:$0x8260]  }
0x40: {  	v3 =	vld.idx.msk [tilespmem:v3+s4+$0x0], $0xffff  }
0x41: {  	v4 =	vld.idx.msk [tilespmem:v4+s15+$0x0], $0xffff;
	_ =	sdelay $0x3  }
0x42: {  	[tilespmem:$0x8450] =	vst v3;
	v3 =	vld [tilespmem:$0x8070]  }
0x43: {  	[tilespmem:$0x8650] =	vst v4;
	v4 =	vld [tilespmem:$0x8270]  }
0x44: {  	v2 =	vld.idx.msk [tilespmem:v2+s4+$0x0], $0xffff  }
0x45: {  	v5 =	vld.idx.msk [tilespmem:v5+s15+$0x0], $0xffff;
	_ =	sdelay $0x3  }
0x46: {  	[tilespmem:$0x8460] =	vst v2;
	v2 =	vld [tilespmem:$0x8080]  }
0x47: {  	[tilespmem:$0x8660] =	vst v5;
	v5 =	vld [tilespmem:$0x8280]  }
0x48: {  	v3 =	vld.idx.msk [tilespmem:v3+s4+$0x0], $0xffff  }
0x49: {  	v4 =	vld.idx.msk [tilespmem:v4+s15+$0x0], $0xffff;
	_ =	sdelay $0x3  }
0x4a: {  	[tilespmem:$0x8470] =	vst v3;
	v3 =	vld [tilespmem:$0x8090]  }
0x4b: {  	[tilespmem:$0x8670] =	vst v4;
	v4 =	vld [tilespmem:$0x8290]  }
0x4c: {  	v2 =	vld.idx.msk [tilespmem:v2+s4+$0x0], $0xffff  }
0x4d: {  	v5 =	vld.idx.msk [tilespmem:v5+s15+$0x0], $0xffff;
	_ =	sdelay $0x3  }
0x4e: {  	[tilespmem:$0x8480] =	vst v2;
	v2 =	vld [tilespmem:$0x80A0]  }
0x4f: {  	[tilespmem:$0x8680] =	vst v5;
	v5 =	vld [tilespmem:$0x82A0]  }
0x50: {  	v3 =	vld.idx.msk [tilespmem:v3+s4+$0x0], $0xffff  }
0x51: {  	v4 =	vld.idx.msk [tilespmem:v4+s15+$0x0], $0xffff;
	_ =	sdelay $0x3  }
0x52: {  	[tilespmem:$0x8490] =	vst v3;
	v3 =	vld [tilespmem:$0x80B0]  }
0x53: {  	[tilespmem:$0x8690] =	vst v4;
	v4 =	vld [tilespmem:$0x82B0]  }
0x54: {  	v2 =	vld.idx.msk [tilespmem:v2+s4+$0x0], $0xffff  }
0x55: {  	v5 =	vld.idx.msk [tilespmem:v5+s15+$0x0], $0xffff;
	_ =	sdelay $0x3  }
0x56: {  	[tilespmem:$0x84A0] =	vst v2;
	v2 =	vld [tilespmem:$0x80C0]  }
0x57: {  	[tilespmem:$0x86A0] =	vst v5;
	v5 =	vld [tilespmem:$0x82C0]  }
0x58: {  	v3 =	vld.idx.msk [tilespmem:v3+s4+$0x0], $0xffff  }
0x59: {  	v4 =	vld.idx.msk [tilespmem:v4+s15+$0x0], $0xffff;
	_ =	sdelay $0x3  }
0x5a: {  	[tilespmem:$0x84B0] =	vst v3;
	v3 =	vld [tilespmem:$0x80D0]  }
0x5b: {  	[tilespmem:$0x86B0] =	vst v4;
	v4 =	vld [tilespmem:$0x82D0]  }
0x5c: {  	v2 =	vld.idx.msk [tilespmem:v2+s4+$0x0], $0xffff  }
0x5d: {  	v5 =	vld.idx.msk [tilespmem:v5+s15+$0x0], $0xffff;
	_ =	sdelay $0x3  }
0x5e: {  	[tilespmem:$0x84C0] =	vst v2;
	v2 =	vld [tilespmem:$0x80E0]  }
0x5f: {  	[tilespmem:$0x86C0] =	vst v5;
	v5 =	vld [tilespmem:$0x82E0]  }
0x60: {  	v3 =	vld.idx.msk [tilespmem:v3+s4+$0x0], $0xffff  }
0x61: {  	v4 =	vld.idx.msk [tilespmem:v4+s15+$0x0], $0xffff;
	_ =	sdelay $0x3  }
0x62: {  	[tilespmem:$0x84D0] =	vst v3;
	v3 =	vld [tilespmem:$0x80F0]  }
0x63: {  	[tilespmem:$0x86D0] =	vst v4;
	v4 =	vld [tilespmem:$0x82F0]  }
0x64: {  	v2 =	vld.idx.msk [tilespmem:v2+s4+$0x0], $0xffff  }
0x65: {  	v5 =	vld.idx.msk [tilespmem:v5+s15+$0x0], $0xffff;
	_ =	sdelay $0x3  }
0x66: {  	[tilespmem:$0x84E0] =	vst v2;
	v2 =	vld [tilespmem:$0x8100]  }
0x67: {  	[tilespmem:$0x86E0] =	vst v5;
	v5 =	vld [tilespmem:$0x8300]  }
0x68: {  	v3 =	vld.idx.msk [tilespmem:v3+s4+$0x0], $0xffff  }
0x69: {  	v4 =	vld.idx.msk [tilespmem:v4+s15+$0x0], $0xffff;
	_ =	sdelay $0x3  }
0x6a: {  	[tilespmem:$0x84F0] =	vst v3;
	v3 =	vld [tilespmem:$0x8110]  }
0x6b: {  	[tilespmem:$0x86F0] =	vst v4;
	v4 =	vld [tilespmem:$0x8310]  }
0x6c: {  	v2 =	vld.idx.msk [tilespmem:v2+s4+$0x0], $0xffff  }
0x6d: {  	v5 =	vld.idx.msk [tilespmem:v5+s15+$0x0], $0xffff;
	_ =	sdelay $0x3  }
0x6e: {  	[tilespmem:$0x8500] =	vst v2;
	v2 =	vld [tilespmem:$0x8120]  }
0x6f: {  	[tilespmem:$0x8700] =	vst v5;
	v5 =	vld [tilespmem:$0x8320]  }
0x70: {  	v3 =	vld.idx.msk [tilespmem:v3+s4+$0x0], $0xffff  }
0x71: {  	v4 =	vld.idx.msk [tilespmem:v4+s15+$0x0], $0xffff;
	_ =	sdelay $0x3  }
0x72: {  	[tilespmem:$0x8510] =	vst v3;
	v3 =	vld [tilespmem:$0x8130]  }
0x73: {  	[tilespmem:$0x8710] =	vst v4;
	v4 =	vld [tilespmem:$0x8330]  }
0x74: {  	v2 =	vld.idx.msk [tilespmem:v2+s4+$0x0], $0xffff  }
0x75: {  	v5 =	vld.idx.msk [tilespmem:v5+s15+$0x0], $0xffff;
	_ =	sdelay $0x3  }
0x76: {  	[tilespmem:$0x8520] =	vst v2;
	v2 =	vld [tilespmem:$0x8140]  }
0x77: {  	[tilespmem:$0x8720] =	vst v5;
	v5 =	vld [tilespmem:$0x8340]  }
0x78: {  	v3 =	vld.idx.msk [tilespmem:v3+s4+$0x0], $0xffff  }
0x79: {  	v4 =	vld.idx.msk [tilespmem:v4+s15+$0x0], $0xffff;
	_ =	sdelay $0x3  }
0x7a: {  	[tilespmem:$0x8530] =	vst v3;
	v3 =	vld [tilespmem:$0x8150]  }
0x7b: {  	[tilespmem:$0x8730] =	vst v4;
	v4 =	vld [tilespmem:$0x8350]  }
0x7c: {  	v2 =	vld.idx.msk [tilespmem:v2+s4+$0x0], $0xffff  }
0x7d: {  	v5 =	vld.idx.msk [tilespmem:v5+s15+$0x0], $0xffff;
	_ =	sdelay $0x3  }
0x7e: {  	[tilespmem:$0x8540] =	vst v2;
	v2 =	vld [tilespmem:$0x8160]  }
0x7f: {  	[tilespmem:$0x8740] =	vst v5;
	v5 =	vld [tilespmem:$0x8360]  }
0x80: {  	v3 =	vld.idx.msk [tilespmem:v3+s4+$0x0], $0xffff  }
0x81: {  	v4 =	vld.idx.msk [tilespmem:v4+s15+$0x0], $0xffff;
	_ =	sdelay $0x3  }
0x82: {  	[tilespmem:$0x8550] =	vst v3;
	v3 =	vld [tilespmem:$0x8170]  }
0x83: {  	[tilespmem:$0x8750] =	vst v4;
	v4 =	vld [tilespmem:$0x8370]  }
0x84: {  	v2 =	vld.idx.msk [tilespmem:v2+s4+$0x0], $0xffff  }
0x85: {  	v5 =	vld.idx.msk [tilespmem:v5+s15+$0x0], $0xffff;
	_ =	sdelay $0x3  }
0x86: {  	[tilespmem:$0x8560] =	vst v2;
	v2 =	vld [tilespmem:$0x8180]  }
0x87: {  	[tilespmem:$0x8760] =	vst v5;
	v5 =	vld [tilespmem:$0x8380]  }
0x88: {  	v3 =	vld.idx.msk [tilespmem:v3+s4+$0x0], $0xffff  }
0x89: {  	v4 =	vld.idx.msk [tilespmem:v4+s15+$0x0], $0xffff;
	_ =	sdelay $0x3  }
0x8a: {  	[tilespmem:$0x8570] =	vst v3;
	v3 =	vld [tilespmem:$0x8190]  }
0x8b: {  	[tilespmem:$0x8770] =	vst v4;
	v4 =	vld [tilespmem:$0x8390]  }
0x8c: {  	v2 =	vld.idx.msk [tilespmem:v2+s4+$0x0], $0xffff  }
0x8d: {  	v5 =	vld.idx.msk [tilespmem:v5+s15+$0x0], $0xffff;
	_ =	sdelay $0x3  }
0x8e: {  	[tilespmem:$0x8580] =	vst v2;
	v2 =	vld [tilespmem:$0x81A0]  }
0x8f: {  	[tilespmem:$0x8780] =	vst v5;
	v5 =	vld [tilespmem:$0x83A0]  }
0x90: {  	v3 =	vld.idx.msk [tilespmem:v3+s4+$0x0], $0xffff  }
0x91: {  	v4 =	vld.idx.msk [tilespmem:v4+s15+$0x0], $0xffff;
	_ =	sdelay $0x3  }
0x92: {  	[tilespmem:$0x8590] =	vst v3;
	v3 =	vld [tilespmem:$0x81B0]  }
0x93: {  	[tilespmem:$0x8790] =	vst v4;
	v4 =	vld [tilespmem:$0x83B0]  }
0x94: {  	v2 =	vld.idx.msk [tilespmem:v2+s4+$0x0], $0xffff  }
0x95: {  	v5 =	vld.idx.msk [tilespmem:v5+s15+$0x0], $0xffff;
	_ =	sdelay $0x3  }
0x96: {  	[tilespmem:$0x85A0] =	vst v2;
	v2 =	vld [tilespmem:$0x81C0]  }
0x97: {  	[tilespmem:$0x87A0] =	vst v5;
	v5 =	vld [tilespmem:$0x83C0]  }
0x98: {  	v3 =	vld.idx.msk [tilespmem:v3+s4+$0x0], $0xffff  }
0x99: {  	v4 =	vld.idx.msk [tilespmem:v4+s15+$0x0], $0xffff;
	_ =	sdelay $0x3  }
0x9a: {  	[tilespmem:$0x85B0] =	vst v3;
	v3 =	vld [tilespmem:$0x81D0]  }
0x9b: {  	[tilespmem:$0x87B0] =	vst v4;
	v4 =	vld [tilespmem:$0x83D0]  }
0x9c: {  	v2 =	vld.idx.msk [tilespmem:v2+s4+$0x0], $0xffff  }
0x9d: {  	v5 =	vld.idx.msk [tilespmem:v5+s15+$0x0], $0xffff;
	_ =	sdelay $0x3  }
0x9e: {  	[tilespmem:$0x85C0] =	vst v2;
	v2 =	vld [tilespmem:$0x81E0]  }
0x9f: {  	[tilespmem:$0x87C0] =	vst v5;
	v5 =	vld [tilespmem:$0x83E0]  }
0xa0: {  	v3 =	vld.idx.msk [tilespmem:v3+s4+$0x0], $0xffff  }
0xa1: {  	v4 =	vld.idx.msk [tilespmem:v4+s15+$0x0], $0xffff;
	_ =	sdelay $0x3  }
0xa2: {  	[tilespmem:$0x85D0] =	vst v3;
	v3 =	vld [tilespmem:$0x81F0]  }
0xa3: {  	[tilespmem:$0x87D0] =	vst v4;
	v4 =	vld [tilespmem:$0x83F0]  }
0xa4: {  	v2 =	vld.idx.msk [tilespmem:v2+s4+$0x0], $0xffff  }
0xa5: {  	v5 =	vld.idx.msk [tilespmem:v5+s15+$0x0], $0xffff;
	_ =	sdelay $0x3  }
0xa6: {  	[tilespmem:$0x85E0] =	vst v2  }
0xa7: {  	[tilespmem:$0x87E0] =	vst v5  }
0xa8: {  	v2 =	vld.idx.msk [tilespmem:v3+s4+$0x0], $0xffff  }
0xa9: {  	v3 =	vld.idx.msk [tilespmem:v4+s15+$0x0], $0xffff;
	_ =	sdelay $0x3  }
0xaa: {  	[tilespmem:$0x85F0] =	vst v2  }
0xab: {  	s23 =	simm.s32 $0x8400;
	[tilespmem:$0x87F0] =	vst v3  }
0xac: {  	[tilespmem:s20], [sflag:$0x1] =	stream.indirect.gather [hbm4b:s5+s18], $0x20, s23, s18, $0xb8;
	[tilespmem:$0x10A00] =	vst v63  }
0xad: {  	_ = 	snop  }
0xae: {  	[tilespmem:s22], [sflag:$0x1] =	stream.indirect.gather [hbm4b:s6+s18], $0x20, s24, s18, $0xb8;
	[tilespmem:$0x10A00] =	vst v63  }
0xaf: {  	s24 =	simm.s32 $0x8480  }
0xb0: {  	[tilespmem:s25], [sflag:$0x1] =	stream.indirect.gather [hbm4b:s5+s18], $0x20, s24, s18, $0xb8;
	[tilespmem:$0x10A00] =	vst v63  }
0xb1: {  	s25 =	simm.s32 $0xD800  }
0xb2: {  	[tilespmem:s25], [sflag:$0x1] =	stream.indirect.gather [hbm4b:s6+s18], $0x20, s26, s18, $0xb8;
	[tilespmem:$0x10A00] =	vst v63  }
0xb3: {  	_ = 	snop  }
0xb4: {  	[tilespmem:s29], [sflag:$0x1] =	stream.indirect.gather [hbm4b:s5+s18], $0x20, s28, s18, $0xb8;
	[tilespmem:$0x10A00] =	vst v63  }
0xb5: {  	_ = 	snop  }
0xb6: {  	[tilespmem:s31], [sflag:$0x1] =	stream.indirect.gather [hbm4b:s6+s18], $0x20, s30, s18, $0xb8;
	[tilespmem:$0x10A00] =	vst v63  }
0xb7: {  	_ = 	snop  }
0xb8: {  	[tilespmem:s3], [sflag:$0x1] =	stream.indirect.gather [hbm4b:s5+s18], $0x20, s2, s18, $0xb8;
	[tilespmem:$0x10A00] =	vst v63  }
0xb9: {  	_ = 	snop  }
0xba: {  	[tilespmem:s1], [sflag:$0x1] =	stream.indirect.gather [hbm4b:s6+s18], $0x20, s0, s18, $0xb8;
	[tilespmem:$0x10A00] =	vst v63  }
0xbb: {  	_ =	swait.ge [sflag:s16], $0x1000  }
0xbc: {  	[sflag:s16] =	ssyncset.done $0x0  }
0xbd: {  	[sflag:s16] =	ssyncadd.s32 $0xFFFFF000  }
0xbe: {  	_ =	swait.ge [sflag:s16], $0x1000  }
0xbf: {  	[sflag:s16] =	ssyncset.done $0x0  }
0xc0: {  	[sflag:s16] =	ssyncadd.s32 $0xFFFFF000  }
0xc1: {  	_ =	swait.ge [sflag:s16], $0x1000  }
0xc2: {  	[sflag:s16] =	ssyncset.done $0x0  }
0xc3: {  	[sflag:s16] =	ssyncadd.s32 $0xFFFFF000  }
0xc4: {  	_ =	swait.ge [sflag:s16], $0x1000  }
0xc5: {  	[sflag:s16] =	ssyncset.done $0x0  }
0xc6: {  	[sflag:s16] =	ssyncadd.s32 $0xFFFFF000  }
0xc7: {  	_ =	swait.ge [sflag:s16], $0x1000  }
0xc8: {  	[sflag:s16] =	ssyncset.done $0x0  }
0xc9: {  	[sflag:s16] =	ssyncadd.s32 $0xFFFFF000  }
0xca: {  	_ =	swait.ge [sflag:s16], $0x1000  }
0xcb: {  	[sflag:s16] =	ssyncset.done $0x0  }
0xcc: {  	[sflag:s16] =	ssyncadd.s32 $0xFFFFF000  }
0xcd: {  	v3 =	vor.u32 s4, v0;
	_ =	swait.ge [sflag:s16], $0x1000  }
0xce: {  	v2 =	vshll.u32 v3, $0x5;
	[sflag:s16] =	ssyncset.done $0x0  }
0xcf: {  	[sflag:s16] =	ssyncadd.s32 $0xFFFFF000  }
0xd0: {  	v4 =	vor.u32 $0x1, v2;
	_ =	swait.ge [sflag:s16], $0x1000  }
0xd1: {  	[sflag:s16] =	ssyncset.done $0x0  }
0xd2: {  	v5 =	vor.u32 $0x2, v2;
	[sflag:s16] =	ssyncadd.s32 $0xFFFFF000  }
0xd3: {  	v6 =	vld.idx.msk [tilespmem:v2+s22+$0x0], $0xffff  }
0xd4: {  	v8 =	vor.u32 $0x3, v2;
	v7 =	vld.idx.msk [tilespmem:v2+s20+$0x0], $0xffff  }
0xd5: {  	v9 =	vld.idx.msk [tilespmem:v4+s20+$0x0], $0xffff  }
0xd6: {  	v10 =	vor.u32 $0x4, v2;
	v4 =	vld.idx.msk [tilespmem:v4+s22+$0x0], $0xffff  }
0xd7: {  	v11 =	vld.idx.msk [tilespmem:v5+s20+$0x0], $0xffff  }
0xd8: {  	v12 =	vor.u32 $0x5, v2;
	v5 =	vld.idx.msk [tilespmem:v5+s22+$0x0], $0xffff  }
0xd9: {  	v13 =	vld.idx.msk [tilespmem:v8+s20+$0x0], $0xffff;
	v6 =	vmul.f32 v6, v7  }
0xda: {  	v7 =	vld.idx.msk [tilespmem:v8+s22+$0x0], $0xffff;
	v8 =	vor.u32 $0x6, v2  }
0xdb: {  	v14 =	vld.idx.msk [tilespmem:v10+s20+$0x0], $0xffff;
	v4 =	vmul.f32 v4, v9;
	v6 =	vadd.f32 $0.0e+00, v6  }
0xdc: {  	v60 =	vor.u32 $0x7, v2;
	v59 =	vld.idx.msk [tilespmem:v10+s22+$0x0], $0xffff  }
0xdd: {  	v15 =	vld.idx.msk [tilespmem:v12+s20+$0x0], $0xffff;
	v5 =	vmul.f32 v5, v11;
	v4 =	vadd.f32 v4, v6  }
0xde: {  	v61 =	vor.u32 $0x8, v2;
	v6 =	vld.idx.msk [tilespmem:v12+s22+$0x0], $0xffff  }
0xdf: {  	v62 =	vld.idx.msk [tilespmem:v8+s20+$0x0], $0xffff;
	v4 =	vadd.f32 v5, v4;
	v5 =	vmul.f32 v7, v13  }
0xe0: {  	v7 =	vld.idx.msk [tilespmem:v8+s22+$0x0], $0xffff;
	v8 =	vor.u32 $0x9, v2  }
0xe1: {  	v63 =	vld.idx.msk [tilespmem:v60+s20+$0x0], $0xffff;
	v4 =	vadd.f32 v5, v4;
	v5 =	vmul.f32 v59, v14  }
0xe2: {  	v19 =	vor.u32 $0xA, v2;
	v18 =	vld.idx.msk [tilespmem:v60+s22+$0x0], $0xffff  }
0xe3: {  	v20 =	vld.idx.msk [tilespmem:v61+s20+$0x0], $0xffff;
	v4 =	vadd.f32 v5, v4;
	v5 =	vmul.f32 v6, v15  }
0xe4: {  	v21 =	vor.u32 $0xB, v2;
	v6 =	vld.idx.msk [tilespmem:v61+s22+$0x0], $0xffff  }
0xe5: {  	v22 =	vld.idx.msk [tilespmem:v8+s20+$0x0], $0xffff;
	v4 =	vadd.f32 v5, v4;
	v5 =	vmul.f32 v7, v62  }
0xe6: {  	v7 =	vld.idx.msk [tilespmem:v8+s22+$0x0], $0xffff;
	v8 =	vor.u32 $0xC, v2  }
0xe7: {  	v23 =	vld.idx.msk [tilespmem:v19+s20+$0x0], $0xffff;
	v4 =	vadd.f32 v5, v4;
	v5 =	vmul.f32 v18, v63  }
0xe8: {  	v25 =	vor.u32 $0xD, v2;
	v24 =	vld.idx.msk [tilespmem:v19+s22+$0x0], $0xffff  }
0xe9: {  	v26 =	vld.idx.msk [tilespmem:v21+s20+$0x0], $0xffff;
	v4 =	vadd.f32 v5, v4;
	v5 =	vmul.f32 v6, v20  }
0xea: {  	v27 =	vor.u32 $0xE, v2;
	v6 =	vld.idx.msk [tilespmem:v21+s22+$0x0], $0xffff  }
0xeb: {  	v28 =	vld.idx.msk [tilespmem:v8+s20+$0x0], $0xffff;
	v4 =	vadd.f32 v5, v4;
	v5 =	vmul.f32 v7, v22  }
0xec: {  	v7 =	vld.idx.msk [tilespmem:v8+s22+$0x0], $0xffff;
	v8 =	vor.u32 $0xF, v2  }
0xed: {  	v29 =	vld.idx.msk [tilespmem:v25+s20+$0x0], $0xffff;
	v4 =	vadd.f32 v5, v4;
	v5 =	vmul.f32 v24, v23  }
0xee: {  	v31 =	vor.u32 $0x10, v2;
	v30 =	vld.idx.msk [tilespmem:v25+s22+$0x0], $0xffff  }
0xef: {  	v32 =	vld.idx.msk [tilespmem:v27+s20+$0x0], $0xffff;
	v4 =	vadd.f32 v5, v4;
	v5 =	vmul.f32 v6, v26  }
0xf0: {  	v33 =	vor.u32 $0x11, v2;
	v6 =	vld.idx.msk [tilespmem:v27+s22+$0x0], $0xffff  }
0xf1: {  	v34 =	vld.idx.msk [tilespmem:v8+s20+$0x0], $0xffff;
	v4 =	vadd.f32 v5, v4;
	v5 =	vmul.f32 v7, v28  }
0xf2: {  	v7 =	vld.idx.msk [tilespmem:v8+s22+$0x0], $0xffff;
	v8 =	vor.u32 $0x12, v2  }
0xf3: {  	v35 =	vld.idx.msk [tilespmem:v31+s20+$0x0], $0xffff;
	v4 =	vadd.f32 v5, v4;
	v5 =	vmul.f32 v30, v29  }
0xf4: {  	v37 =	vor.u32 $0x13, v2;
	v36 =	vld.idx.msk [tilespmem:v31+s22+$0x0], $0xffff  }
0xf5: {  	v38 =	vld.idx.msk [tilespmem:v33+s20+$0x0], $0xffff;
	v4 =	vadd.f32 v5, v4;
	v5 =	vmul.f32 v6, v32  }
0xf6: {  	v39 =	vor.u32 $0x14, v2;
	v6 =	vld.idx.msk [tilespmem:v33+s22+$0x0], $0xffff  }
0xf7: {  	v40 =	vld.idx.msk [tilespmem:v8+s20+$0x0], $0xffff;
	v4 =	vadd.f32 v5, v4;
	v5 =	vmul.f32 v7, v34  }
0xf8: {  	v7 =	vld.idx.msk [tilespmem:v8+s22+$0x0], $0xffff;
	v8 =	vor.u32 $0x15, v2  }
0xf9: {  	v41 =	vld.idx.msk [tilespmem:v37+s20+$0x0], $0xffff;
	v4 =	vadd.f32 v5, v4;
	v5 =	vmul.f32 v36, v35  }
0xfa: {  	v43 =	vor.u32 $0x16, v2;
	v42 =	vld.idx.msk [tilespmem:v37+s22+$0x0], $0xffff  }
0xfb: {  	v44 =	vld.idx.msk [tilespmem:v39+s20+$0x0], $0xffff;
	v4 =	vadd.f32 v5, v4;
	v5 =	vmul.f32 v6, v38  }
0xfc: {  	v45 =	vor.u32 $0x17, v2;
	v6 =	vld.idx.msk [tilespmem:v39+s22+$0x0], $0xffff  }
0xfd: {  	v46 =	vld.idx.msk [tilespmem:v8+s20+$0x0], $0xffff;
	v4 =	vadd.f32 v5, v4;
	v5 =	vmul.f32 v7, v40  }
0xfe: {  	v7 =	vld.idx.msk [tilespmem:v8+s22+$0x0], $0xffff;
	v8 =	vor.u32 $0x18, v2  }
0xff: {  	v47 =	vld.idx.msk [tilespmem:v43+s20+$0x0], $0xffff;
	v4 =	vadd.f32 v5, v4;
	v5 =	vmul.f32 v42, v41  }
0x100: {  	v49 =	vor.u32 $0x19, v2;
	v48 =	vld.idx.msk [tilespmem:v43+s22+$0x0], $0xffff  }
0x101: {  	v50 =	vld.idx.msk [tilespmem:v45+s20+$0x0], $0xffff;
	v4 =	vadd.f32 v5, v4;
	v5 =	vmul.f32 v6, v44  }
0x102: {  	v51 =	vor.u32 $0x1A, v2;
	v6 =	vld.idx.msk [tilespmem:v45+s22+$0x0], $0xffff  }
0x103: {  	v52 =	vld.idx.msk [tilespmem:v8+s20+$0x0], $0xffff;
	v4 =	vadd.f32 v5, v4;
	v5 =	vmul.f32 v7, v46  }
0x104: {  	v7 =	vld.idx.msk [tilespmem:v8+s22+$0x0], $0xffff;
	v8 =	vor.u32 $0x1B, v2  }
0x105: {  	v53 =	vld.idx.msk [tilespmem:v49+s20+$0x0], $0xffff;
	v4 =	vadd.f32 v5, v4;
	v5 =	vmul.f32 v48, v47  }
0x106: {  	v55 =	vor.u32 $0x1C, v2;
	v54 =	vld.idx.msk [tilespmem:v49+s22+$0x0], $0xffff  }
0x107: {  	v56 =	vld.idx.msk [tilespmem:v51+s20+$0x0], $0xffff;
	v4 =	vadd.f32 v5, v4;
	v5 =	vmul.f32 v6, v50  }
0x108: {  	v57 =	vor.u32 $0x1D, v2;
	v6 =	vld.idx.msk [tilespmem:v51+s22+$0x0], $0xffff  }
0x109: {  	v58 =	vld.idx.msk [tilespmem:v8+s20+$0x0], $0xffff;
	v4 =	vadd.f32 v5, v4;
	v5 =	vmul.f32 v7, v52  }
0x10a: {  	v7 =	vld.idx.msk [tilespmem:v8+s22+$0x0], $0xffff;
	v8 =	vor.u32 $0x1E, v2  }
0x10b: {  	v60 =	vld.idx.msk [tilespmem:v55+s22+$0x0], $0xffff;
	v4 =	vadd.f32 v5, v4;
	v5 =	vmul.f32 v54, v53  }
0x10c: {  	v59 =	vld.idx.msk [tilespmem:v55+s20+$0x0], $0xffff;
	v2 =	vor.u32 $0x1F, v2  }
0x10d: {  	v61 =	vld.idx.msk [tilespmem:v57+s20+$0x0], $0xffff;
	v4 =	vadd.f32 v5, v4;
	v5 =	vmul.f32 v6, v56  }
0x10e: {  	v6 =	vld.idx.msk [tilespmem:v57+s22+$0x0], $0xffff  }
0x10f: {  	v62 =	vld.idx.msk [tilespmem:v8+s20+$0x0], $0xffff;
	v4 =	vadd.f32 v5, v4;
	v5 =	vmul.f32 v7, v58  }
0x110: {  	v7 =	vld.idx.msk [tilespmem:v8+s22+$0x0], $0xffff  }
0x111: {  	v63 =	vld.idx.msk [tilespmem:v2+s22+$0x0], $0xffff;
	v4 =	vadd.f32 v5, v4;
	v5 =	vmul.f32 v60, v59  }
0x112: {  	v8 =	vld.idx.msk [tilespmem:v2+s20+$0x0], $0xffff  }
0x113: {  	v2 =	vadd.f32 v5, v4;
	v4 =	vmul.f32 v6, v61;
	_ =	sdelay $0x1  }
0x114: {  	s28 =	simm.s32 $0x10;
	v6 =	vmul.f32 v7, v62;
	v5 =	vadd.f32 v4, v2  }
0x115: {  	v2 =	vor.u32 s28, v0;
	v4 =	vand.u32 v1, v3  }
0x116: {  	s21 =	simm.s32 $0x20;
	v3 =	vshll.u32 v2, $0x5;
	v5 =	vadd.f32 v6, v5;
	v6 =	vmul.f32 v63, v8  }
.LBB2_2:
0x117: {  	p0 =	sne.s32 s21, $0x1F0  }
0x118: {  	v7 =	vor.u32 $0x1, v3;
	v5 =	vadd.f32 v6, v5;
	_ =	sdelay $0x1  }
0x119: {  	v6 =	vor.u32 $0x2, v3;
	[tilespmem:v4+s17+$0x0] =	vst.idx.msk $0xffff, v5  }
0x11a: {  	v4 =	vld.idx.msk [tilespmem:v3+s22+$0x0], $0xffff  }
0x11b: {  	v8 =	vor.u32 $0x3, v3;
	v5 =	vld.idx.msk [tilespmem:v3+s20+$0x0], $0xffff  }
0x11c: {  	v9 =	vld.idx.msk [tilespmem:v7+s20+$0x0], $0xffff  }
0x11d: {  	v10 =	vor.u32 $0x4, v3;
	v7 =	vld.idx.msk [tilespmem:v7+s22+$0x0], $0xffff  }
0x11e: {  	v11 =	vld.idx.msk [tilespmem:v6+s20+$0x0], $0xffff  }
0x11f: {  	v12 =	vor.u32 $0x5, v3;
	v6 =	vld.idx.msk [tilespmem:v6+s22+$0x0], $0xffff  }
0x120: {  	v13 =	vld.idx.msk [tilespmem:v8+s20+$0x0], $0xffff  }
0x121: {  	v4 =	vmul.f32 v4, v5;
	v5 =	vld.idx.msk [tilespmem:v8+s22+$0x0], $0xffff;
	v8 =	vor.u32 $0x6, v3  }
0x122: {  	v14 =	vld.idx.msk [tilespmem:v10+s20+$0x0], $0xffff  }
0x123: {  	v4 =	vadd.f32 $0.0e+00, v4;
	v7 =	vmul.f32 v7, v9;
	v9 =	vld.idx.msk [tilespmem:v10+s22+$0x0], $0xffff;
	v10 =	vor.u32 $0x7, v3  }
0x124: {  	v15 =	vld.idx.msk [tilespmem:v12+s20+$0x0], $0xffff  }
0x125: {  	v4 =	vadd.f32 v7, v4;
	v6 =	vmul.f32 v6, v11;
	v11 =	vor.u32 $0x8, v3;
	v7 =	vld.idx.msk [tilespmem:v12+s22+$0x0], $0xffff  }
0x126: {  	v12 =	vld.idx.msk [tilespmem:v8+s20+$0x0], $0xffff  }
0x127: {  	v4 =	vadd.f32 v6, v4;
	v5 =	vmul.f32 v5, v13;
	v6 =	vld.idx.msk [tilespmem:v8+s22+$0x0], $0xffff;
	v8 =	vor.u32 $0x9, v3  }
0x128: {  	v13 =	vld.idx.msk [tilespmem:v10+s20+$0x0], $0xffff  }
0x129: {  	v4 =	vadd.f32 v5, v4;
	v5 =	vmul.f32 v9, v14;
	v9 =	vld.idx.msk [tilespmem:v10+s22+$0x0], $0xffff;
	v10 =	vor.u32 $0xA, v3  }
0x12a: {  	v14 =	vld.idx.msk [tilespmem:v11+s20+$0x0], $0xffff  }
0x12b: {  	v4 =	vadd.f32 v5, v4;
	v5 =	vmul.f32 v7, v15;
	v7 =	vld.idx.msk [tilespmem:v11+s22+$0x0], $0xffff;
	v11 =	vor.u32 $0xB, v3  }
0x12c: {  	v15 =	vld.idx.msk [tilespmem:v8+s20+$0x0], $0xffff  }
0x12d: {  	v4 =	vadd.f32 v5, v4;
	v5 =	vmul.f32 v6, v12;
	v6 =	vld.idx.msk [tilespmem:v8+s22+$0x0], $0xffff;
	v8 =	vor.u32 $0xC, v3  }
0x12e: {  	v12 =	vld.idx.msk [tilespmem:v10+s20+$0x0], $0xffff  }
0x12f: {  	v4 =	vadd.f32 v5, v4;
	v5 =	vmul.f32 v9, v13;
	v9 =	vld.idx.msk [tilespmem:v10+s22+$0x0], $0xffff;
	v10 =	vor.u32 $0xD, v3  }
0x130: {  	v13 =	vld.idx.msk [tilespmem:v11+s20+$0x0], $0xffff  }
0x131: {  	v4 =	vadd.f32 v5, v4;
	v5 =	vmul.f32 v7, v14;
	v7 =	vld.idx.msk [tilespmem:v11+s22+$0x0], $0xffff;
	v11 =	vor.u32 $0xE, v3  }
0x132: {  	v14 =	vld.idx.msk [tilespmem:v8+s20+$0x0], $0xffff  }
0x133: {  	v4 =	vadd.f32 v5, v4;
	v5 =	vmul.f32 v6, v15;
	v6 =	vld.idx.msk [tilespmem:v8+s22+$0x0], $0xffff;
	v8 =	vor.u32 $0xF, v3  }
0x134: {  	v15 =	vld.idx.msk [tilespmem:v10+s20+$0x0], $0xffff  }
0x135: {  	v4 =	vadd.f32 v5, v4;
	v5 =	vmul.f32 v9, v12;
	v9 =	vld.idx.msk [tilespmem:v10+s22+$0x0], $0xffff;
	v10 =	vor.u32 $0x10, v3  }
0x136: {  	v12 =	vld.idx.msk [tilespmem:v11+s20+$0x0], $0xffff  }
0x137: {  	v4 =	vadd.f32 v5, v4;
	v5 =	vmul.f32 v7, v13;
	v7 =	vld.idx.msk [tilespmem:v11+s22+$0x0], $0xffff;
	v11 =	vor.u32 $0x11, v3  }
0x138: {  	v13 =	vld.idx.msk [tilespmem:v8+s20+$0x0], $0xffff  }
0x139: {  	v4 =	vadd.f32 v5, v4;
	v5 =	vmul.f32 v6, v14;
	v6 =	vld.idx.msk [tilespmem:v8+s22+$0x0], $0xffff;
	v8 =	vor.u32 $0x12, v3  }
0x13a: {  	v14 =	vld.idx.msk [tilespmem:v10+s20+$0x0], $0xffff  }
0x13b: {  	v4 =	vadd.f32 v5, v4;
	v5 =	vmul.f32 v9, v15;
	v9 =	vld.idx.msk [tilespmem:v10+s22+$0x0], $0xffff;
	v10 =	vor.u32 $0x13, v3  }
0x13c: {  	v15 =	vld.idx.msk [tilespmem:v11+s20+$0x0], $0xffff  }
0x13d: {  	v4 =	vadd.f32 v5, v4;
	v5 =	vmul.f32 v7, v12;
	v7 =	vld.idx.msk [tilespmem:v11+s22+$0x0], $0xffff;
	v11 =	vor.u32 $0x14, v3  }
0x13e: {  	v12 =	vld.idx.msk [tilespmem:v8+s20+$0x0], $0xffff  }
0x13f: {  	v4 =	vadd.f32 v5, v4;
	v5 =	vmul.f32 v6, v13;
	v6 =	vld.idx.msk [tilespmem:v8+s22+$0x0], $0xffff;
	v8 =	vor.u32 $0x15, v3  }
0x140: {  	v13 =	vld.idx.msk [tilespmem:v10+s20+$0x0], $0xffff  }
0x141: {  	v4 =	vadd.f32 v5, v4;
	v5 =	vmul.f32 v9, v14;
	v9 =	vld.idx.msk [tilespmem:v10+s22+$0x0], $0xffff;
	v10 =	vor.u32 $0x16, v3  }
0x142: {  	v14 =	vld.idx.msk [tilespmem:v11+s20+$0x0], $0xffff  }
0x143: {  	v4 =	vadd.f32 v5, v4;
	v5 =	vmul.f32 v7, v15;
	v7 =	vld.idx.msk [tilespmem:v11+s22+$0x0], $0xffff;
	v11 =	vor.u32 $0x17, v3  }
0x144: {  	v15 =	vld.idx.msk [tilespmem:v8+s20+$0x0], $0xffff  }
0x145: {  	v4 =	vadd.f32 v5, v4;
	v5 =	vmul.f32 v6, v12;
	v6 =	vld.idx.msk [tilespmem:v8+s22+$0x0], $0xffff;
	v8 =	vor.u32 $0x18, v3  }
0x146: {  	v12 =	vld.idx.msk [tilespmem:v10+s20+$0x0], $0xffff  }
0x147: {  	v4 =	vadd.f32 v5, v4;
	v5 =	vmul.f32 v9, v13;
	v9 =	vld.idx.msk [tilespmem:v10+s22+$0x0], $0xffff;
	v10 =	vor.u32 $0x19, v3  }
0x148: {  	v13 =	vld.idx.msk [tilespmem:v11+s20+$0x0], $0xffff  }
0x149: {  	v4 =	vadd.f32 v5, v4;
	v5 =	vmul.f32 v7, v14;
	v7 =	vld.idx.msk [tilespmem:v11+s22+$0x0], $0xffff;
	v11 =	vor.u32 $0x1A, v3  }
0x14a: {  	v14 =	vld.idx.msk [tilespmem:v8+s20+$0x0], $0xffff  }
0x14b: {  	v4 =	vadd.f32 v5, v4;
	v5 =	vmul.f32 v6, v15;
	v6 =	vld.idx.msk [tilespmem:v8+s22+$0x0], $0xffff;
	v8 =	vor.u32 $0x1B, v3  }
0x14c: {  	v15 =	vld.idx.msk [tilespmem:v10+s20+$0x0], $0xffff  }
0x14d: {  	v4 =	vadd.f32 v5, v4;
	v5 =	vmul.f32 v9, v12;
	v9 =	vld.idx.msk [tilespmem:v10+s22+$0x0], $0xffff;
	v10 =	vor.u32 $0x1C, v3  }
0x14e: {  	v12 =	vld.idx.msk [tilespmem:v11+s20+$0x0], $0xffff  }
0x14f: {  	v4 =	vadd.f32 v5, v4;
	v5 =	vmul.f32 v7, v13;
	v7 =	vld.idx.msk [tilespmem:v11+s22+$0x0], $0xffff;
	v11 =	vor.u32 $0x1D, v3  }
0x150: {  	v13 =	vld.idx.msk [tilespmem:v8+s20+$0x0], $0xffff  }
0x151: {  	v4 =	vadd.f32 v5, v4;
	v5 =	vmul.f32 v6, v14;
	v6 =	vld.idx.msk [tilespmem:v8+s22+$0x0], $0xffff;
	v8 =	vor.u32 $0x1E, v3  }
0x152: {  	v14 =	vld.idx.msk [tilespmem:v10+s20+$0x0], $0xffff  }
0x153: {  	v3 =	vor.u32 $0x1F, v3;
	v4 =	vadd.f32 v5, v4;
	v5 =	vmul.f32 v9, v15;
	v9 =	vld.idx.msk [tilespmem:v10+s22+$0x0], $0xffff  }
0x154: {  	v10 =	vld.idx.msk [tilespmem:v11+s20+$0x0], $0xffff  }
0x155: {  	v4 =	vadd.f32 v5, v4;
	v5 =	vmul.f32 v7, v12;
	v7 =	vld.idx.msk [tilespmem:v11+s22+$0x0], $0xffff  }
0x156: {  	v11 =	vld.idx.msk [tilespmem:v8+s20+$0x0], $0xffff  }
0x157: {  	v4 =	vadd.f32 v5, v4;
	v5 =	vmul.f32 v6, v13;
	v6 =	vld.idx.msk [tilespmem:v8+s22+$0x0], $0xffff  }
0x158: {  	v8 =	vld.idx.msk [tilespmem:v3+s20+$0x0], $0xffff  }
0x159: {  	v4 =	vadd.f32 v5, v4;
	v5 =	vmul.f32 v9, v14;
	v9 =	vld.idx.msk [tilespmem:v3+s22+$0x0], $0xffff;
	_ =	sdelay $0x1  }
.Ltmp0:
0x15a: {  	v3 =	vadd.f32 v5, v4;
	v4 =	vmul.f32 v7, v10;
	(pc) =	sbr.rel @p0 .LBB2_2-.Ltmp0, $4  }
0x15b: {  	_ = 	snop  }
0x15c: {  	v5 =	vadd.f32 v4, v3;
	v6 =	vmul.f32 v6, v11  }
0x15d: {  	v4 =	vand.u32 v1, v2;
	v2 =	vor.u32 s21, v0  }
0x15e: {  	s21 =	sadd.s32 $0x10, s21;
	v3 =	vshll.u32 v2, $0x5;
	v5 =	vadd.f32 v6, v5;
	v6 =	vmul.f32 v9, v8  }
0x15f: {  	_ =	sdelay $0x1  }
0x160: {  	v7 =	vor.u32 $0x1, v3;
	v5 =	vadd.f32 v6, v5;
	_ =	sdelay $0x1  }
0x161: {  	v6 =	vor.u32 $0x2, v3;
	[tilespmem:v4+s17+$0x0] =	vst.idx.msk $0xffff, v5  }
0x162: {  	v4 =	vld.idx.msk [tilespmem:v3+s22+$0x0], $0xffff  }
0x163: {  	v8 =	vor.u32 $0x3, v3;
	v5 =	vld.idx.msk [tilespmem:v3+s20+$0x0], $0xffff  }
0x164: {  	v9 =	vld.idx.msk [tilespmem:v7+s20+$0x0], $0xffff  }
0x165: {  	v10 =	vor.u32 $0x4, v3;
	v7 =	vld.idx.msk [tilespmem:v7+s22+$0x0], $0xffff  }
0x166: {  	v11 =	vld.idx.msk [tilespmem:v6+s20+$0x0], $0xffff  }
0x167: {  	v12 =	vor.u32 $0x5, v3;
	v6 =	vld.idx.msk [tilespmem:v6+s22+$0x0], $0xffff  }
0x168: {  	v13 =	vld.idx.msk [tilespmem:v8+s20+$0x0], $0xffff;
	v4 =	vmul.f32 v4, v5  }
0x169: {  	v5 =	vld.idx.msk [tilespmem:v8+s22+$0x0], $0xffff;
	v8 =	vor.u32 $0x6, v3  }
0x16a: {  	v14 =	vld.idx.msk [tilespmem:v10+s20+$0x0], $0xffff;
	v7 =	vmul.f32 v7, v9;
	v4 =	vadd.f32 $0.0e+00, v4  }
0x16b: {  	v49 =	vor.u32 $0x7, v3;
	v48 =	vld.idx.msk [tilespmem:v10+s22+$0x0], $0xffff  }
0x16c: {  	v15 =	vld.idx.msk [tilespmem:v12+s20+$0x0], $0xffff;
	v6 =	vmul.f32 v6, v11;
	v4 =	vadd.f32 v7, v4  }
0x16d: {  	v50 =	vor.u32 $0x8, v3;
	v7 =	vld.idx.msk [tilespmem:v12+s22+$0x0], $0xffff  }
0x16e: {  	v51 =	vld.idx.msk [tilespmem:v8+s20+$0x0], $0xffff;
	v5 =	vmul.f32 v5, v13;
	v4 =	vadd.f32 v6, v4  }
0x16f: {  	v6 =	vld.idx.msk [tilespmem:v8+s22+$0x0], $0xffff;
	v8 =	vor.u32 $0x9, v3  }
0x170: {  	v52 =	vld.idx.msk [tilespmem:v49+s20+$0x0], $0xffff;
	v4 =	vadd.f32 v5, v4;
	v5 =	vmul.f32 v48, v14  }
0x171: {  	v54 =	vor.u32 $0xA, v3;
	v53 =	vld.idx.msk [tilespmem:v49+s22+$0x0], $0xffff  }
0x172: {  	v55 =	vld.idx.msk [tilespmem:v50+s20+$0x0], $0xffff;
	v4 =	vadd.f32 v5, v4;
	v5 =	vmul.f32 v7, v15  }
0x173: {  	v56 =	vor.u32 $0xB, v3;
	v7 =	vld.idx.msk [tilespmem:v50+s22+$0x0], $0xffff  }
0x174: {  	v57 =	vld.idx.msk [tilespmem:v8+s20+$0x0], $0xffff;
	v4 =	vadd.f32 v5, v4;
	v5 =	vmul.f32 v6, v51  }
0x175: {  	v6 =	vld.idx.msk [tilespmem:v8+s22+$0x0], $0xffff;
	v8 =	vor.u32 $0xC, v3  }
0x176: {  	v58 =	vld.idx.msk [tilespmem:v54+s20+$0x0], $0xffff;
	v4 =	vadd.f32 v5, v4;
	v5 =	vmul.f32 v53, v52  }
0x177: {  	v60 =	vor.u32 $0xD, v3;
	v59 =	vld.idx.msk [tilespmem:v54+s22+$0x0], $0xffff  }
0x178: {  	v61 =	vld.idx.msk [tilespmem:v56+s20+$0x0], $0xffff;
	v4 =	vadd.f32 v5, v4;
	v5 =	vmul.f32 v7, v55  }
0x179: {  	v62 =	vor.u32 $0xE, v3;
	v7 =	vld.idx.msk [tilespmem:v56+s22+$0x0], $0xffff  }
0x17a: {  	v63 =	vld.idx.msk [tilespmem:v8+s20+$0x0], $0xffff;
	v4 =	vadd.f32 v5, v4;
	v5 =	vmul.f32 v6, v57  }
0x17b: {  	v6 =	vld.idx.msk [tilespmem:v8+s22+$0x0], $0xffff;
	v8 =	vor.u32 $0xF, v3  }
0x17c: {  	v18 =	vld.idx.msk [tilespmem:v60+s20+$0x0], $0xffff;
	v4 =	vadd.f32 v5, v4;
	v5 =	vmul.f32 v59, v58  }
0x17d: {  	v20 =	vor.u32 $0x10, v3;
	v19 =	vld.idx.msk [tilespmem:v60+s22+$0x0], $0xffff  }
0x17e: {  	v21 =	vld.idx.msk [tilespmem:v62+s20+$0x0], $0xffff;
	v4 =	vadd.f32 v5, v4;
	v5 =	vmul.f32 v7, v61  }
0x17f: {  	v22 =	vor.u32 $0x11, v3;
	v7 =	vld.idx.msk [tilespmem:v62+s22+$0x0], $0xffff  }
0x180: {  	v23 =	vld.idx.msk [tilespmem:v8+s20+$0x0], $0xffff;
	v4 =	vadd.f32 v5, v4;
	v5 =	vmul.f32 v6, v63  }
0x181: {  	v6 =	vld.idx.msk [tilespmem:v8+s22+$0x0], $0xffff;
	v8 =	vor.u32 $0x12, v3  }
0x182: {  	v24 =	vld.idx.msk [tilespmem:v20+s20+$0x0], $0xffff;
	v4 =	vadd.f32 v5, v4;
	v5 =	vmul.f32 v19, v18  }
0x183: {  	v26 =	vor.u32 $0x13, v3;
	v25 =	vld.idx.msk [tilespmem:v20+s22+$0x0], $0xffff  }
0x184: {  	v27 =	vld.idx.msk [tilespmem:v22+s20+$0x0], $0xffff;
	v4 =	vadd.f32 v5, v4;
	v5 =	vmul.f32 v7, v21  }
0x185: {  	v28 =	vor.u32 $0x14, v3;
	v7 =	vld.idx.msk [tilespmem:v22+s22+$0x0], $0xffff  }
0x186: {  	v29 =	vld.idx.msk [tilespmem:v8+s20+$0x0], $0xffff;
	v4 =	vadd.f32 v5, v4;
	v5 =	vmul.f32 v6, v23  }
0x187: {  	v6 =	vld.idx.msk [tilespmem:v8+s22+$0x0], $0xffff;
	v8 =	vor.u32 $0x15, v3  }
0x188: {  	v30 =	vld.idx.msk [tilespmem:v26+s20+$0x0], $0xffff;
	v4 =	vadd.f32 v5, v4;
	v5 =	vmul.f32 v25, v24  }
0x189: {  	v32 =	vor.u32 $0x16, v3;
	v31 =	vld.idx.msk [tilespmem:v26+s22+$0x0], $0xffff  }
0x18a: {  	v33 =	vld.idx.msk [tilespmem:v28+s20+$0x0], $0xffff;
	v4 =	vadd.f32 v5, v4;
	v5 =	vmul.f32 v7, v27  }
0x18b: {  	v34 =	vor.u32 $0x17, v3;
	v7 =	vld.idx.msk [tilespmem:v28+s22+$0x0], $0xffff  }
0x18c: {  	v35 =	vld.idx.msk [tilespmem:v8+s20+$0x0], $0xffff;
	v4 =	vadd.f32 v5, v4;
	v5 =	vmul.f32 v6, v29  }
0x18d: {  	v6 =	vld.idx.msk [tilespmem:v8+s22+$0x0], $0xffff;
	v8 =	vor.u32 $0x18, v3  }
0x18e: {  	v36 =	vld.idx.msk [tilespmem:v32+s20+$0x0], $0xffff;
	v4 =	vadd.f32 v5, v4;
	v5 =	vmul.f32 v31, v30  }
0x18f: {  	v38 =	vor.u32 $0x19, v3;
	v37 =	vld.idx.msk [tilespmem:v32+s22+$0x0], $0xffff  }
0x190: {  	v39 =	vld.idx.msk [tilespmem:v34+s20+$0x0], $0xffff;
	v4 =	vadd.f32 v5, v4;
	v5 =	vmul.f32 v7, v33  }
0x191: {  	v40 =	vor.u32 $0x1A, v3;
	v7 =	vld.idx.msk [tilespmem:v34+s22+$0x0], $0xffff  }
0x192: {  	v41 =	vld.idx.msk [tilespmem:v8+s20+$0x0], $0xffff;
	v4 =	vadd.f32 v5, v4;
	v5 =	vmul.f32 v6, v35  }
0x193: {  	v6 =	vld.idx.msk [tilespmem:v8+s22+$0x0], $0xffff;
	v8 =	vor.u32 $0x1B, v3  }
0x194: {  	v42 =	vld.idx.msk [tilespmem:v38+s20+$0x0], $0xffff;
	v4 =	vadd.f32 v5, v4;
	v5 =	vmul.f32 v37, v36  }
0x195: {  	v44 =	vor.u32 $0x1C, v3;
	v43 =	vld.idx.msk [tilespmem:v38+s22+$0x0], $0xffff  }
0x196: {  	v45 =	vld.idx.msk [tilespmem:v40+s20+$0x0], $0xffff;
	v4 =	vadd.f32 v5, v4;
	v5 =	vmul.f32 v7, v39  }
0x197: {  	v46 =	vor.u32 $0x1D, v3;
	v7 =	vld.idx.msk [tilespmem:v40+s22+$0x0], $0xffff  }
0x198: {  	v47 =	vld.idx.msk [tilespmem:v8+s20+$0x0], $0xffff;
	v4 =	vadd.f32 v5, v4;
	v5 =	vmul.f32 v6, v41  }
0x199: {  	v6 =	vld.idx.msk [tilespmem:v8+s22+$0x0], $0xffff;
	v8 =	vor.u32 $0x1E, v3  }
0x19a: {  	v49 =	vld.idx.msk [tilespmem:v44+s22+$0x0], $0xffff;
	v4 =	vadd.f32 v5, v4;
	v5 =	vmul.f32 v43, v42  }
0x19b: {  	v48 =	vld.idx.msk [tilespmem:v44+s20+$0x0], $0xffff;
	v3 =	vor.u32 $0x1F, v3  }
0x19c: {  	v50 =	vld.idx.msk [tilespmem:v46+s20+$0x0], $0xffff;
	v4 =	vadd.f32 v5, v4;
	v5 =	vmul.f32 v7, v45  }
0x19d: {  	v7 =	vld.idx.msk [tilespmem:v46+s22+$0x0], $0xffff  }
0x19e: {  	v51 =	vld.idx.msk [tilespmem:v8+s20+$0x0], $0xffff;
	v4 =	vadd.f32 v5, v4;
	v5 =	vmul.f32 v6, v47  }
0x19f: {  	v6 =	vld.idx.msk [tilespmem:v8+s22+$0x0], $0xffff  }
0x1a0: {  	v8 =	vld.idx.msk [tilespmem:v3+s20+$0x0], $0xffff;
	v4 =	vadd.f32 v5, v4;
	v5 =	vmul.f32 v49, v48  }
0x1a1: {  	v3 =	vld.idx.msk [tilespmem:v3+s22+$0x0], $0xffff  }
0x1a2: {  	v4 =	vadd.f32 v5, v4;
	v5 =	vmul.f32 v7, v50;
	_ =	sdelay $0x1  }
0x1a3: {  	v4 =	vadd.f32 v5, v4;
	v5 =	vmul.f32 v6, v51  }
0x1a4: {  	v2 =	vand.u32 v1, v2  }
0x1a5: {  	v3 =	vmul.f32 v3, v8;
	v4 =	vadd.f32 v5, v4;
	_ =	sdelay $0x1  }
0x1a6: {  	v3 =	vadd.f32 v3, v4;
	_ =	sdelay $0x1  }
0x1a7: {  	s21 =	simm.s32 $0x0;
	[tilespmem:v2+s17+$0x0] =	vst.idx.msk $0xffff, v3  }
0x1a8: {  	[hbm4b:s9+s21] =	stream.linear.scatter [tilespmem:s17], [sflag:$0x2], $0x200, $0x38;
	[tilespmem:$0x10A00] =	vst v63  }
0x1a9: {  	_ =	swait.ge [sflag:s14], $0x200  }
0x1aa: {  	[sflag:s14] =	ssyncset.done $0x0  }
0x1ab: {  	s23 =	simm.s32 $0x8000;
	[sflag:s14] =	ssyncadd.s32 $0xFFFFFE00  }
0x1ac: {  	[tilespmem:s23], [sflag:$0x2] =	stream.linear.gather [hbm4b:s10+s21], $0x200, $0x38;
	[tilespmem:$0x10A00] =	vst v63  }
0x1ad: {  	_ =	swait.ge [sflag:s14], $0x200  }
0x1ae: {  	[sflag:s14] =	ssyncset.done $0x0  }
0x1af: {  	s23 =	simm.s32 $0x8200;
	[sflag:s14] =	ssyncadd.s32 $0xFFFFFE00  }
0x1b0: {  	[tilespmem:s23], [sflag:$0x2] =	stream.linear.gather [hbm4b:s11+s21], $0x200, $0x38;
	[tilespmem:$0x10A00] =	vst v63  }
0x1b1: {  	_ =	swait.ge [sflag:s14], $0x200  }
0x1b2: {  	[sflag:s14] =	ssyncset.done $0x0  }
0x1b3: {  	[sflag:s14] =	ssyncadd.s32 $0xFFFFFE00  }
0x1b4: {  	v2 =	vld [tilespmem:$0x8000]  }
0x1b5: {  	v3 =	vld [tilespmem:$0x8200];
	_ =	sdelay $0x4  }
0x1b6: {  	v4 =	vld [tilespmem:$0x8010]  }
0x1b7: {  	v5 =	vld [tilespmem:$0x8210]  }
0x1b8: {  	v2 =	vld.idx.msk [tilespmem:v2+s21+$0x0], $0xffff  }
0x1b9: {  	v3 =	vld.idx.msk [tilespmem:v3+s15+$0x0], $0xffff;
	_ =	sdelay $0x3  }
0x1ba: {  	[tilespmem:$0x8400] =	vst v2  }
0x1bb: {  	[tilespmem:$0x8600] =	vst v3;
	v2 =	vld [tilespmem:$0x8020]  }
0x1bc: {  	v3 =	vld.idx.msk [tilespmem:v4+s21+$0x0], $0xffff  }
0x1bd: {  	v4 =	vld.idx.msk [tilespmem:v5+s15+$0x0], $0xffff  }
0x1be: {  	v5 =	vld [tilespmem:$0x8220];
	_ =	sdelay $0x4  }
0x1bf: {  	[tilespmem:$0x8410] =	vst v3;
	v3 =	vld [tilespmem:$0x8030]  }
0x1c0: {  	[tilespmem:$0x8610] =	vst v4;
	v4 =	vld [tilespmem:$0x8230]  }
0x1c1: {  	v2 =	vld.idx.msk [tilespmem:v2+s21+$0x0], $0xffff  }
0x1c2: {  	v5 =	vld.idx.msk [tilespmem:v5+s15+$0x0], $0xffff;
	_ =	sdelay $0x3  }
0x1c3: {  	[tilespmem:$0x8420] =	vst v2;
	v2 =	vld [tilespmem:$0x8040]  }
0x1c4: {  	[tilespmem:$0x8620] =	vst v5;
	v5 =	vld [tilespmem:$0x8240]  }
0x1c5: {  	v3 =	vld.idx.msk [tilespmem:v3+s21+$0x0], $0xffff  }
0x1c6: {  	v4 =	vld.idx.msk [tilespmem:v4+s15+$0x0], $0xffff;
	_ =	sdelay $0x3  }
0x1c7: {  	[tilespmem:$0x8430] =	vst v3;
	v3 =	vld [tilespmem:$0x8050]  }
0x1c8: {  	[tilespmem:$0x8630] =	vst v4;
	v4 =	vld [tilespmem:$0x8250]  }
0x1c9: {  	v2 =	vld.idx.msk [tilespmem:v2+s21+$0x0], $0xffff  }
0x1ca: {  	v5 =	vld.idx.msk [tilespmem:v5+s15+$0x0], $0xffff;
	_ =	sdelay $0x3  }
0x1cb: {  	[tilespmem:$0x8440] =	vst v2;
	v2 =	vld [tilespmem:$0x8060]  }
0x1cc: {  	[tilespmem:$0x8640] =	vst v5;
	v5 =	vld [tilespmem:$0x8260]  }
0x1cd: {  	v3 =	vld.idx.msk [tilespmem:v3+s21+$0x0], $0xffff  }
0x1ce: {  	v4 =	vld.idx.msk [tilespmem:v4+s15+$0x0], $0xffff;
	_ =	sdelay $0x3  }
0x1cf: {  	[tilespmem:$0x8450] =	vst v3;
	v3 =	vld [tilespmem:$0x8070]  }
0x1d0: {  	[tilespmem:$0x8650] =	vst v4;
	v4 =	vld [tilespmem:$0x8270]  }
0x1d1: {  	v2 =	vld.idx.msk [tilespmem:v2+s21+$0x0], $0xffff  }
0x1d2: {  	v5 =	vld.idx.msk [tilespmem:v5+s15+$0x0], $0xffff;
	_ =	sdelay $0x3  }
0x1d3: {  	[tilespmem:$0x8460] =	vst v2;
	v2 =	vld [tilespmem:$0x8080]  }
0x1d4: {  	[tilespmem:$0x8660] =	vst v5;
	v5 =	vld [tilespmem:$0x8280]  }
0x1d5: {  	v3 =	vld.idx.msk [tilespmem:v3+s21+$0x0], $0xffff  }
0x1d6: {  	v4 =	vld.idx.msk [tilespmem:v4+s15+$0x0], $0xffff;
	_ =	sdelay $0x3  }
0x1d7: {  	[tilespmem:$0x8470] =	vst v3;
	v3 =	vld [tilespmem:$0x8090]  }
0x1d8: {  	[tilespmem:$0x8670] =	vst v4;
	v4 =	vld [tilespmem:$0x8290]  }
0x1d9: {  	v2 =	vld.idx.msk [tilespmem:v2+s21+$0x0], $0xffff  }
0x1da: {  	v5 =	vld.idx.msk [tilespmem:v5+s15+$0x0], $0xffff;
	_ =	sdelay $0x3  }
0x1db: {  	[tilespmem:$0x8480] =	vst v2;
	v2 =	vld [tilespmem:$0x80A0]  }
0x1dc: {  	[tilespmem:$0x8680] =	vst v5;
	v5 =	vld [tilespmem:$0x82A0]  }
0x1dd: {  	v3 =	vld.idx.msk [tilespmem:v3+s21+$0x0], $0xffff  }
0x1de: {  	v4 =	vld.idx.msk [tilespmem:v4+s15+$0x0], $0xffff;
	_ =	sdelay $0x3  }
0x1df: {  	[tilespmem:$0x8490] =	vst v3;
	v3 =	vld [tilespmem:$0x80B0]  }
0x1e0: {  	[tilespmem:$0x8690] =	vst v4;
	v4 =	vld [tilespmem:$0x82B0]  }
0x1e1: {  	v2 =	vld.idx.msk [tilespmem:v2+s21+$0x0], $0xffff  }
0x1e2: {  	v5 =	vld.idx.msk [tilespmem:v5+s15+$0x0], $0xffff;
	_ =	sdelay $0x3  }
0x1e3: {  	[tilespmem:$0x84A0] =	vst v2;
	v2 =	vld [tilespmem:$0x80C0]  }
0x1e4: {  	[tilespmem:$0x86A0] =	vst v5;
	v5 =	vld [tilespmem:$0x82C0]  }
0x1e5: {  	v3 =	vld.idx.msk [tilespmem:v3+s21+$0x0], $0xffff  }
0x1e6: {  	v4 =	vld.idx.msk [tilespmem:v4+s15+$0x0], $0xffff;
	_ =	sdelay $0x3  }
0x1e7: {  	[tilespmem:$0x84B0] =	vst v3;
	v3 =	vld [tilespmem:$0x80D0]  }
0x1e8: {  	[tilespmem:$0x86B0] =	vst v4;
	v4 =	vld [tilespmem:$0x82D0]  }
0x1e9: {  	v2 =	vld.idx.msk [tilespmem:v2+s21+$0x0], $0xffff  }
0x1ea: {  	v5 =	vld.idx.msk [tilespmem:v5+s15+$0x0], $0xffff;
	_ =	sdelay $0x3  }
0x1eb: {  	[tilespmem:$0x84C0] =	vst v2;
	v2 =	vld [tilespmem:$0x80E0]  }
0x1ec: {  	[tilespmem:$0x86C0] =	vst v5;
	v5 =	vld [tilespmem:$0x82E0]  }
0x1ed: {  	v3 =	vld.idx.msk [tilespmem:v3+s21+$0x0], $0xffff  }
0x1ee: {  	v4 =	vld.idx.msk [tilespmem:v4+s15+$0x0], $0xffff;
	_ =	sdelay $0x3  }
0x1ef: {  	[tilespmem:$0x84D0] =	vst v3;
	v3 =	vld [tilespmem:$0x80F0]  }
0x1f0: {  	[tilespmem:$0x86D0] =	vst v4;
	v4 =	vld [tilespmem:$0x82F0]  }
0x1f1: {  	v2 =	vld.idx.msk [tilespmem:v2+s21+$0x0], $0xffff  }
0x1f2: {  	v5 =	vld.idx.msk [tilespmem:v5+s15+$0x0], $0xffff;
	_ =	sdelay $0x3  }
0x1f3: {  	[tilespmem:$0x84E0] =	vst v2;
	v2 =	vld [tilespmem:$0x8100]  }
0x1f4: {  	[tilespmem:$0x86E0] =	vst v5;
	v5 =	vld [tilespmem:$0x8300]  }
0x1f5: {  	v3 =	vld.idx.msk [tilespmem:v3+s21+$0x0], $0xffff  }
0x1f6: {  	v4 =	vld.idx.msk [tilespmem:v4+s15+$0x0], $0xffff;
	_ =	sdelay $0x3  }
0x1f7: {  	[tilespmem:$0x84F0] =	vst v3;
	v3 =	vld [tilespmem:$0x8110]  }
0x1f8: {  	[tilespmem:$0x86F0] =	vst v4;
	v4 =	vld [tilespmem:$0x8310]  }
0x1f9: {  	v2 =	vld.idx.msk [tilespmem:v2+s21+$0x0], $0xffff  }
0x1fa: {  	v5 =	vld.idx.msk [tilespmem:v5+s15+$0x0], $0xffff;
	_ =	sdelay $0x3  }
0x1fb: {  	[tilespmem:$0x8500] =	vst v2;
	v2 =	vld [tilespmem:$0x8120]  }
0x1fc: {  	[tilespmem:$0x8700] =	vst v5;
	v5 =	vld [tilespmem:$0x8320]  }
0x1fd: {  	v3 =	vld.idx.msk [tilespmem:v3+s21+$0x0], $0xffff  }
0x1fe: {  	v4 =	vld.idx.msk [tilespmem:v4+s15+$0x0], $0xffff;
	_ =	sdelay $0x3  }
0x1ff: {  	[tilespmem:$0x8510] =	vst v3;
	v3 =	vld [tilespmem:$0x8130]  }
0x200: {  	[tilespmem:$0x8710] =	vst v4;
	v4 =	vld [tilespmem:$0x8330]  }
0x201: {  	v2 =	vld.idx.msk [tilespmem:v2+s21+$0x0], $0xffff  }
0x202: {  	v5 =	vld.idx.msk [tilespmem:v5+s15+$0x0], $0xffff;
	_ =	sdelay $0x3  }
0x203: {  	[tilespmem:$0x8520] =	vst v2;
	v2 =	vld [tilespmem:$0x8140]  }
0x204: {  	[tilespmem:$0x8720] =	vst v5;
	v5 =	vld [tilespmem:$0x8340]  }
0x205: {  	v3 =	vld.idx.msk [tilespmem:v3+s21+$0x0], $0xffff  }
0x206: {  	v4 =	vld.idx.msk [tilespmem:v4+s15+$0x0], $0xffff;
	_ =	sdelay $0x3  }
0x207: {  	[tilespmem:$0x8530] =	vst v3;
	v3 =	vld [tilespmem:$0x8150]  }
0x208: {  	[tilespmem:$0x8730] =	vst v4;
	v4 =	vld [tilespmem:$0x8350]  }
0x209: {  	v2 =	vld.idx.msk [tilespmem:v2+s21+$0x0], $0xffff  }
0x20a: {  	v5 =	vld.idx.msk [tilespmem:v5+s15+$0x0], $0xffff;
	_ =	sdelay $0x3  }
0x20b: {  	[tilespmem:$0x8540] =	vst v2;
	v2 =	vld [tilespmem:$0x8160]  }
0x20c: {  	[tilespmem:$0x8740] =	vst v5;
	v5 =	vld [tilespmem:$0x8360]  }
0x20d: {  	v3 =	vld.idx.msk [tilespmem:v3+s21+$0x0], $0xffff  }
0x20e: {  	v4 =	vld.idx.msk [tilespmem:v4+s15+$0x0], $0xffff;
	_ =	sdelay $0x3  }
0x20f: {  	[tilespmem:$0x8550] =	vst v3;
	v3 =	vld [tilespmem:$0x8170]  }
0x210: {  	[tilespmem:$0x8750] =	vst v4;
	v4 =	vld [tilespmem:$0x8370]  }
0x211: {  	v2 =	vld.idx.msk [tilespmem:v2+s21+$0x0], $0xffff  }
0x212: {  	v5 =	vld.idx.msk [tilespmem:v5+s15+$0x0], $0xffff;
	_ =	sdelay $0x3  }
0x213: {  	[tilespmem:$0x8560] =	vst v2;
	v2 =	vld [tilespmem:$0x8180]  }
0x214: {  	[tilespmem:$0x8760] =	vst v5;
	v5 =	vld [tilespmem:$0x8380]  }
0x215: {  	v3 =	vld.idx.msk [tilespmem:v3+s21+$0x0], $0xffff  }
0x216: {  	v4 =	vld.idx.msk [tilespmem:v4+s15+$0x0], $0xffff;
	_ =	sdelay $0x3  }
0x217: {  	[tilespmem:$0x8570] =	vst v3;
	v3 =	vld [tilespmem:$0x8190]  }
0x218: {  	[tilespmem:$0x8770] =	vst v4;
	v4 =	vld [tilespmem:$0x8390]  }
0x219: {  	v2 =	vld.idx.msk [tilespmem:v2+s21+$0x0], $0xffff  }
0x21a: {  	v5 =	vld.idx.msk [tilespmem:v5+s15+$0x0], $0xffff;
	_ =	sdelay $0x3  }
0x21b: {  	[tilespmem:$0x8580] =	vst v2;
	v2 =	vld [tilespmem:$0x81A0]  }
0x21c: {  	[tilespmem:$0x8780] =	vst v5;
	v5 =	vld [tilespmem:$0x83A0]  }
0x21d: {  	v3 =	vld.idx.msk [tilespmem:v3+s21+$0x0], $0xffff  }
0x21e: {  	v4 =	vld.idx.msk [tilespmem:v4+s15+$0x0], $0xffff;
	_ =	sdelay $0x3  }
0x21f: {  	[tilespmem:$0x8590] =	vst v3;
	v3 =	vld [tilespmem:$0x81B0]  }
0x220: {  	[tilespmem:$0x8790] =	vst v4;
	v4 =	vld [tilespmem:$0x83B0]  }
0x221: {  	v2 =	vld.idx.msk [tilespmem:v2+s21+$0x0], $0xffff  }
0x222: {  	v5 =	vld.idx.msk [tilespmem:v5+s15+$0x0], $0xffff;
	_ =	sdelay $0x3  }
0x223: {  	[tilespmem:$0x85A0] =	vst v2;
	v2 =	vld [tilespmem:$0x81C0]  }
0x224: {  	[tilespmem:$0x87A0] =	vst v5;
	v5 =	vld [tilespmem:$0x83C0]  }
0x225: {  	v3 =	vld.idx.msk [tilespmem:v3+s21+$0x0], $0xffff  }
0x226: {  	v4 =	vld.idx.msk [tilespmem:v4+s15+$0x0], $0xffff;
	_ =	sdelay $0x3  }
0x227: {  	[tilespmem:$0x85B0] =	vst v3;
	v3 =	vld [tilespmem:$0x81D0]  }
0x228: {  	[tilespmem:$0x87B0] =	vst v4;
	v4 =	vld [tilespmem:$0x83D0]  }
0x229: {  	v2 =	vld.idx.msk [tilespmem:v2+s21+$0x0], $0xffff  }
0x22a: {  	v5 =	vld.idx.msk [tilespmem:v5+s15+$0x0], $0xffff;
	_ =	sdelay $0x3  }
0x22b: {  	[tilespmem:$0x85C0] =	vst v2;
	v2 =	vld [tilespmem:$0x81E0]  }
0x22c: {  	[tilespmem:$0x87C0] =	vst v5;
	v5 =	vld [tilespmem:$0x83E0]  }
0x22d: {  	v3 =	vld.idx.msk [tilespmem:v3+s21+$0x0], $0xffff  }
0x22e: {  	v4 =	vld.idx.msk [tilespmem:v4+s15+$0x0], $0xffff;
	_ =	sdelay $0x3  }
0x22f: {  	[tilespmem:$0x85D0] =	vst v3;
	v3 =	vld [tilespmem:$0x81F0]  }
0x230: {  	[tilespmem:$0x87D0] =	vst v4;
	v4 =	vld [tilespmem:$0x83F0]  }
0x231: {  	v2 =	vld.idx.msk [tilespmem:v2+s21+$0x0], $0xffff  }
0x232: {  	v5 =	vld.idx.msk [tilespmem:v5+s15+$0x0], $0xffff;
	_ =	sdelay $0x3  }
0x233: {  	[tilespmem:$0x85E0] =	vst v2  }
0x234: {  	[tilespmem:$0x87E0] =	vst v5  }
0x235: {  	v2 =	vld.idx.msk [tilespmem:v3+s21+$0x0], $0xffff  }
0x236: {  	v3 =	vld.idx.msk [tilespmem:v4+s15+$0x0], $0xffff;
	_ =	sdelay $0x3  }
0x237: {  	[tilespmem:$0x85F0] =	vst v2  }
0x238: {  	s24 =	simm.s32 $0x8400;
	[tilespmem:$0x87F0] =	vst v3  }
0x239: {  	[tilespmem:s20], [sflag:$0x1] =	stream.indirect.gather [hbm4b:s5+s18], $0x20, s24, s18, $0xb8;
	[tilespmem:$0x10A00] =	vst v63  }
0x23a: {  	s24 =	simm.s32 $0x8600  }
0x23b: {  	[tilespmem:s22], [sflag:$0x1] =	stream.indirect.gather [hbm4b:s6+s18], $0x20, s24, s18, $0xb8;
	[tilespmem:$0x10A00] =	vst v63  }
0x23c: {  	s25 =	simm.s32 $0x8480;
	s26 =	simm.s32 $0x9800  }
0x23d: {  	[tilespmem:s26], [sflag:$0x1] =	stream.indirect.gather [hbm4b:s5+s18], $0x20, s25, s18, $0xb8;
	[tilespmem:$0x10A00] =	vst v63  }
0x23e: {  	s28 =	simm.s32 $0xD800;
	s26 =	simm.s32 $0x8680  }
0x23f: {  	[tilespmem:s28], [sflag:$0x1] =	stream.indirect.gather [hbm4b:s6+s18], $0x20, s26, s18, $0xb8;
	[tilespmem:$0x10A00] =	vst v63  }
0x240: {  	s28 =	simm.s32 $0x8500  }
0x241: {  	[tilespmem:s29], [sflag:$0x1] =	stream.indirect.gather [hbm4b:s5+s18], $0x20, s28, s18, $0xb8;
	[tilespmem:$0x10A00] =	vst v63  }
0x242: {  	_ = 	snop  }
0x243: {  	[tilespmem:s31], [sflag:$0x1] =	stream.indirect.gather [hbm4b:s6+s18], $0x20, s30, s18, $0xb8;
	[tilespmem:$0x10A00] =	vst v63  }
0x244: {  	_ = 	snop  }
0x245: {  	[tilespmem:s3], [sflag:$0x1] =	stream.indirect.gather [hbm4b:s5+s18], $0x20, s2, s18, $0xb8;
	[tilespmem:$0x10A00] =	vst v63  }
0x246: {  	_ = 	snop  }
0x247: {  	[tilespmem:s1], [sflag:$0x1] =	stream.indirect.gather [hbm4b:s6+s18], $0x20, s0, s18, $0xb8;
	[tilespmem:$0x10A00] =	vst v63  }
0x248: {  	_ =	swait.ge [sflag:s16], $0x1000  }
0x249: {  	[sflag:s16] =	ssyncset.done $0x0  }
0x24a: {  	[sflag:s16] =	ssyncadd.s32 $0xFFFFF000  }
0x24b: {  	_ =	swait.ge [sflag:s16], $0x1000  }
0x24c: {  	[sflag:s16] =	ssyncset.done $0x0  }
0x24d: {  	[sflag:s16] =	ssyncadd.s32 $0xFFFFF000  }
0x24e: {  	_ =	swait.ge [sflag:s16], $0x1000  }
0x24f: {  	[sflag:s16] =	ssyncset.done $0x0  }
0x250: {  	[sflag:s16] =	ssyncadd.s32 $0xFFFFF000  }
0x251: {  	_ =	swait.ge [sflag:s16], $0x1000  }
0x252: {  	[sflag:s16] =	ssyncset.done $0x0  }
0x253: {  	[sflag:s16] =	ssyncadd.s32 $0xFFFFF000  }
0x254: {  	_ =	swait.ge [sflag:s16], $0x1000  }
0x255: {  	[sflag:s16] =	ssyncset.done $0x0  }
0x256: {  	[sflag:s16] =	ssyncadd.s32 $0xFFFFF000  }
0x257: {  	_ =	swait.ge [sflag:s16], $0x1000  }
0x258: {  	[sflag:s16] =	ssyncset.done $0x0  }
0x259: {  	[sflag:s16] =	ssyncadd.s32 $0xFFFFF000  }
0x25a: {  	v3 =	vor.u32 s21, v0;
	_ =	swait.ge [sflag:s16], $0x1000  }
0x25b: {  	v2 =	vshll.u32 v3, $0x5;
	[sflag:s16] =	ssyncset.done $0x0  }
0x25c: {  	[sflag:s16] =	ssyncadd.s32 $0xFFFFF000  }
0x25d: {  	v4 =	vor.u32 $0x1, v2;
	_ =	swait.ge [sflag:s16], $0x1000  }
0x25e: {  	[sflag:s16] =	ssyncset.done $0x0  }
0x25f: {  	v5 =	vor.u32 $0x2, v2;
	[sflag:s16] =	ssyncadd.s32 $0xFFFFF000  }
0x260: {  	v6 =	vld.idx.msk [tilespmem:v2+s22+$0x0], $0xffff  }
0x261: {  	v8 =	vor.u32 $0x3, v2;
	v7 =	vld.idx.msk [tilespmem:v2+s20+$0x0], $0xffff  }
0x262: {  	v52 =	vld.idx.msk [tilespmem:v4+s20+$0x0], $0xffff  }
0x263: {  	v53 =	vor.u32 $0x4, v2;
	v4 =	vld.idx.msk [tilespmem:v4+s22+$0x0], $0xffff  }
0x264: {  	v54 =	vld.idx.msk [tilespmem:v5+s20+$0x0], $0xffff  }
0x265: {  	v55 =	vor.u32 $0x5, v2;
	v5 =	vld.idx.msk [tilespmem:v5+s22+$0x0], $0xffff  }
0x266: {  	v56 =	vld.idx.msk [tilespmem:v8+s20+$0x0], $0xffff;
	v6 =	vmul.f32 v6, v7  }
0x267: {  	v7 =	vld.idx.msk [tilespmem:v8+s22+$0x0], $0xffff;
	v8 =	vor.u32 $0x6, v2  }
0x268: {  	v57 =	vld.idx.msk [tilespmem:v53+s20+$0x0], $0xffff;
	v4 =	vmul.f32 v4, v52;
	v6 =	vadd.f32 $0.0e+00, v6  }
0x269: {  	v59 =	vor.u32 $0x7, v2;
	v58 =	vld.idx.msk [tilespmem:v53+s22+$0x0], $0xffff  }
0x26a: {  	v60 =	vld.idx.msk [tilespmem:v55+s20+$0x0], $0xffff;
	v5 =	vmul.f32 v5, v54;
	v4 =	vadd.f32 v4, v6  }
0x26b: {  	v61 =	vor.u32 $0x8, v2;
	v6 =	vld.idx.msk [tilespmem:v55+s22+$0x0], $0xffff  }
0x26c: {  	v62 =	vld.idx.msk [tilespmem:v8+s20+$0x0], $0xffff;
	v4 =	vadd.f32 v5, v4;
	v5 =	vmul.f32 v7, v56  }
0x26d: {  	v7 =	vld.idx.msk [tilespmem:v8+s22+$0x0], $0xffff;
	v8 =	vor.u32 $0x9, v2  }
0x26e: {  	v63 =	vld.idx.msk [tilespmem:v59+s20+$0x0], $0xffff;
	v4 =	vadd.f32 v5, v4;
	v5 =	vmul.f32 v58, v57  }
0x26f: {  	v19 =	vor.u32 $0xA, v2;
	v18 =	vld.idx.msk [tilespmem:v59+s22+$0x0], $0xffff  }
0x270: {  	v20 =	vld.idx.msk [tilespmem:v61+s20+$0x0], $0xffff;
	v4 =	vadd.f32 v5, v4;
	v5 =	vmul.f32 v6, v60  }
0x271: {  	v21 =	vor.u32 $0xB, v2;
	v6 =	vld.idx.msk [tilespmem:v61+s22+$0x0], $0xffff  }
0x272: {  	v22 =	vld.idx.msk [tilespmem:v8+s20+$0x0], $0xffff;
	v4 =	vadd.f32 v5, v4;
	v5 =	vmul.f32 v7, v62  }
0x273: {  	v7 =	vld.idx.msk [tilespmem:v8+s22+$0x0], $0xffff;
	v8 =	vor.u32 $0xC, v2  }
0x274: {  	v23 =	vld.idx.msk [tilespmem:v19+s20+$0x0], $0xffff;
	v4 =	vadd.f32 v5, v4;
	v5 =	vmul.f32 v18, v63  }
0x275: {  	v25 =	vor.u32 $0xD, v2;
	v24 =	vld.idx.msk [tilespmem:v19+s22+$0x0], $0xffff  }
0x276: {  	v26 =	vld.idx.msk [tilespmem:v21+s20+$0x0], $0xffff;
	v4 =	vadd.f32 v5, v4;
	v5 =	vmul.f32 v6, v20  }
0x277: {  	v27 =	vor.u32 $0xE, v2;
	v6 =	vld.idx.msk [tilespmem:v21+s22+$0x0], $0xffff  }
0x278: {  	v28 =	vld.idx.msk [tilespmem:v8+s20+$0x0], $0xffff;
	v4 =	vadd.f32 v5, v4;
	v5 =	vmul.f32 v7, v22  }
0x279: {  	v7 =	vld.idx.msk [tilespmem:v8+s22+$0x0], $0xffff;
	v8 =	vor.u32 $0xF, v2  }
0x27a: {  	v29 =	vld.idx.msk [tilespmem:v25+s20+$0x0], $0xffff;
	v4 =	vadd.f32 v5, v4;
	v5 =	vmul.f32 v24, v23  }
0x27b: {  	v31 =	vor.u32 $0x10, v2;
	v30 =	vld.idx.msk [tilespmem:v25+s22+$0x0], $0xffff  }
0x27c: {  	v32 =	vld.idx.msk [tilespmem:v27+s20+$0x0], $0xffff;
	v4 =	vadd.f32 v5, v4;
	v5 =	vmul.f32 v6, v26  }
0x27d: {  	v33 =	vor.u32 $0x11, v2;
	v6 =	vld.idx.msk [tilespmem:v27+s22+$0x0], $0xffff  }
0x27e: {  	v34 =	vld.idx.msk [tilespmem:v8+s20+$0x0], $0xffff;
	v4 =	vadd.f32 v5, v4;
	v5 =	vmul.f32 v7, v28  }
0x27f: {  	v7 =	vld.idx.msk [tilespmem:v8+s22+$0x0], $0xffff;
	v8 =	vor.u32 $0x12, v2  }
0x280: {  	v35 =	vld.idx.msk [tilespmem:v31+s20+$0x0], $0xffff;
	v4 =	vadd.f32 v5, v4;
	v5 =	vmul.f32 v30, v29  }
0x281: {  	v37 =	vor.u32 $0x13, v2;
	v36 =	vld.idx.msk [tilespmem:v31+s22+$0x0], $0xffff  }
0x282: {  	v38 =	vld.idx.msk [tilespmem:v33+s20+$0x0], $0xffff;
	v4 =	vadd.f32 v5, v4;
	v5 =	vmul.f32 v6, v32  }
0x283: {  	v39 =	vor.u32 $0x14, v2;
	v6 =	vld.idx.msk [tilespmem:v33+s22+$0x0], $0xffff  }
0x284: {  	v40 =	vld.idx.msk [tilespmem:v8+s20+$0x0], $0xffff;
	v4 =	vadd.f32 v5, v4;
	v5 =	vmul.f32 v7, v34  }
0x285: {  	v7 =	vld.idx.msk [tilespmem:v8+s22+$0x0], $0xffff;
	v8 =	vor.u32 $0x15, v2  }
0x286: {  	v41 =	vld.idx.msk [tilespmem:v37+s20+$0x0], $0xffff;
	v4 =	vadd.f32 v5, v4;
	v5 =	vmul.f32 v36, v35  }
0x287: {  	v43 =	vor.u32 $0x16, v2;
	v42 =	vld.idx.msk [tilespmem:v37+s22+$0x0], $0xffff  }
0x288: {  	v44 =	vld.idx.msk [tilespmem:v39+s20+$0x0], $0xffff;
	v4 =	vadd.f32 v5, v4;
	v5 =	vmul.f32 v6, v38  }
0x289: {  	v45 =	vor.u32 $0x17, v2;
	v6 =	vld.idx.msk [tilespmem:v39+s22+$0x0], $0xffff  }
0x28a: {  	v46 =	vld.idx.msk [tilespmem:v8+s20+$0x0], $0xffff;
	v4 =	vadd.f32 v5, v4;
	v5 =	vmul.f32 v7, v40  }
0x28b: {  	v7 =	vld.idx.msk [tilespmem:v8+s22+$0x0], $0xffff;
	v8 =	vor.u32 $0x18, v2  }
0x28c: {  	v47 =	vld.idx.msk [tilespmem:v43+s20+$0x0], $0xffff;
	v4 =	vadd.f32 v5, v4;
	v5 =	vmul.f32 v42, v41  }
0x28d: {  	v49 =	vor.u32 $0x19, v2;
	v48 =	vld.idx.msk [tilespmem:v43+s22+$0x0], $0xffff  }
0x28e: {  	v50 =	vld.idx.msk [tilespmem:v45+s20+$0x0], $0xffff;
	v4 =	vadd.f32 v5, v4;
	v5 =	vmul.f32 v6, v44  }
0x28f: {  	v51 =	vor.u32 $0x1A, v2;
	v6 =	vld.idx.msk [tilespmem:v45+s22+$0x0], $0xffff  }
0x290: {  	v52 =	vld.idx.msk [tilespmem:v8+s20+$0x0], $0xffff;
	v4 =	vadd.f32 v5, v4;
	v5 =	vmul.f32 v7, v46  }
0x291: {  	v7 =	vld.idx.msk [tilespmem:v8+s22+$0x0], $0xffff;
	v8 =	vor.u32 $0x1B, v2  }
0x292: {  	v53 =	vld.idx.msk [tilespmem:v49+s20+$0x0], $0xffff;
	v4 =	vadd.f32 v5, v4;
	v5 =	vmul.f32 v48, v47  }
0x293: {  	v54 =	vld.idx.msk [tilespmem:v49+s22+$0x0], $0xffff;
	v55 =	vor.u32 $0x1C, v2  }
0x294: {  	v56 =	vld.idx.msk [tilespmem:v51+s20+$0x0], $0xffff;
	v4 =	vadd.f32 v5, v4;
	v5 =	vmul.f32 v6, v50  }
0x295: {  	v57 =	vor.u32 $0x1D, v2;
	v6 =	vld.idx.msk [tilespmem:v51+s22+$0x0], $0xffff  }
0x296: {  	v58 =	vld.idx.msk [tilespmem:v8+s20+$0x0], $0xffff;
	v4 =	vadd.f32 v5, v4;
	v5 =	vmul.f32 v7, v52  }
0x297: {  	v7 =	vld.idx.msk [tilespmem:v8+s22+$0x0], $0xffff;
	v8 =	vor.u32 $0x1E, v2  }
0x298: {  	v59 =	vld.idx.msk [tilespmem:v55+s20+$0x0], $0xffff;
	v4 =	vadd.f32 v5, v4;
	v5 =	vmul.f32 v54, v53  }
0x299: {  	v60 =	vld.idx.msk [tilespmem:v55+s22+$0x0], $0xffff;
	v2 =	vor.u32 $0x1F, v2  }
0x29a: {  	v61 =	vld.idx.msk [tilespmem:v57+s20+$0x0], $0xffff;
	v4 =	vadd.f32 v5, v4;
	v5 =	vmul.f32 v6, v56  }
0x29b: {  	v6 =	vld.idx.msk [tilespmem:v57+s22+$0x0], $0xffff  }
0x29c: {  	v62 =	vld.idx.msk [tilespmem:v8+s20+$0x0], $0xffff;
	v4 =	vadd.f32 v5, v4;
	v5 =	vmul.f32 v7, v58  }
0x29d: {  	v7 =	vld.idx.msk [tilespmem:v8+s22+$0x0], $0xffff  }
0x29e: {  	v63 =	vld.idx.msk [tilespmem:v2+s22+$0x0], $0xffff;
	v4 =	vadd.f32 v5, v4;
	v5 =	vmul.f32 v60, v59  }
0x29f: {  	v8 =	vld.idx.msk [tilespmem:v2+s20+$0x0], $0xffff  }
0x2a0: {  	v2 =	vadd.f32 v5, v4;
	v4 =	vmul.f32 v6, v61;
	_ =	sdelay $0x1  }
0x2a1: {  	s21 =	simm.s32 $0x10;
	v6 =	vmul.f32 v7, v62;
	v5 =	vadd.f32 v4, v2  }
0x2a2: {  	v2 =	vor.u32 s21, v0;
	v4 =	vand.u32 v1, v3  }
0x2a3: {  	s25 =	simm.s32 $0x9800;
	s21 =	simm.s32 $0x20;
	v3 =	vshll.u32 v2, $0x5;
	v5 =	vadd.f32 v6, v5;
	v6 =	vmul.f32 v63, v8  }
.LBB2_4:
0x2a4: {  	p0 =	sne.s32 s21, $0x1F0  }
0x2a5: {  	v7 =	vor.u32 $0x1, v3;
	v5 =	vadd.f32 v6, v5;
	_ =	sdelay $0x1  }
0x2a6: {  	v6 =	vor.u32 $0x2, v3;
	[tilespmem:v4+s17+$0x0] =	vst.idx.msk $0xffff, v5  }
0x2a7: {  	v4 =	vld.idx.msk [tilespmem:v3+s22+$0x0], $0xffff  }
0x2a8: {  	v8 =	vor.u32 $0x3, v3;
	v5 =	vld.idx.msk [tilespmem:v3+s20+$0x0], $0xffff  }
0x2a9: {  	v9 =	vld.idx.msk [tilespmem:v7+s20+$0x0], $0xffff  }
0x2aa: {  	v10 =	vor.u32 $0x4, v3;
	v7 =	vld.idx.msk [tilespmem:v7+s22+$0x0], $0xffff  }
0x2ab: {  	v11 =	vld.idx.msk [tilespmem:v6+s20+$0x0], $0xffff  }
0x2ac: {  	v12 =	vor.u32 $0x5, v3;
	v6 =	vld.idx.msk [tilespmem:v6+s22+$0x0], $0xffff  }
0x2ad: {  	v13 =	vld.idx.msk [tilespmem:v8+s20+$0x0], $0xffff  }
0x2ae: {  	v4 =	vmul.f32 v4, v5;
	v5 =	vld.idx.msk [tilespmem:v8+s22+$0x0], $0xffff;
	v8 =	vor.u32 $0x6, v3  }
0x2af: {  	v14 =	vld.idx.msk [tilespmem:v10+s20+$0x0], $0xffff  }
0x2b0: {  	v4 =	vadd.f32 $0.0e+00, v4;
	v7 =	vmul.f32 v7, v9;
	v9 =	vld.idx.msk [tilespmem:v10+s22+$0x0], $0xffff;
	v10 =	vor.u32 $0x7, v3  }
0x2b1: {  	v15 =	vld.idx.msk [tilespmem:v12+s20+$0x0], $0xffff  }
0x2b2: {  	v4 =	vadd.f32 v7, v4;
	v6 =	vmul.f32 v6, v11;
	v11 =	vor.u32 $0x8, v3;
	v7 =	vld.idx.msk [tilespmem:v12+s22+$0x0], $0xffff  }
0x2b3: {  	v12 =	vld.idx.msk [tilespmem:v8+s20+$0x0], $0xffff  }
0x2b4: {  	v4 =	vadd.f32 v6, v4;
	v5 =	vmul.f32 v5, v13;
	v6 =	vld.idx.msk [tilespmem:v8+s22+$0x0], $0xffff;
	v8 =	vor.u32 $0x9, v3  }
0x2b5: {  	v13 =	vld.idx.msk [tilespmem:v10+s20+$0x0], $0xffff  }
0x2b6: {  	v4 =	vadd.f32 v5, v4;
	v5 =	vmul.f32 v9, v14;
	v9 =	vld.idx.msk [tilespmem:v10+s22+$0x0], $0xffff;
	v10 =	vor.u32 $0xA, v3  }
0x2b7: {  	v14 =	vld.idx.msk [tilespmem:v11+s20+$0x0], $0xffff  }
0x2b8: {  	v4 =	vadd.f32 v5, v4;
	v5 =	vmul.f32 v7, v15;
	v7 =	vld.idx.msk [tilespmem:v11+s22+$0x0], $0xffff;
	v11 =	vor.u32 $0xB, v3  }
0x2b9: {  	v15 =	vld.idx.msk [tilespmem:v8+s20+$0x0], $0xffff  }
0x2ba: {  	v4 =	vadd.f32 v5, v4;
	v5 =	vmul.f32 v6, v12;
	v6 =	vld.idx.msk [tilespmem:v8+s22+$0x0], $0xffff;
	v8 =	vor.u32 $0xC, v3  }
0x2bb: {  	v12 =	vld.idx.msk [tilespmem:v10+s20+$0x0], $0xffff  }
0x2bc: {  	v4 =	vadd.f32 v5, v4;
	v5 =	vmul.f32 v9, v13;
	v9 =	vld.idx.msk [tilespmem:v10+s22+$0x0], $0xffff;
	v10 =	vor.u32 $0xD, v3  }
0x2bd: {  	v13 =	vld.idx.msk [tilespmem:v11+s20+$0x0], $0xffff  }
0x2be: {  	v4 =	vadd.f32 v5, v4;
	v5 =	vmul.f32 v7, v14;
	v7 =	vld.idx.msk [tilespmem:v11+s22+$0x0], $0xffff;
	v11 =	vor.u32 $0xE, v3  }
0x2bf: {  	v14 =	vld.idx.msk [tilespmem:v8+s20+$0x0], $0xffff  }
0x2c0: {  	v4 =	vadd.f32 v5, v4;
	v5 =	vmul.f32 v6, v15;
	v6 =	vld.idx.msk [tilespmem:v8+s22+$0x0], $0xffff;
	v8 =	vor.u32 $0xF, v3  }
0x2c1: {  	v15 =	vld.idx.msk [tilespmem:v10+s20+$0x0], $0xffff  }
0x2c2: {  	v4 =	vadd.f32 v5, v4;
	v5 =	vmul.f32 v9, v12;
	v9 =	vld.idx.msk [tilespmem:v10+s22+$0x0], $0xffff;
	v10 =	vor.u32 $0x10, v3  }
0x2c3: {  	v12 =	vld.idx.msk [tilespmem:v11+s20+$0x0], $0xffff  }
0x2c4: {  	v4 =	vadd.f32 v5, v4;
	v5 =	vmul.f32 v7, v13;
	v7 =	vld.idx.msk [tilespmem:v11+s22+$0x0], $0xffff;
	v11 =	vor.u32 $0x11, v3  }
0x2c5: {  	v13 =	vld.idx.msk [tilespmem:v8+s20+$0x0], $0xffff  }
0x2c6: {  	v4 =	vadd.f32 v5, v4;
	v5 =	vmul.f32 v6, v14;
	v6 =	vld.idx.msk [tilespmem:v8+s22+$0x0], $0xffff;
	v8 =	vor.u32 $0x12, v3  }
0x2c7: {  	v14 =	vld.idx.msk [tilespmem:v10+s20+$0x0], $0xffff  }
0x2c8: {  	v4 =	vadd.f32 v5, v4;
	v5 =	vmul.f32 v9, v15;
	v9 =	vld.idx.msk [tilespmem:v10+s22+$0x0], $0xffff;
	v10 =	vor.u32 $0x13, v3  }
0x2c9: {  	v15 =	vld.idx.msk [tilespmem:v11+s20+$0x0], $0xffff  }
0x2ca: {  	v4 =	vadd.f32 v5, v4;
	v5 =	vmul.f32 v7, v12;
	v7 =	vld.idx.msk [tilespmem:v11+s22+$0x0], $0xffff;
	v11 =	vor.u32 $0x14, v3  }
0x2cb: {  	v12 =	vld.idx.msk [tilespmem:v8+s20+$0x0], $0xffff  }
0x2cc: {  	v4 =	vadd.f32 v5, v4;
	v5 =	vmul.f32 v6, v13;
	v6 =	vld.idx.msk [tilespmem:v8+s22+$0x0], $0xffff;
	v8 =	vor.u32 $0x15, v3  }
0x2cd: {  	v13 =	vld.idx.msk [tilespmem:v10+s20+$0x0], $0xffff  }
0x2ce: {  	v4 =	vadd.f32 v5, v4;
	v5 =	vmul.f32 v9, v14;
	v9 =	vld.idx.msk [tilespmem:v10+s22+$0x0], $0xffff;
	v10 =	vor.u32 $0x16, v3  }
0x2cf: {  	v14 =	vld.idx.msk [tilespmem:v11+s20+$0x0], $0xffff  }
0x2d0: {  	v4 =	vadd.f32 v5, v4;
	v5 =	vmul.f32 v7, v15;
	v7 =	vld.idx.msk [tilespmem:v11+s22+$0x0], $0xffff;
	v11 =	vor.u32 $0x17, v3  }
0x2d1: {  	v15 =	vld.idx.msk [tilespmem:v8+s20+$0x0], $0xffff  }
0x2d2: {  	v4 =	vadd.f32 v5, v4;
	v5 =	vmul.f32 v6, v12;
	v6 =	vld.idx.msk [tilespmem:v8+s22+$0x0], $0xffff;
	v8 =	vor.u32 $0x18, v3  }
0x2d3: {  	v12 =	vld.idx.msk [tilespmem:v10+s20+$0x0], $0xffff  }
0x2d4: {  	v4 =	vadd.f32 v5, v4;
	v5 =	vmul.f32 v9, v13;
	v9 =	vld.idx.msk [tilespmem:v10+s22+$0x0], $0xffff;
	v10 =	vor.u32 $0x19, v3  }
0x2d5: {  	v13 =	vld.idx.msk [tilespmem:v11+s20+$0x0], $0xffff  }
0x2d6: {  	v4 =	vadd.f32 v5, v4;
	v5 =	vmul.f32 v7, v14;
	v7 =	vld.idx.msk [tilespmem:v11+s22+$0x0], $0xffff;
	v11 =	vor.u32 $0x1A, v3  }
0x2d7: {  	v14 =	vld.idx.msk [tilespmem:v8+s20+$0x0], $0xffff  }
0x2d8: {  	v4 =	vadd.f32 v5, v4;
	v5 =	vmul.f32 v6, v15;
	v6 =	vld.idx.msk [tilespmem:v8+s22+$0x0], $0xffff;
	v8 =	vor.u32 $0x1B, v3  }
0x2d9: {  	v15 =	vld.idx.msk [tilespmem:v10+s20+$0x0], $0xffff  }
0x2da: {  	v4 =	vadd.f32 v5, v4;
	v5 =	vmul.f32 v9, v12;
	v9 =	vld.idx.msk [tilespmem:v10+s22+$0x0], $0xffff;
	v10 =	vor.u32 $0x1C, v3  }
0x2db: {  	v12 =	vld.idx.msk [tilespmem:v11+s20+$0x0], $0xffff  }
0x2dc: {  	v4 =	vadd.f32 v5, v4;
	v5 =	vmul.f32 v7, v13;
	v7 =	vld.idx.msk [tilespmem:v11+s22+$0x0], $0xffff;
	v11 =	vor.u32 $0x1D, v3  }
0x2dd: {  	v13 =	vld.idx.msk [tilespmem:v8+s20+$0x0], $0xffff  }
0x2de: {  	v4 =	vadd.f32 v5, v4;
	v5 =	vmul.f32 v6, v14;
	v6 =	vld.idx.msk [tilespmem:v8+s22+$0x0], $0xffff;
	v8 =	vor.u32 $0x1E, v3  }
0x2df: {  	v14 =	vld.idx.msk [tilespmem:v10+s20+$0x0], $0xffff  }
0x2e0: {  	v3 =	vor.u32 $0x1F, v3;
	v4 =	vadd.f32 v5, v4;
	v5 =	vmul.f32 v9, v15;
	v9 =	vld.idx.msk [tilespmem:v10+s22+$0x0], $0xffff  }
0x2e1: {  	v10 =	vld.idx.msk [tilespmem:v11+s20+$0x0], $0xffff  }
0x2e2: {  	v4 =	vadd.f32 v5, v4;
	v5 =	vmul.f32 v7, v12;
	v7 =	vld.idx.msk [tilespmem:v11+s22+$0x0], $0xffff  }
0x2e3: {  	v11 =	vld.idx.msk [tilespmem:v8+s20+$0x0], $0xffff  }
0x2e4: {  	v4 =	vadd.f32 v5, v4;
	v5 =	vmul.f32 v6, v13;
	v6 =	vld.idx.msk [tilespmem:v8+s22+$0x0], $0xffff  }
0x2e5: {  	v8 =	vld.idx.msk [tilespmem:v3+s20+$0x0], $0xffff  }
0x2e6: {  	v4 =	vadd.f32 v5, v4;
	v5 =	vmul.f32 v9, v14;
	v9 =	vld.idx.msk [tilespmem:v3+s22+$0x0], $0xffff;
	_ =	sdelay $0x1  }
.Ltmp1:
0x2e7: {  	v3 =	vadd.f32 v5, v4;
	v4 =	vmul.f32 v7, v10;
	(pc) =	sbr.rel @p0 .LBB2_4-.Ltmp1, $4  }
0x2e8: {  	_ = 	snop  }
0x2e9: {  	v5 =	vadd.f32 v4, v3;
	v6 =	vmul.f32 v6, v11  }
0x2ea: {  	v4 =	vand.u32 v1, v2;
	v2 =	vor.u32 s21, v0  }
0x2eb: {  	s21 =	sadd.s32 $0x10, s21;
	v3 =	vshll.u32 v2, $0x5;
	v5 =	vadd.f32 v6, v5;
	v6 =	vmul.f32 v9, v8  }
0x2ec: {  	_ =	sdelay $0x1  }
0x2ed: {  	v7 =	vor.u32 $0x1, v3;
	v5 =	vadd.f32 v6, v5;
	_ =	sdelay $0x1  }
0x2ee: {  	v49 =	vor.u32 $0x2, v3;
	[tilespmem:v4+s17+$0x0] =	vst.idx.msk $0xffff, v5  }
0x2ef: {  	v4 =	vld.idx.msk [tilespmem:v3+s22+$0x0], $0xffff  }
0x2f0: {  	v8 =	vor.u32 $0x3, v3;
	v5 =	vld.idx.msk [tilespmem:v3+s20+$0x0], $0xffff  }
0x2f1: {  	v9 =	vld.idx.msk [tilespmem:v7+s20+$0x0], $0xffff  }
0x2f2: {  	v10 =	vor.u32 $0x4, v3;
	v7 =	vld.idx.msk [tilespmem:v7+s22+$0x0], $0xffff  }
0x2f3: {  	v11 =	vld.idx.msk [tilespmem:v49+s20+$0x0], $0xffff  }
0x2f4: {  	v12 =	vor.u32 $0x5, v3;
	v6 =	vld.idx.msk [tilespmem:v49+s22+$0x0], $0xffff  }
0x2f5: {  	v13 =	vld.idx.msk [tilespmem:v8+s20+$0x0], $0xffff;
	v4 =	vmul.f32 v4, v5  }
0x2f6: {  	v51 =	vor.u32 $0x6, v3;
	v50 =	vld.idx.msk [tilespmem:v8+s22+$0x0], $0xffff  }
0x2f7: {  	v14 =	vld.idx.msk [tilespmem:v10+s20+$0x0], $0xffff;
	v7 =	vmul.f32 v7, v9;
	v4 =	vadd.f32 $0.0e+00, v4  }
0x2f8: {  	v53 =	vor.u32 $0x7, v3;
	v52 =	vld.idx.msk [tilespmem:v10+s22+$0x0], $0xffff  }
0x2f9: {  	v15 =	vld.idx.msk [tilespmem:v12+s20+$0x0], $0xffff;
	v6 =	vmul.f32 v6, v11;
	v4 =	vadd.f32 v7, v4  }
0x2fa: {  	v55 =	vor.u32 $0x8, v3;
	v54 =	vld.idx.msk [tilespmem:v12+s22+$0x0], $0xffff  }
0x2fb: {  	v56 =	vld.idx.msk [tilespmem:v51+s20+$0x0], $0xffff;
	v5 =	vmul.f32 v50, v13;
	v4 =	vadd.f32 v6, v4  }
0x2fc: {  	v58 =	vor.u32 $0x9, v3;
	v57 =	vld.idx.msk [tilespmem:v51+s22+$0x0], $0xffff  }
0x2fd: {  	v59 =	vld.idx.msk [tilespmem:v53+s20+$0x0], $0xffff;
	v60 =	vmul.f32 v52, v14;
	v4 =	vadd.f32 v5, v4  }
0x2fe: {  	v62 =	vor.u32 $0xA, v3;
	v61 =	vld.idx.msk [tilespmem:v53+s22+$0x0], $0xffff  }
0x2ff: {  	v63 =	vld.idx.msk [tilespmem:v55+s20+$0x0], $0xffff;
	v18 =	vmul.f32 v54, v15;
	v4 =	vadd.f32 v60, v4  }
0x300: {  	v20 =	vor.u32 $0xB, v3;
	v19 =	vld.idx.msk [tilespmem:v55+s22+$0x0], $0xffff  }
0x301: {  	v21 =	vld.idx.msk [tilespmem:v58+s20+$0x0], $0xffff;
	v22 =	vmul.f32 v57, v56;
	v4 =	vadd.f32 v18, v4  }
0x302: {  	v24 =	vor.u32 $0xC, v3;
	v23 =	vld.idx.msk [tilespmem:v58+s22+$0x0], $0xffff  }
0x303: {  	v25 =	vld.idx.msk [tilespmem:v62+s20+$0x0], $0xffff;
	v26 =	vmul.f32 v61, v59;
	v4 =	vadd.f32 v22, v4  }
0x304: {  	v28 =	vor.u32 $0xD, v3;
	v27 =	vld.idx.msk [tilespmem:v62+s22+$0x0], $0xffff  }
0x305: {  	v29 =	vld.idx.msk [tilespmem:v20+s20+$0x0], $0xffff;
	v30 =	vmul.f32 v19, v63;
	v4 =	vadd.f32 v26, v4  }
0x306: {  	v32 =	vor.u32 $0xE, v3;
	v31 =	vld.idx.msk [tilespmem:v20+s22+$0x0], $0xffff  }
0x307: {  	v33 =	vld.idx.msk [tilespmem:v24+s20+$0x0], $0xffff;
	v34 =	vmul.f32 v23, v21;
	v4 =	vadd.f32 v30, v4  }
0x308: {  	v36 =	vor.u32 $0xF, v3;
	v35 =	vld.idx.msk [tilespmem:v24+s22+$0x0], $0xffff  }
0x309: {  	v37 =	vld.idx.msk [tilespmem:v28+s20+$0x0], $0xffff;
	v38 =	vmul.f32 v27, v25;
	v4 =	vadd.f32 v34, v4  }
0x30a: {  	v40 =	vor.u32 $0x10, v3;
	v39 =	vld.idx.msk [tilespmem:v28+s22+$0x0], $0xffff  }
0x30b: {  	v41 =	vld.idx.msk [tilespmem:v32+s20+$0x0], $0xffff;
	v42 =	vmul.f32 v31, v29;
	v4 =	vadd.f32 v38, v4  }
0x30c: {  	v44 =	vor.u32 $0x11, v3;
	v43 =	vld.idx.msk [tilespmem:v32+s22+$0x0], $0xffff  }
0x30d: {  	v45 =	vld.idx.msk [tilespmem:v36+s20+$0x0], $0xffff;
	v46 =	vmul.f32 v35, v33;
	v4 =	vadd.f32 v42, v4  }
0x30e: {  	v48 =	vor.u32 $0x12, v3;
	v47 =	vld.idx.msk [tilespmem:v36+s22+$0x0], $0xffff  }
0x30f: {  	v49 =	vld.idx.msk [tilespmem:v40+s20+$0x0], $0xffff;
	v50 =	vmul.f32 v39, v37;
	v4 =	vadd.f32 v46, v4  }
0x310: {  	v51 =	vld.idx.msk [tilespmem:v40+s22+$0x0], $0xffff;
	v52 =	vor.u32 $0x13, v3  }
0x311: {  	v53 =	vld.idx.msk [tilespmem:v44+s20+$0x0], $0xffff;
	v54 =	vmul.f32 v43, v41;
	v4 =	vadd.f32 v50, v4  }
0x312: {  	v55 =	vld.idx.msk [tilespmem:v44+s22+$0x0], $0xffff;
	v56 =	vor.u32 $0x14, v3  }
0x313: {  	v57 =	vld.idx.msk [tilespmem:v48+s20+$0x0], $0xffff;
	v58 =	vmul.f32 v47, v45;
	v4 =	vadd.f32 v54, v4  }
0x314: {  	v59 =	vld.idx.msk [tilespmem:v48+s22+$0x0], $0xffff;
	v60 =	vor.u32 $0x15, v3  }
0x315: {  	v62 =	vmul.f32 v51, v49;
	v61 =	vld.idx.msk [tilespmem:v52+s20+$0x0], $0xffff;
	v4 =	vadd.f32 v58, v4  }
0x316: {  	v63 =	vld.idx.msk [tilespmem:v52+s22+$0x0], $0xffff;
	v18 =	vor.u32 $0x16, v3  }
0x317: {  	v20 =	vmul.f32 v55, v53;
	v19 =	vld.idx.msk [tilespmem:v56+s20+$0x0], $0xffff;
	v4 =	vadd.f32 v62, v4  }
0x318: {  	v21 =	vld.idx.msk [tilespmem:v56+s22+$0x0], $0xffff;
	v22 =	vor.u32 $0x17, v3  }
0x319: {  	v24 =	vmul.f32 v59, v57;
	v23 =	vld.idx.msk [tilespmem:v60+s20+$0x0], $0xffff;
	v4 =	vadd.f32 v20, v4  }
0x31a: {  	v25 =	vld.idx.msk [tilespmem:v60+s22+$0x0], $0xffff;
	v26 =	vor.u32 $0x18, v3  }
0x31b: {  	v28 =	vmul.f32 v63, v61;
	v27 =	vld.idx.msk [tilespmem:v18+s20+$0x0], $0xffff;
	v4 =	vadd.f32 v24, v4  }
0x31c: {  	v29 =	vld.idx.msk [tilespmem:v18+s22+$0x0], $0xffff;
	v30 =	vor.u32 $0x19, v3  }
0x31d: {  	v32 =	vmul.f32 v21, v19;
	v31 =	vld.idx.msk [tilespmem:v22+s20+$0x0], $0xffff;
	v4 =	vadd.f32 v28, v4  }
0x31e: {  	v33 =	vld.idx.msk [tilespmem:v22+s22+$0x0], $0xffff;
	v34 =	vor.u32 $0x1A, v3  }
0x31f: {  	v36 =	vmul.f32 v25, v23;
	v35 =	vld.idx.msk [tilespmem:v26+s20+$0x0], $0xffff;
	v4 =	vadd.f32 v32, v4  }
0x320: {  	v37 =	vld.idx.msk [tilespmem:v26+s22+$0x0], $0xffff;
	v38 =	vor.u32 $0x1B, v3  }
0x321: {  	v40 =	vmul.f32 v29, v27;
	v39 =	vld.idx.msk [tilespmem:v30+s20+$0x0], $0xffff;
	v4 =	vadd.f32 v36, v4  }
0x322: {  	v41 =	vld.idx.msk [tilespmem:v30+s22+$0x0], $0xffff;
	v42 =	vor.u32 $0x1C, v3  }
0x323: {  	v44 =	vmul.f32 v33, v31;
	v43 =	vld.idx.msk [tilespmem:v34+s20+$0x0], $0xffff;
	v4 =	vadd.f32 v40, v4  }
0x324: {  	v45 =	vld.idx.msk [tilespmem:v34+s22+$0x0], $0xffff;
	v46 =	vor.u32 $0x1D, v3  }
0x325: {  	v48 =	vmul.f32 v37, v35;
	v47 =	vld.idx.msk [tilespmem:v38+s20+$0x0], $0xffff;
	v4 =	vadd.f32 v44, v4  }
0x326: {  	v49 =	vld.idx.msk [tilespmem:v38+s22+$0x0], $0xffff;
	v50 =	vor.u32 $0x1E, v3  }
0x327: {  	v52 =	vmul.f32 v41, v39;
	v51 =	vld.idx.msk [tilespmem:v42+s20+$0x0], $0xffff;
	v4 =	vadd.f32 v48, v4  }
0x328: {  	v3 =	vor.u32 $0x1F, v3;
	v53 =	vld.idx.msk [tilespmem:v42+s22+$0x0], $0xffff  }
0x329: {  	v55 =	vmul.f32 v45, v43;
	v54 =	vld.idx.msk [tilespmem:v46+s20+$0x0], $0xffff;
	v4 =	vadd.f32 v52, v4  }
0x32a: {  	v56 =	vld.idx.msk [tilespmem:v46+s22+$0x0], $0xffff  }
0x32b: {  	v58 =	vmul.f32 v49, v47;
	v57 =	vld.idx.msk [tilespmem:v50+s20+$0x0], $0xffff;
	v4 =	vadd.f32 v55, v4  }
0x32c: {  	v59 =	vld.idx.msk [tilespmem:v50+s22+$0x0], $0xffff  }
0x32d: {  	v60 =	vld.idx.msk [tilespmem:v3+s20+$0x0], $0xffff;
	v61 =	vmul.f32 v53, v51;
	v4 =	vadd.f32 v58, v4  }
0x32e: {  	v3 =	vld.idx.msk [tilespmem:v3+s22+$0x0], $0xffff  }
0x32f: {  	v62 =	vmul.f32 v56, v54;
	v4 =	vadd.f32 v61, v4;
	_ =	sdelay $0x1  }
0x330: {  	v63 =	vmul.f32 v59, v57;
	v4 =	vadd.f32 v62, v4  }
0x331: {  	v2 =	vand.u32 v1, v2  }
0x332: {  	v3 =	vmul.f32 v3, v60;
	v4 =	vadd.f32 v63, v4;
	_ =	sdelay $0x1  }
0x333: {  	s19 =	sadd.s32 $0x1, s19;
	v3 =	vadd.f32 v3, v4  }
0x334: {  	p0 =	sne.s32 s19, s13  }
.Ltmp2:
0x335: {  	[tilespmem:v2+s17+$0x0] =	vst.idx.msk $0xffff, v3;
	(pc) =	sbr.rel @p0 .LBB2_1-.Ltmp2, $4  }
0x336: {  	[hbm4b:s12+s4] =	stream.linear.scatter [tilespmem:s17], [sflag:$0x2], $0x200, $0x38;
	[tilespmem:$0x10A00] =	vst v63  }
0x337: {  	_ =	swait.ge [sflag:s14], $0x200  }
0x338: {  	[sflag:s14] =	ssyncset.done $0x0  }
0x339: {  	[sflag:s14] =	ssyncadd.s32 $0xFFFFFE00  }
0x33a: {  	_ =	sfence.sel $0x180000  }
0x33b: {  	[bflag:$0x0] =	sbarrier.arrive $0xFFFF  }
0x33c: {  	_ =	strace $0x90000047  }
0x33d: {  	s0 =	stileid.u32;
	[bflag:$0x2] =	sbarrier.arrive $0xFFFF  }
0x33e: {  	p0 =	sne.s32 s0, $0x0;
	s0 =	rddreg [dreg:$0x9]  }
0x33f: {  	s0 =	sadd.s32 @!p0 $0x100000, s0  }
0x340: {  	[sflag:s0] =	ssyncadd.tile.s32 @!p0 $0x1;
	_ =	shalt  }
.Lfunc_end2:
_tile_overlayer_lowered:
.L_overlay_start_2:
0x341: {  	(tag) =	ssettag $0x2  }
0x342: {  	s0 =	rddreg [dreg:$0x0];
	s2 =	stileid.u32  }
0x343: {  	s1 =	rddreg [dreg:$0x1];
	p0 =	sne.s32 s2, $0x0  }
0x344: {  	s3 =	rddreg [dreg:$0x2];
	[bflag:$0x3] =	sbarrier.arrive $0xFFFF;
	s2 =	simm.s32 @!p0 $0x1C02  }
0x345: {  	[timem:s3], [sflag:s2] =	dma.local @!p0 [hbm:s0], s1  }
0x346: {  	s0 =	simm.s32 @!p0 $0x2  }
0x347: {  	_ =	swait.ge @!p0 [sflag:s0], s1  }
0x348: {  	s1 =	ssub.s32 @!p0 $0x0, s1;
	[sflag:s0] =	ssyncset.done @!p0 $0x0  }
0x349: {  	[sflag:s0] =	ssyncadd.s32 @!p0 s1  }
0x34a: {  	[bflag:$0x3] =	sbarrier.arrive $0xFFFF  }
0x34b: {  	_ =	shalt  }

</sc_bundles>
